<compile_context>
chip_gen: v7x
topology: tpu7x:2x2x1
jax: 0.10.2.dev20260603
libtpu: 0.0.44.dev20260713+nightly
codegen_flags: <defaults>
</compile_context>

<pallas_src>
import functools

import jax
import jax.numpy as jnp
import numpy as np
from jax import lax
from jax.experimental import pallas as pl
from jax.experimental.pallas import tpu as pltpu
from jax.experimental.pallas import tpu_sc as plsc

H = 128
E_DIM = 16
B = 4
N = 256
K = 64
EPS = 1e-8

_RBF_SIGMA = 1.25
_RBF_STEP = 20.0 / 15.0


def _ln(x, g, b):
    mu = jnp.mean(x, axis=-1, keepdims=True)
    var = jnp.mean((x - mu) ** 2, axis=-1, keepdims=True)
    return (x - mu) * jax.lax.rsqrt(var + 1e-5) * g + b


def _rbf3(d):
    mu = lax.broadcasted_iota(jnp.int32, (1, 1, E_DIM), 2).astype(jnp.float32) * _RBF_STEP
    z = (d[..., None] * 0.1 - mu) * (1.0 / _RBF_SIGMA)
    return jnp.exp(-(z * z))


_PRE_WNAMES = ['s1_W', 's1_b', 's2_W', 's2_b', 'wn']

_ATT_WNAMES = []
for _m in ['n2a', 'a2a0', 'a2a1']:
    _ATT_WNAMES += [_m + s for s in ['_Wvf', '_Wve', '_bv', '_ln1g', '_ln1b',
                                     '_m1W', '_m1b', '_m2W', '_m2b', '_m3W',
                                     '_m3b', '_ln2g', '_ln2b']]

_K2_WNAMES = ['Wnf', 'Waf', 'We', 'b1a', 'm1bW', 'm1bb', 'm1cW', 'm1cb',
              'ln1g', 'ln1b', 'm2aW', 'm2ab', 'm2bW', 'm2bb', 'm2cW', 'm2cb',
              'ln2g', 'ln2b']


def _attn_block(af, upd, w, m):
    af = _ln(af + upd, w[m + '_ln1g'], w[m + '_ln1b'])
    t = jnp.maximum(af @ w[m + '_m1W'] + w[m + '_m1b'], 0.0)
    t = jnp.maximum(t @ w[m + '_m2W'] + w[m + '_m2b'], 0.0)
    t = t @ w[m + '_m3W'] + w[m + '_m3b']
    return _ln(af + t, w[m + '_ln2g'], w[m + '_ln2b'])



def _pre_body(*refs):
    nf_ref, mask_ref = refs[0], refs[1]
    wrefs = refs[2:2 + len(_PRE_WNAMES)]
    score_ref = refs[2 + len(_PRE_WNAMES)]
    w = {nm: r[...] for nm, r in zip(_PRE_WNAMES, wrefs)}

    nf = nf_ref[0]
    maskv = mask_ref[0]

    xm = nf * maskv
    sv = jnp.maximum(xm @ w['s1_W'] + w['s1_b'], 0.0)
    sv = jnp.maximum(sv @ w['s2_W'] + w['s2_b'], 0.0)
    score_ref[0] = jnp.tanh(lax.dot_general(w['wn'], sv, (((1,), (1,)), ((), ()))))



def _take16(v, lane):
    idx = jnp.full((16, 1), lane, jnp.int32)
    dn = lax.GatherDimensionNumbers(offset_dims=(), collapsed_slice_dims=(0,),
                                    start_index_map=(0,))
    return lax.gather(v, idx, dn, (1,),
                      mode=lax.GatherScatterMode.PROMISE_IN_BOUNDS)


def _sc_body(score_hbm, rank_hbm, score_v, rank2_v):
    c = lax.axis_index("c")
    s = lax.axis_index("s")
    gl = s // 8
    sub = s % 8
    b = c * 2 + gl

    pltpu.sync_copy(score_hbm.at[b], score_v)
    iota16 = lax.broadcasted_iota(jnp.int32, (16,), 0)
    one16 = jnp.full((16,), 1, jnp.int32)
    zero16 = jnp.full((16,), 0, jnp.int32)

    for half in range(2):
        nb = 2 * sub + half
        base = nb * 16
        s_mine = score_v[pl.ds(base, 16)]
        n_idx = iota16 + base

        def body(jb, cnt, s_mine=s_mine, n_idx=n_idx):
            sjb = score_v[pl.ds(jb * 16, 16)]
            for lane in range(16):
                sj = _take16(sjb, lane)
                jgv = jnp.broadcast_to(jb * 16 + lane, (16,))
                gt = jnp.where(sj > s_mine, one16, zero16)
                eq = jnp.where(sj == s_mine, one16, zero16)
                lo = jnp.where(jgv < n_idx, one16, zero16)
                cnt = cnt + gt + eq * lo
            return cnt

        cnt = lax.fori_loop(0, 16, body, jnp.zeros((16,), jnp.int32))
        rank2_v[pl.ds(half * 16, 16)] = cnt

    pltpu.sync_copy(rank2_v, rank_hbm.at[pl.ds(b * N + sub * 32, 32)])



def _post_body(*refs):
    x_ref, nf_ref, mask_ref, rank_ref = refs[:4]
    nw = len(_PRE_WNAMES) + len(_ATT_WNAMES) + len(_K2_WNAMES)
    wrefs = refs[4:4 + nw]
    out_ref = refs[4 + nw]
    w = {nm: r[...] for nm, r in
         zip(_PRE_WNAMES + _ATT_WNAMES + _K2_WNAMES, wrefs)}

    x = x_ref[0]
    nf = nf_ref[0]
    maskv = mask_ref[0]
    rank = rank_ref[0]

    xm = nf * maskv
    sv = jnp.maximum(xm @ w['s1_W'] + w['s1_b'], 0.0)
    sv = jnp.maximum(sv @ w['s2_W'] + w['s2_b'], 0.0)
    s_col = jnp.tanh(jnp.sum(sv * w['wn'], axis=1, keepdims=True))
    gated = sv * s_col


    G = lax.dot_general(x, x, (((1,), (1,)), ((), ())))
    sq = x * x
    sa_col = jnp.sum(sq, axis=1, keepdims=True)
    ones13 = jnp.ones((1, 3), jnp.float32)
    sa_row = lax.dot_general(ones13, sq, (((1,), (1,)), ((), ())))
    D2 = sa_col + sa_row - 2.0 * G
    D_full = jnp.sqrt(jnp.maximum(D2, 0.0))

    k_iota = lax.broadcasted_iota(jnp.int32, (K, N), 0)
    P = (k_iota == rank).astype(jnp.float32)

    af = P @ gated
    D_an = P @ D_full
    D_na = lax.dot_general(D_full, P, (((1,), (1,)), ((), ())))
    D_aa = lax.dot_general(D_an, P, (((1,), (1,)), ((), ())))

    mean_nf = jnp.mean(nf, axis=0, keepdims=True)
    e_an = jnp.mean(_rbf3(D_an), axis=1)
    upd = mean_nf @ w['n2a_Wvf'] + e_an @ w['n2a_Wve'] + w['n2a_bv']
    af = _attn_block(af, upd, w, 'n2a')

    e_aa = jnp.mean(_rbf3(D_aa), axis=1)
    for m in ['a2a0', 'a2a1']:
        mean_af = jnp.mean(af, axis=0, keepdims=True)
        upd = mean_af @ w[m + '_Wvf'] + e_aa @ w[m + '_Wve'] + w[m + '_bv']
        af = _attn_block(af, upd, w, m)

    hn = nf @ w['Wnf'] + w['b1a']
    ha = af @ w['Waf']
    ef = _rbf3(D_na).reshape(N * K, E_DIM)
    he = ef @ w['We']
    h = he + jnp.broadcast_to(hn[:, None, :], (N, K, 2 * H)).reshape(N * K, 2 * H)
    h = h + jnp.broadcast_to(ha[None, :, :], (N, K, 2 * H)).reshape(N * K, 2 * H)
    h = jnp.maximum(h, 0.0)
    h = jnp.maximum(h @ w['m1bW'] + w['m1bb'], 0.0)
    hmean = jnp.mean(h.reshape(N, K, 2 * H), axis=1)
    msg = hmean @ w['m1cW'] + w['m1cb']

    nfo = _ln(nf + msg * maskv, w['ln1g'], w['ln1b'])
    t = jnp.maximum(nfo @ w['m2aW'] + w['m2ab'], 0.0)
    t = jnp.maximum(t @ w['m2bW'] + w['m2bb'], 0.0)
    t = t @ w['m2cW'] + w['m2cb']
    out_ref[0] = _ln(nfo + t * maskv, w['ln2g'], w['ln2b'])


def _row(v):
    return v.reshape(1, -1)


@functools.partial(jax.jit, static_argnames=())
def kernel(node_x, node_features, edge_index, batch, node_mask, params):
    p = params
    wn = p['topk_w'] / (jnp.linalg.norm(p['topk_w']) + 1e-16)

    wpre = {'s1_W': p['s1_W'], 's1_b': _row(p['s1_b']),
            's2_W': p['s2_W'], 's2_b': _row(p['s2_b']), 'wn': _row(wn)}
    wpre_list = [wpre[nm] for nm in _PRE_WNAMES]

    w1 = {}
    for m in ['n2a', 'a2a0', 'a2a1']:
        kvW, kvb = p[m + '_kv_W'], p[m + '_kv_b']
        w1[m + '_Wvf'] = kvW[:H, H:]
        w1[m + '_Wve'] = kvW[H:, H:]
        w1[m + '_bv'] = _row(kvb[H:])
        w1[m + '_ln1g'] = _row(p[m + '_ln1_g'])
        w1[m + '_ln1b'] = _row(p[m + '_ln1_b'])
        w1[m + '_m1W'] = p[m + '_m1_W']
        w1[m + '_m1b'] = _row(p[m + '_m1_b'])
        w1[m + '_m2W'] = p[m + '_m2_W']
        w1[m + '_m2b'] = _row(p[m + '_m2_b'])
        w1[m + '_m3W'] = p[m + '_m3_W']
        w1[m + '_m3b'] = _row(p[m + '_m3_b'])
        w1[m + '_ln2g'] = _row(p[m + '_ln2_g'])
        w1[m + '_ln2b'] = _row(p[m + '_ln2_b'])
    w1_list = [w1[nm] for nm in _ATT_WNAMES]

    m1aW = p['a2n_m1a_W']
    w2 = {'Wnf': m1aW[:H], 'Waf': m1aW[H:2 * H],
          'We': m1aW[2 * H:],
          'b1a': _row(p['a2n_m1a_b']),
          'm1bW': p['a2n_m1b_W'], 'm1bb': _row(p['a2n_m1b_b']),
          'm1cW': p['a2n_m1c_W'], 'm1cb': _row(p['a2n_m1c_b']),
          'ln1g': _row(p['a2n_ln1_g']), 'ln1b': _row(p['a2n_ln1_b']),
          'm2aW': p['a2n_m2a_W'], 'm2ab': _row(p['a2n_m2a_b']),
          'm2bW': p['a2n_m2b_W'], 'm2bb': _row(p['a2n_m2b_b']),
          'm2cW': p['a2n_m2c_W'], 'm2cb': _row(p['a2n_m2c_b']),
          'ln2g': _row(p['a2n_ln2_g']), 'ln2b': _row(p['a2n_ln2_b'])}
    w2_list = [w2[nm] for nm in _K2_WNAMES]

    x_b = node_x.reshape(B, N, 3)
    nf_b = node_features.reshape(B, N, H)
    mask_b = node_mask.reshape(B, N, 1)

    def wspec(a):
        nd = a.ndim
        return pl.BlockSpec(a.shape, lambda *_: (0,) * nd)

    score = pl.pallas_call(
        _pre_body,
        grid=(B,),
        in_specs=[
            pl.BlockSpec((1, N, H), lambda b: (b, 0, 0)),
            pl.BlockSpec((1, N, 1), lambda b: (b, 0, 0)),
        ] + [wspec(a) for a in wpre_list],
        out_specs=pl.BlockSpec((1, 1, N), lambda b: (b, 0, 0)),
        out_shape=jax.ShapeDtypeStruct((B, 1, N), jnp.float32),
    )(nf_b, mask_b, *wpre_list)

    sc_fn = pl.kernel(
        _sc_body,
        out_type=[jax.ShapeDtypeStruct((B * N,), jnp.int32)],
        mesh=plsc.VectorSubcoreMesh(core_axis_name="c", subcore_axis_name="s"),
        scratch_types=[
            pltpu.VMEM((N,), jnp.float32),
            pltpu.VMEM((32,), jnp.int32),
        ],
    )
    rank, = sc_fn(score.reshape(B, N))

    out = pl.pallas_call(
        _post_body,
        grid=(B,),
        in_specs=[
            pl.BlockSpec((1, N, 3), lambda b: (b, 0, 0)),
            pl.BlockSpec((1, N, H), lambda b: (b, 0, 0)),
            pl.BlockSpec((1, N, 1), lambda b: (b, 0, 0)),
            pl.BlockSpec((1, 1, N), lambda b: (b, 0, 0)),
        ] + [wspec(a) for a in wpre_list + w1_list + w2_list],
        out_specs=pl.BlockSpec((1, N, H), lambda b: (b, 0, 0)),
        out_shape=jax.ShapeDtypeStruct((B, N, H), jnp.float32),
    )(x_b, nf_b, mask_b, rank.reshape(B, 1, N),
      *wpre_list, *w1_list, *w2_list)

    out_nf = out.reshape(B * N, H)
    return out_nf, jnp.zeros((B,), jnp.float32), jnp.zeros((B,), jnp.float32)

# --- scband reference (transcript-rebuilt; emitter-appended) ---
"""Pipeline reference for scband-anchor-update-56023553409077 (READ-ONLY COPY).

The authoritative reference and input builder live on the scoring server;
editing this copy changes nothing except your own understanding.
"""

import jax, jax.numpy as jnp
import numpy as np

H = 128
E_DIM = 16
B = 4
N = 256
RATIO = 0.25
K = int(np.ceil(RATIO * N))
INF = 1000000.0
EPS = 1e-8


def _init_params(key):
    params = {}
    keys = jax.random.split(key, 40)
    ctr = [0]

    def nk():
        k = keys[ctr[0]]
        ctr[0] += 1
        return k

    def lin(fan_in, fan_out, name):
        params[name + '_W'] = jax.random.normal(nk(), (fan_in, fan_out), jnp.float32) * 0.02
        params[name + '_b'] = jnp.zeros((fan_out,), jnp.float32)

    lin(H, H, 's1')
    lin(H, H, 's2')
    params['topk_w'] = jax.random.normal(nk(), (H,), jnp.float32) * 0.1
    for m in ['n2a', 'a2a0', 'a2a1']:
        lin(H, H, m + '_q')
        lin(H + E_DIM, 2 * H, m + '_kv')
        params[m + '_ln1_g'] = jnp.ones((H,), jnp.float32)
        params[m + '_ln1_b'] = jnp.zeros((H,), jnp.float32)
        lin(H, 2 * H, m + '_m1')
        lin(2 * H, 2 * H, m + '_m2')
        lin(2 * H, H, m + '_m3')
        params[m + '_ln2_g'] = jnp.ones((H,), jnp.float32)
        params[m + '_ln2_b'] = jnp.zeros((H,), jnp.float32)
    lin(2 * H + E_DIM, 2 * H, 'a2n_m1a')
    lin(2 * H, 2 * H, 'a2n_m1b')
    lin(2 * H, H, 'a2n_m1c')
    params['a2n_ln1_g'] = jnp.ones((H,), jnp.float32)
    params['a2n_ln1_b'] = jnp.zeros((H,), jnp.float32)
    lin(H, 2 * H, 'a2n_m2a')
    lin(2 * H, 2 * H, 'a2n_m2b')
    lin(2 * H, H, 'a2n_m2c')
    params['a2n_ln2_g'] = jnp.ones((H,), jnp.float32)
    params['a2n_ln2_b'] = jnp.zeros((H,), jnp.float32)
    return params


def setup_inputs(seed: int = 0):
    key = jax.random.key(seed)
    ks = jax.random.split(key, 6)
    node_x = jax.random.normal(ks[0], (B * N, 3), jnp.float32) * 3.0
    node_features = jax.random.normal(ks[1], (B * N, H), jnp.float32)
    edge_index = jax.random.randint(ks[2], (2, 8192), 0, B * N, jnp.int32)
    batch = jnp.repeat(jnp.arange(B, dtype=jnp.int32), N)
    node_mask = jnp.ones((B * N,), jnp.float32)
    params = _init_params(ks[3])
    return {'node_x': node_x, 'node_features': node_features, 'edge_index': edge_index, 'batch': batch, 'node_mask': node_mask, 'params': params}


def _ln(x, g, b):
    mu = jnp.mean(x, axis=-1, keepdims=True)
    var = jnp.mean((x - mu) ** 2, axis=-1, keepdims=True)
    return (x - mu) / jnp.sqrt(var + 1e-5) * g + b


def _rbf(D, D_count=E_DIM, D_min=0.0, D_max=20.0):
    mu = jnp.linspace(D_min, D_max, D_count)
    sigma = (D_max - D_min) / D_count
    return jnp.exp(-(((D[..., None] - mu) / sigma) ** 2))


def _mlp(x, p, names):
    for j, nm in enumerate(names):
        x = x @ p[nm + '_W'] + p[nm + '_b']
        if j < len(names) - 1:
            x = jax.nn.relu(x)
    return x


def _attn_update(p, m, q_x, kv_x, q_feat, kv_feat, kv_mask):
    nb, nq = q_feat.shape[0], q_feat.shape[1]
    nkv = kv_feat.shape[1]
    q = q_feat @ p[m + '_q_W'] + p[m + '_q_b']
    dist = jnp.linalg.norm(q_x[:, :, None, :] - kv_x[:, None, :, :] + EPS, axis=-1)
    edge = _rbf(dist / 10.0)
    kv_in = jnp.concatenate([jnp.broadcast_to(kv_feat[:, None, :, :], (nb, nq, nkv, H)), edge], axis=-1)
    kv = kv_in @ p[m + '_kv_W'] + p[m + '_kv_b']
    k_, v_ = kv[..., :H], kv[..., H:]
    attn = jnp.einsum('bqh,bqnh->bqn', q, k_)
    attn = attn * ((kv_mask[:, None, :] - 1.0) * INF)
    attn = jax.nn.softmax(attn, axis=-1)
    upd = jnp.einsum('bqn,bqnh->bqh', attn, v_)
    out = _ln(q_feat + upd, p[m + '_ln1_g'], p[m + '_ln1_b'])
    out = _ln(out + _mlp(out, p, [m + '_m1', m + '_m2', m + '_m3']), p[m + '_ln2_g'], p[m + '_ln2_b'])
    return out


def _forward(node_x, node_features, node_mask, p):
    x = node_features * node_mask[:, None]
    sv = jax.nn.relu(x @ p['s1_W'] + p['s1_b'])
    sv = jax.nn.relu(sv @ p['s2_W'] + p['s2_b'])
    score = jnp.tanh((sv @ p['topk_w']) / (jnp.linalg.norm(p['topk_w']) + 1e-16))
    vals, idx = jax.lax.top_k(score.reshape(B, N), K)
    perm = (idx + (jnp.arange(B) * N)[:, None]).reshape(-1)
    anchor_x = node_x[perm].reshape(B, K, 3)
    anchor_feat = (sv[perm] * vals.reshape(-1, 1)).reshape(B, K, H)
    node_x_b = node_x.reshape(B, N, 3)
    node_feat_b = node_features.reshape(B, N, H)
    mask_b = node_mask.reshape(B, N)
    anchor_mask = jnp.ones((B, K), jnp.float32)
    af = _attn_update(p, 'n2a', anchor_x, node_x_b, anchor_feat, node_feat_b, mask_b)
    af = _attn_update(p, 'a2a0', anchor_x, anchor_x, af, af, anchor_mask)
    af = _attn_update(p, 'a2a1', anchor_x, anchor_x, af, af, anchor_mask)
    dist = jnp.linalg.norm(node_x_b[:, :, None, :] - anchor_x[:, None, :, :] + EPS, axis=-1)
    edge = _rbf(dist / 10.0)
    upd_in = jnp.concatenate([jnp.broadcast_to(node_feat_b[:, :, None, :], (B, N, K, H)), jnp.broadcast_to(af[:, None, :, :], (B, N, K, H)), edge], axis=-1)
    msg = _mlp(upd_in, p, ['a2n_m1a', 'a2n_m1b', 'a2n_m1c'])
    node_update = jnp.mean(msg, axis=2)
    nf = _ln(node_feat_b + node_update * mask_b[..., None], p['a2n_ln1_g'], p['a2n_ln1_b'])
    nf = _ln(nf + _mlp(nf, p, ['a2n_m2a', 'a2n_m2b', 'a2n_m2c']) * mask_b[..., None], p['a2n_ln2_g'], p['a2n_ln2_b'])
    return nf.reshape(B * N, H)


def reference(node_x, node_features, edge_index, batch, node_mask, params):
    out_nf = _forward(node_x, node_features, node_mask, params)
    return out_nf, jnp.zeros((B,), jnp.float32), jnp.zeros((B,), jnp.float32)

if __name__ == "__main__":
    import jax
    _d = setup_inputs()
    print(jax.jit(kernel)(*tuple(_d.values())))

</pallas_src>

<mosaic_0001>
#map = affine_map<(d0, d1) -> (0, 0)>
#map1 = affine_map<(d0, d1) -> (0)>
module attributes {stable_mosaic.version = 14 : i64} {
  func.func @_sc_body(%arg0: i32, %arg1: i32, %arg2: memref<4x256xf32, #tpu.memory_space<hbm>>, %arg3: memref<1024xi32, #tpu.memory_space<hbm>>, %arg4: memref<256xf32, #tpu.memory_space<vmem>>, %arg5: memref<32xi32, #tpu.memory_space<vmem>>) attributes {dimension_semantics = [#tpu.dimension_semantics<core_parallel>, #tpu.dimension_semantics<subcore_parallel>], iteration_bounds = array<i64: 2, 16>, scalar_prefetch = 0 : i64, scratch_operands = 2 : i64, tpu.core_type = #tpu.core_type<sc_vector_subcore>, window_params = [{transform_indices = #map}, {transform_indices = #map1}]} {
    %jit3A = arith.constant 8 : i32
    %div3A = arith.divsi %arg1, %jit3A : i32
    %sign3A = arith.constant 0 : i32
    %sign3A_0 = arith.cmpi sgt, %arg1, %sign3A : i32
    %sign3A_1 = arith.extui %sign3A_0 : i1 to i32
    %sign3A_2 = arith.constant 0 : i32
    %sign3A_3 = arith.cmpi slt, %arg1, %sign3A_2 : i32
    %sign3A_4 = arith.extui %sign3A_3 : i1 to i32
    %sign3A_5 = arith.subi %sign3A_1, %sign3A_4 : i32
    %sign3A_6 = arith.constant 0 : i32
    %sign3A_7 = arith.cmpi sgt, %jit3A, %sign3A_6 : i32
    %sign3A_8 = arith.extui %sign3A_7 : i1 to i32
    %sign3A_9 = arith.constant 0 : i32
    %sign3A_10 = arith.cmpi slt, %jit3A, %sign3A_9 : i32
    %sign3A_11 = arith.extui %sign3A_10 : i1 to i32
    %sign3A_12 = arith.subi %sign3A_8, %sign3A_11 : i32
    %ne3A = arith.cmpi ne, %sign3A_5, %sign3A_12 : i32
    %rem3A = arith.remsi %arg1, %jit3A : i32
    %ne3A_13 = arith.constant 0 : i32
    %ne3A_14 = arith.cmpi ne, %rem3A, %ne3A_13 : i32
    %and3A = arith.andi %ne3A, %ne3A_14 : i1
    %sub3A = arith.constant 1 : i32
    %sub3A_15 = arith.subi %div3A, %sub3A : i32
    %select_n3A = arith.select %and3A, %sub3A_15, %div3A : i32
    %jit3A_16 = arith.constant 8 : i32
    %eq3A = arith.constant 0 : i32
    %eq3A_17 = arith.cmpi eq, %jit3A_16, %eq3A : i32
    %jit3A_18 = arith.constant 1 : i32
    %select_n3A_19 = arith.select %eq3A_17, %jit3A_18, %jit3A_16 : i32
    %rem3A_20 = arith.remsi %arg1, %select_n3A_19 : i32
    %ne3A_21 = arith.constant 0 : i32
    %ne3A_22 = arith.cmpi ne, %rem3A_20, %ne3A_21 : i32
    %lt3A = arith.constant 0 : i32
    %lt3A_23 = arith.cmpi slt, %rem3A_20, %lt3A : i32
    %lt3A_24 = arith.constant 0 : i32
    %lt3A_25 = arith.cmpi slt, %select_n3A_19, %lt3A_24 : i32
    %ne3A_26 = arith.xori %lt3A_23, %lt3A_25 : i1
    %and3A_27 = arith.andi %ne3A_26, %ne3A_22 : i1
    %add3A = arith.addi %rem3A_20, %select_n3A_19 : i32
    %select_n3A_28 = arith.select %and3A_27, %add3A, %rem3A_20 : i32
    %mul3A = arith.constant 2 : i32
    %mul3A_29 = arith.muli %arg0, %mul3A : i32
    %add3A_30 = arith.addi %mul3A_29, %select_n3A : i32
    "tpu.region"() ({
      %run_scoped3A = tpu.sem_alloc : memref<!tpu.dma_semaphore, #tpu.memory_space<semaphore_mem>>
      %dma_start3A = arith.constant 0 : i32
      %dma_start3A_82 = tpu.memref_slice %arg2[%add3A_30, %dma_start3A] : memref<4x256xf32, #tpu.memory_space<hbm>> -> memref<1x256xf32, #tpu.memory_space<hbm>>
      %dma_start3A_83 = tpu.memref_squeeze %dma_start3A_82 : memref<1x256xf32, #tpu.memory_space<hbm>> -> memref<256xf32, #tpu.memory_space<hbm>>
      %dma_start3A_84 = arith.constant 0 : i32
      %dma_start3A_85 = tpu.memref_slice %arg2[%add3A_30, %dma_start3A_84] : memref<4x256xf32, #tpu.memory_space<hbm>> -> memref<1x256xf32, #tpu.memory_space<hbm>>
      %dma_start3A_86 = tpu.memref_squeeze %dma_start3A_85 : memref<1x256xf32, #tpu.memory_space<hbm>> -> memref<256xf32, #tpu.memory_space<hbm>>
      tpu.enqueue_dma source(%dma_start3A_86 : memref<256xf32, #tpu.memory_space<hbm>>) target(%arg4 : memref<256xf32, #tpu.memory_space<vmem>>) target_semaphore(%run_scoped3A : memref<!tpu.dma_semaphore, #tpu.memory_space<semaphore_mem>>)
      %dma_wait3A = arith.constant 0 : i32
      %dma_wait3A_87 = tpu.memref_slice %arg2[%add3A_30, %dma_wait3A] : memref<4x256xf32, #tpu.memory_space<hbm>> -> memref<1x256xf32, #tpu.memory_space<hbm>>
      %dma_wait3A_88 = tpu.memref_squeeze %dma_wait3A_87 : memref<1x256xf32, #tpu.memory_space<hbm>> -> memref<256xf32, #tpu.memory_space<hbm>>
      %dma_wait3A_89 = arith.constant 0 : i32
      %dma_wait3A_90 = tpu.memref_slice %arg2[%add3A_30, %dma_wait3A_89] : memref<4x256xf32, #tpu.memory_space<hbm>> -> memref<1x256xf32, #tpu.memory_space<hbm>>
      %dma_wait3A_91 = tpu.memref_squeeze %dma_wait3A_90 : memref<1x256xf32, #tpu.memory_space<hbm>> -> memref<256xf32, #tpu.memory_space<hbm>>
      tpu.wait_dma2 semaphore(%run_scoped3A : memref<!tpu.dma_semaphore, #tpu.memory_space<semaphore_mem>>) src(%dma_wait3A_91 : memref<256xf32, #tpu.memory_space<hbm>>) dst(%arg4 : memref<256xf32, #tpu.memory_space<vmem>>)
      tpu.yield
    }) : () -> ()
    %iota3A = tpu.iota {dimensions = array<i32: 0>} : vector<16xi32>
    %broadcast_in_dim3A = arith.constant 1 : i32
    %broadcast_in_dim3A_31 = vector.broadcast %broadcast_in_dim3A : i32 to vector<16xi32>
    %broadcast_in_dim3A_32 = arith.constant 0 : i32
    %broadcast_in_dim3A_33 = vector.broadcast %broadcast_in_dim3A_32 : i32 to vector<16xi32>
    %mul3A_34 = arith.constant 2 : i32
    %mul3A_35 = arith.muli %mul3A_34, %select_n3A_28 : i32
    %add3A_36 = arith.constant 0 : i32
    %add3A_37 = arith.addi %mul3A_35, %add3A_36 : i32
    %mul3A_38 = arith.constant 16 : i32
    %mul3A_39 = arith.muli %add3A_37, %mul3A_38 : i32
    %get3A = arith.index_cast %mul3A_39 : i32 to index
    %get3A_40 = tpu.vector_load %arg4[%get3A] {strides = array<i32>} : memref<256xf32, #tpu.memory_space<vmem>>, vector<16xf32>,
    %get3A_41 = vector.shape_cast %get3A_40 : vector<16xf32> to vector<16xf32>
    %add3A_42 = vector.broadcast %mul3A_39 : i32 to vector<16xi32>
    %add3A_43 = arith.addi %iota3A, %add3A_42 : vector<16xi32>
    %broadcast_in_dim3A_44 = arith.constant 0 : i32
    %broadcast_in_dim3A_45 = vector.broadcast %broadcast_in_dim3A_44 : i32 to vector<16xi32>
    %scan3A = arith.constant 0 : i32
    %scan3A_46 = arith.constant 16 : i32
    %scan3A_47 = arith.addi %scan3A, %scan3A_46 : i32
    %scan3A_48 = arith.constant 1 : i32
    %scan3A_49 = scf.for %scan3A_82 = %scan3A to %scan3A_47 step %scan3A_48 iter_args(%scan3A_83 = %broadcast_in_dim3A_45) -> (vector<16xi32>)  : i32 {
      %mul3A_84 = arith.constant 16 : i32
      %mul3A_85 = arith.muli %scan3A_82, %mul3A_84 : i32
      %get3A_86 = arith.index_cast %mul3A_85 : i32 to index
      %get3A_87 = tpu.vector_load %arg4[%get3A_86] {strides = array<i32>} : memref<256xf32, #tpu.memory_space<vmem>>, vector<16xf32>,
      %get3A_88 = vector.shape_cast %get3A_87 : vector<16xf32> to vector<16xf32>
      %broadcast_in_dim3A_89 = arith.constant 0 : i32
      %broadcast_in_dim3A_90 = vector.broadcast %broadcast_in_dim3A_89 : i32 to vector<16x1xi32>
      %gather3A = vector.shape_cast %broadcast_in_dim3A_90 : vector<16x1xi32> to vector<16xi32>
      %gather3A_91 = tpu.dynamic_gather %get3A_88[%gather3A] in [0] : vector<16xf32>, vector<16xi32> -> vector<16xf32>
      %mul3A_92 = arith.constant 16 : i32
      %mul3A_93 = arith.muli %scan3A_82, %mul3A_92 : i32
      %add3A_94 = arith.constant 0 : i32
      %add3A_95 = arith.addi %mul3A_93, %add3A_94 : i32
      %broadcast_in_dim3A_96 = vector.broadcast %add3A_95 : i32 to vector<16xi32>
      %gt3A = arith.cmpf ogt, %gather3A_91, %get3A_41 : vector<16xf32>
      %select_n3A_97 = arith.select %gt3A, %broadcast_in_dim3A_31, %broadcast_in_dim3A_33 : vector<16xi1>, vector<16xi32>
      %eq3A_98 = arith.cmpf oeq, %gather3A_91, %get3A_41 : vector<16xf32>
      %select_n3A_99 = arith.select %eq3A_98, %broadcast_in_dim3A_31, %broadcast_in_dim3A_33 : vector<16xi1>, vector<16xi32>
      %lt3A_100 = arith.cmpi slt, %broadcast_in_dim3A_96, %add3A_43 : vector<16xi32>
      %select_n3A_101 = arith.select %lt3A_100, %broadcast_in_dim3A_31, %broadcast_in_dim3A_33 : vector<16xi1>, vector<16xi32>
      %add3A_102 = arith.addi %scan3A_83, %select_n3A_97 : vector<16xi32>
      %mul3A_103 = arith.muli %select_n3A_99, %select_n3A_101 : vector<16xi32>
      %add3A_104 = arith.addi %add3A_102, %mul3A_103 : vector<16xi32>
      %broadcast_in_dim3A_105 = arith.constant 1 : i32
      %broadcast_in_dim3A_106 = vector.broadcast %broadcast_in_dim3A_105 : i32 to vector<16x1xi32>
      %gather3A_107 = vector.shape_cast %broadcast_in_dim3A_106 : vector<16x1xi32> to vector<16xi32>
      %gather3A_108 = tpu.dynamic_gather %get3A_88[%gather3A_107] in [0] : vector<16xf32>, vector<16xi32> -> vector<16xf32>
      %mul3A_109 = arith.constant 16 : i32
      %mul3A_110 = arith.muli %scan3A_82, %mul3A_109 : i32
      %add3A_111 = arith.constant 1 : i32
      %add3A_112 = arith.addi %mul3A_110, %add3A_111 : i32
      %broadcast_in_dim3A_113 = vector.broadcast %add3A_112 : i32 to vector<16xi32>
      %gt3A_114 = arith.cmpf ogt, %gather3A_108, %get3A_41 : vector<16xf32>
      %select_n3A_115 = arith.select %gt3A_114, %broadcast_in_dim3A_31, %broadcast_in_dim3A_33 : vector<16xi1>, vector<16xi32>
      %eq3A_116 = arith.cmpf oeq, %gather3A_108, %get3A_41 : vector<16xf32>
      %select_n3A_117 = arith.select %eq3A_116, %broadcast_in_dim3A_31, %broadcast_in_dim3A_33 : vector<16xi1>, vector<16xi32>
      %lt3A_118 = arith.cmpi slt, %broadcast_in_dim3A_113, %add3A_43 : vector<16xi32>
      %select_n3A_119 = arith.select %lt3A_118, %broadcast_in_dim3A_31, %broadcast_in_dim3A_33 : vector<16xi1>, vector<16xi32>
      %add3A_120 = arith.addi %add3A_104, %select_n3A_115 : vector<16xi32>
      %mul3A_121 = arith.muli %select_n3A_117, %select_n3A_119 : vector<16xi32>
      %add3A_122 = arith.addi %add3A_120, %mul3A_121 : vector<16xi32>
      %broadcast_in_dim3A_123 = arith.constant 2 : i32
      %broadcast_in_dim3A_124 = vector.broadcast %broadcast_in_dim3A_123 : i32 to vector<16x1xi32>
      %gather3A_125 = vector.shape_cast %broadcast_in_dim3A_124 : vector<16x1xi32> to vector<16xi32>
      %gather3A_126 = tpu.dynamic_gather %get3A_88[%gather3A_125] in [0] : vector<16xf32>, vector<16xi32> -> vector<16xf32>
      %mul3A_127 = arith.constant 16 : i32
      %mul3A_128 = arith.muli %scan3A_82, %mul3A_127 : i32
      %add3A_129 = arith.constant 2 : i32
      %add3A_130 = arith.addi %mul3A_128, %add3A_129 : i32
      %broadcast_in_dim3A_131 = vector.broadcast %add3A_130 : i32 to vector<16xi32>
      %gt3A_132 = arith.cmpf ogt, %gather3A_126, %get3A_41 : vector<16xf32>
      %select_n3A_133 = arith.select %gt3A_132, %broadcast_in_dim3A_31, %broadcast_in_dim3A_33 : vector<16xi1>, vector<16xi32>
      %eq3A_134 = arith.cmpf oeq, %gather3A_126, %get3A_41 : vector<16xf32>
      %select_n3A_135 = arith.select %eq3A_134, %broadcast_in_dim3A_31, %broadcast_in_dim3A_33 : vector<16xi1>, vector<16xi32>
      %lt3A_136 = arith.cmpi slt, %broadcast_in_dim3A_131, %add3A_43 : vector<16xi32>
      %select_n3A_137 = arith.select %lt3A_136, %broadcast_in_dim3A_31, %broadcast_in_dim3A_33 : vector<16xi1>, vector<16xi32>
      %add3A_138 = arith.addi %add3A_122, %select_n3A_133 : vector<16xi32>
      %mul3A_139 = arith.muli %select_n3A_135, %select_n3A_137 : vector<16xi32>
      %add3A_140 = arith.addi %add3A_138, %mul3A_139 : vector<16xi32>
      %broadcast_in_dim3A_141 = arith.constant 3 : i32
      %broadcast_in_dim3A_142 = vector.broadcast %broadcast_in_dim3A_141 : i32 to vector<16x1xi32>
      %gather3A_143 = vector.shape_cast %broadcast_in_dim3A_142 : vector<16x1xi32> to vector<16xi32>
      %gather3A_144 = tpu.dynamic_gather %get3A_88[%gather3A_143] in [0] : vector<16xf32>, vector<16xi32> -> vector<16xf32>
      %mul3A_145 = arith.constant 16 : i32
      %mul3A_146 = arith.muli %scan3A_82, %mul3A_145 : i32
      %add3A_147 = arith.constant 3 : i32
      %add3A_148 = arith.addi %mul3A_146, %add3A_147 : i32
      %broadcast_in_dim3A_149 = vector.broadcast %add3A_148 : i32 to vector<16xi32>
      %gt3A_150 = arith.cmpf ogt, %gather3A_144, %get3A_41 : vector<16xf32>
      %select_n3A_151 = arith.select %gt3A_150, %broadcast_in_dim3A_31, %broadcast_in_dim3A_33 : vector<16xi1>, vector<16xi32>
      %eq3A_152 = arith.cmpf oeq, %gather3A_144, %get3A_41 : vector<16xf32>
      %select_n3A_153 = arith.select %eq3A_152, %broadcast_in_dim3A_31, %broadcast_in_dim3A_33 : vector<16xi1>, vector<16xi32>
      %lt3A_154 = arith.cmpi slt, %broadcast_in_dim3A_149, %add3A_43 : vector<16xi32>
      %select_n3A_155 = arith.select %lt3A_154, %broadcast_in_dim3A_31, %broadcast_in_dim3A_33 : vector<16xi1>, vector<16xi32>
      %add3A_156 = arith.addi %add3A_140, %select_n3A_151 : vector<16xi32>
      %mul3A_157 = arith.muli %select_n3A_153, %select_n3A_155 : vector<16xi32>
      %add3A_158 = arith.addi %add3A_156, %mul3A_157 : vector<16xi32>
      %broadcast_in_dim3A_159 = arith.constant 4 : i32
      %broadcast_in_dim3A_160 = vector.broadcast %broadcast_in_dim3A_159 : i32 to vector<16x1xi32>
      %gather3A_161 = vector.shape_cast %broadcast_in_dim3A_160 : vector<16x1xi32> to vector<16xi32>
      %gather3A_162 = tpu.dynamic_gather %get3A_88[%gather3A_161] in [0] : vector<16xf32>, vector<16xi32> -> vector<16xf32>
      %mul3A_163 = arith.constant 16 : i32
      %mul3A_164 = arith.muli %scan3A_82, %mul3A_163 : i32
      %add3A_165 = arith.constant 4 : i32
      %add3A_166 = arith.addi %mul3A_164, %add3A_165 : i32
      %broadcast_in_dim3A_167 = vector.broadcast %add3A_166 : i32 to vector<16xi32>
      %gt3A_168 = arith.cmpf ogt, %gather3A_162, %get3A_41 : vector<16xf32>
      %select_n3A_169 = arith.select %gt3A_168, %broadcast_in_dim3A_31, %broadcast_in_dim3A_33 : vector<16xi1>, vector<16xi32>
      %eq3A_170 = arith.cmpf oeq, %gather3A_162, %get3A_41 : vector<16xf32>
      %select_n3A_171 = arith.select %eq3A_170, %broadcast_in_dim3A_31, %broadcast_in_dim3A_33 : vector<16xi1>, vector<16xi32>
      %lt3A_172 = arith.cmpi slt, %broadcast_in_dim3A_167, %add3A_43 : vector<16xi32>
      %select_n3A_173 = arith.select %lt3A_172, %broadcast_in_dim3A_31, %broadcast_in_dim3A_33 : vector<16xi1>, vector<16xi32>
      %add3A_174 = arith.addi %add3A_158, %select_n3A_169 : vector<16xi32>
      %mul3A_175 = arith.muli %select_n3A_171, %select_n3A_173 : vector<16xi32>
      %add3A_176 = arith.addi %add3A_174, %mul3A_175 : vector<16xi32>
      %broadcast_in_dim3A_177 = arith.constant 5 : i32
      %broadcast_in_dim3A_178 = vector.broadcast %broadcast_in_dim3A_177 : i32 to vector<16x1xi32>
      %gather3A_179 = vector.shape_cast %broadcast_in_dim3A_178 : vector<16x1xi32> to vector<16xi32>
      %gather3A_180 = tpu.dynamic_gather %get3A_88[%gather3A_179] in [0] : vector<16xf32>, vector<16xi32> -> vector<16xf32>
      %mul3A_181 = arith.constant 16 : i32
      %mul3A_182 = arith.muli %scan3A_82, %mul3A_181 : i32
      %add3A_183 = arith.constant 5 : i32
      %add3A_184 = arith.addi %mul3A_182, %add3A_183 : i32
      %broadcast_in_dim3A_185 = vector.broadcast %add3A_184 : i32 to vector<16xi32>
      %gt3A_186 = arith.cmpf ogt, %gather3A_180, %get3A_41 : vector<16xf32>
      %select_n3A_187 = arith.select %gt3A_186, %broadcast_in_dim3A_31, %broadcast_in_dim3A_33 : vector<16xi1>, vector<16xi32>
      %eq3A_188 = arith.cmpf oeq, %gather3A_180, %get3A_41 : vector<16xf32>
      %select_n3A_189 = arith.select %eq3A_188, %broadcast_in_dim3A_31, %broadcast_in_dim3A_33 : vector<16xi1>, vector<16xi32>
      %lt3A_190 = arith.cmpi slt, %broadcast_in_dim3A_185, %add3A_43 : vector<16xi32>
      %select_n3A_191 = arith.select %lt3A_190, %broadcast_in_dim3A_31, %broadcast_in_dim3A_33 : vector<16xi1>, vector<16xi32>
      %add3A_192 = arith.addi %add3A_176, %select_n3A_187 : vector<16xi32>
      %mul3A_193 = arith.muli %select_n3A_189, %select_n3A_191 : vector<16xi32>
      %add3A_194 = arith.addi %add3A_192, %mul3A_193 : vector<16xi32>
      %broadcast_in_dim3A_195 = arith.constant 6 : i32
      %broadcast_in_dim3A_196 = vector.broadcast %broadcast_in_dim3A_195 : i32 to vector<16x1xi32>
      %gather3A_197 = vector.shape_cast %broadcast_in_dim3A_196 : vector<16x1xi32> to vector<16xi32>
      %gather3A_198 = tpu.dynamic_gather %get3A_88[%gather3A_197] in [0] : vector<16xf32>, vector<16xi32> -> vector<16xf32>
      %mul3A_199 = arith.constant 16 : i32
      %mul3A_200 = arith.muli %scan3A_82, %mul3A_199 : i32
      %add3A_201 = arith.constant 6 : i32
      %add3A_202 = arith.addi %mul3A_200, %add3A_201 : i32
      %broadcast_in_dim3A_203 = vector.broadcast %add3A_202 : i32 to vector<16xi32>
      %gt3A_204 = arith.cmpf ogt, %gather3A_198, %get3A_41 : vector<16xf32>
      %select_n3A_205 = arith.select %gt3A_204, %broadcast_in_dim3A_31, %broadcast_in_dim3A_33 : vector<16xi1>, vector<16xi32>
      %eq3A_206 = arith.cmpf oeq, %gather3A_198, %get3A_41 : vector<16xf32>
      %select_n3A_207 = arith.select %eq3A_206, %broadcast_in_dim3A_31, %broadcast_in_dim3A_33 : vector<16xi1>, vector<16xi32>
      %lt3A_208 = arith.cmpi slt, %broadcast_in_dim3A_203, %add3A_43 : vector<16xi32>
      %select_n3A_209 = arith.select %lt3A_208, %broadcast_in_dim3A_31, %broadcast_in_dim3A_33 : vector<16xi1>, vector<16xi32>
      %add3A_210 = arith.addi %add3A_194, %select_n3A_205 : vector<16xi32>
      %mul3A_211 = arith.muli %select_n3A_207, %select_n3A_209 : vector<16xi32>
      %add3A_212 = arith.addi %add3A_210, %mul3A_211 : vector<16xi32>
      %broadcast_in_dim3A_213 = arith.constant 7 : i32
      %broadcast_in_dim3A_214 = vector.broadcast %broadcast_in_dim3A_213 : i32 to vector<16x1xi32>
      %gather3A_215 = vector.shape_cast %broadcast_in_dim3A_214 : vector<16x1xi32> to vector<16xi32>
      %gather3A_216 = tpu.dynamic_gather %get3A_88[%gather3A_215] in [0] : vector<16xf32>, vector<16xi32> -> vector<16xf32>
      %mul3A_217 = arith.constant 16 : i32
      %mul3A_218 = arith.muli %scan3A_82, %mul3A_217 : i32
      %add3A_219 = arith.constant 7 : i32
      %add3A_220 = arith.addi %mul3A_218, %add3A_219 : i32
      %broadcast_in_dim3A_221 = vector.broadcast %add3A_220 : i32 to vector<16xi32>
      %gt3A_222 = arith.cmpf ogt, %gather3A_216, %get3A_41 : vector<16xf32>
      %select_n3A_223 = arith.select %gt3A_222, %broadcast_in_dim3A_31, %broadcast_in_dim3A_33 : vector<16xi1>, vector<16xi32>
      %eq3A_224 = arith.cmpf oeq, %gather3A_216, %get3A_41 : vector<16xf32>
      %select_n3A_225 = arith.select %eq3A_224, %broadcast_in_dim3A_31, %broadcast_in_dim3A_33 : vector<16xi1>, vector<16xi32>
      %lt3A_226 = arith.cmpi slt, %broadcast_in_dim3A_221, %add3A_43 : vector<16xi32>
      %select_n3A_227 = arith.select %lt3A_226, %broadcast_in_dim3A_31, %broadcast_in_dim3A_33 : vector<16xi1>, vector<16xi32>
      %add3A_228 = arith.addi %add3A_212, %select_n3A_223 : vector<16xi32>
      %mul3A_229 = arith.muli %select_n3A_225, %select_n3A_227 : vector<16xi32>
      %add3A_230 = arith.addi %add3A_228, %mul3A_229 : vector<16xi32>
      %broadcast_in_dim3A_231 = arith.constant 8 : i32
      %broadcast_in_dim3A_232 = vector.broadcast %broadcast_in_dim3A_231 : i32 to vector<16x1xi32>
      %gather3A_233 = vector.shape_cast %broadcast_in_dim3A_232 : vector<16x1xi32> to vector<16xi32>
      %gather3A_234 = tpu.dynamic_gather %get3A_88[%gather3A_233] in [0] : vector<16xf32>, vector<16xi32> -> vector<16xf32>
      %mul3A_235 = arith.constant 16 : i32
      %mul3A_236 = arith.muli %scan3A_82, %mul3A_235 : i32
      %add3A_237 = arith.constant 8 : i32
      %add3A_238 = arith.addi %mul3A_236, %add3A_237 : i32
      %broadcast_in_dim3A_239 = vector.broadcast %add3A_238 : i32 to vector<16xi32>
      %gt3A_240 = arith.cmpf ogt, %gather3A_234, %get3A_41 : vector<16xf32>
      %select_n3A_241 = arith.select %gt3A_240, %broadcast_in_dim3A_31, %broadcast_in_dim3A_33 : vector<16xi1>, vector<16xi32>
      %eq3A_242 = arith.cmpf oeq, %gather3A_234, %get3A_41 : vector<16xf32>
      %select_n3A_243 = arith.select %eq3A_242, %broadcast_in_dim3A_31, %broadcast_in_dim3A_33 : vector<16xi1>, vector<16xi32>
      %lt3A_244 = arith.cmpi slt, %broadcast_in_dim3A_239, %add3A_43 : vector<16xi32>
      %select_n3A_245 = arith.select %lt3A_244, %broadcast_in_dim3A_31, %broadcast_in_dim3A_33 : vector<16xi1>, vector<16xi32>
      %add3A_246 = arith.addi %add3A_230, %select_n3A_241 : vector<16xi32>
      %mul3A_247 = arith.muli %select_n3A_243, %select_n3A_245 : vector<16xi32>
      %add3A_248 = arith.addi %add3A_246, %mul3A_247 : vector<16xi32>
      %broadcast_in_dim3A_249 = arith.constant 9 : i32
      %broadcast_in_dim3A_250 = vector.broadcast %broadcast_in_dim3A_249 : i32 to vector<16x1xi32>
      %gather3A_251 = vector.shape_cast %broadcast_in_dim3A_250 : vector<16x1xi32> to vector<16xi32>
      %gather3A_252 = tpu.dynamic_gather %get3A_88[%gather3A_251] in [0] : vector<16xf32>, vector<16xi32> -> vector<16xf32>
      %mul3A_253 = arith.constant 16 : i32
      %mul3A_254 = arith.muli %scan3A_82, %mul3A_253 : i32
      %add3A_255 = arith.constant 9 : i32
      %add3A_256 = arith.addi %mul3A_254, %add3A_255 : i32
      %broadcast_in_dim3A_257 = vector.broadcast %add3A_256 : i32 to vector<16xi32>
      %gt3A_258 = arith.cmpf ogt, %gather3A_252, %get3A_41 : vector<16xf32>
      %select_n3A_259 = arith.select %gt3A_258, %broadcast_in_dim3A_31, %broadcast_in_dim3A_33 : vector<16xi1>, vector<16xi32>
      %eq3A_260 = arith.cmpf oeq, %gather3A_252, %get3A_41 : vector<16xf32>
      %select_n3A_261 = arith.select %eq3A_260, %broadcast_in_dim3A_31, %broadcast_in_dim3A_33 : vector<16xi1>, vector<16xi32>
      %lt3A_262 = arith.cmpi slt, %broadcast_in_dim3A_257, %add3A_43 : vector<16xi32>
      %select_n3A_263 = arith.select %lt3A_262, %broadcast_in_dim3A_31, %broadcast_in_dim3A_33 : vector<16xi1>, vector<16xi32>
      %add3A_264 = arith.addi %add3A_248, %select_n3A_259 : vector<16xi32>
      %mul3A_265 = arith.muli %select_n3A_261, %select_n3A_263 : vector<16xi32>
      %add3A_266 = arith.addi %add3A_264, %mul3A_265 : vector<16xi32>
      %broadcast_in_dim3A_267 = arith.constant 10 : i32
      %broadcast_in_dim3A_268 = vector.broadcast %broadcast_in_dim3A_267 : i32 to vector<16x1xi32>
      %gather3A_269 = vector.shape_cast %broadcast_in_dim3A_268 : vector<16x1xi32> to vector<16xi32>
      %gather3A_270 = tpu.dynamic_gather %get3A_88[%gather3A_269] in [0] : vector<16xf32>, vector<16xi32> -> vector<16xf32>
      %mul3A_271 = arith.constant 16 : i32
      %mul3A_272 = arith.muli %scan3A_82, %mul3A_271 : i32
      %add3A_273 = arith.constant 10 : i32
      %add3A_274 = arith.addi %mul3A_272, %add3A_273 : i32
      %broadcast_in_dim3A_275 = vector.broadcast %add3A_274 : i32 to vector<16xi32>
      %gt3A_276 = arith.cmpf ogt, %gather3A_270, %get3A_41 : vector<16xf32>
      %select_n3A_277 = arith.select %gt3A_276, %broadcast_in_dim3A_31, %broadcast_in_dim3A_33 : vector<16xi1>, vector<16xi32>
      %eq3A_278 = arith.cmpf oeq, %gather3A_270, %get3A_41 : vector<16xf32>
      %select_n3A_279 = arith.select %eq3A_278, %broadcast_in_dim3A_31, %broadcast_in_dim3A_33 : vector<16xi1>, vector<16xi32>
      %lt3A_280 = arith.cmpi slt, %broadcast_in_dim3A_275, %add3A_43 : vector<16xi32>
      %select_n3A_281 = arith.select %lt3A_280, %broadcast_in_dim3A_31, %broadcast_in_dim3A_33 : vector<16xi1>, vector<16xi32>
      %add3A_282 = arith.addi %add3A_266, %select_n3A_277 : vector<16xi32>
      %mul3A_283 = arith.muli %select_n3A_279, %select_n3A_281 : vector<16xi32>
      %add3A_284 = arith.addi %add3A_282, %mul3A_283 : vector<16xi32>
      %broadcast_in_dim3A_285 = arith.constant 11 : i32
      %broadcast_in_dim3A_286 = vector.broadcast %broadcast_in_dim3A_285 : i32 to vector<16x1xi32>
      %gather3A_287 = vector.shape_cast %broadcast_in_dim3A_286 : vector<16x1xi32> to vector<16xi32>
      %gather3A_288 = tpu.dynamic_gather %get3A_88[%gather3A_287] in [0] : vector<16xf32>, vector<16xi32> -> vector<16xf32>
      %mul3A_289 = arith.constant 16 : i32
      %mul3A_290 = arith.muli %scan3A_82, %mul3A_289 : i32
      %add3A_291 = arith.constant 11 : i32
      %add3A_292 = arith.addi %mul3A_290, %add3A_291 : i32
      %broadcast_in_dim3A_293 = vector.broadcast %add3A_292 : i32 to vector<16xi32>
      %gt3A_294 = arith.cmpf ogt, %gather3A_288, %get3A_41 : vector<16xf32>
      %select_n3A_295 = arith.select %gt3A_294, %broadcast_in_dim3A_31, %broadcast_in_dim3A_33 : vector<16xi1>, vector<16xi32>
      %eq3A_296 = arith.cmpf oeq, %gather3A_288, %get3A_41 : vector<16xf32>
      %select_n3A_297 = arith.select %eq3A_296, %broadcast_in_dim3A_31, %broadcast_in_dim3A_33 : vector<16xi1>, vector<16xi32>
      %lt3A_298 = arith.cmpi slt, %broadcast_in_dim3A_293, %add3A_43 : vector<16xi32>
      %select_n3A_299 = arith.select %lt3A_298, %broadcast_in_dim3A_31, %broadcast_in_dim3A_33 : vector<16xi1>, vector<16xi32>
      %add3A_300 = arith.addi %add3A_284, %select_n3A_295 : vector<16xi32>
      %mul3A_301 = arith.muli %select_n3A_297, %select_n3A_299 : vector<16xi32>
      %add3A_302 = arith.addi %add3A_300, %mul3A_301 : vector<16xi32>
      %broadcast_in_dim3A_303 = arith.constant 12 : i32
      %broadcast_in_dim3A_304 = vector.broadcast %broadcast_in_dim3A_303 : i32 to vector<16x1xi32>
      %gather3A_305 = vector.shape_cast %broadcast_in_dim3A_304 : vector<16x1xi32> to vector<16xi32>
      %gather3A_306 = tpu.dynamic_gather %get3A_88[%gather3A_305] in [0] : vector<16xf32>, vector<16xi32> -> vector<16xf32>
      %mul3A_307 = arith.constant 16 : i32
      %mul3A_308 = arith.muli %scan3A_82, %mul3A_307 : i32
      %add3A_309 = arith.constant 12 : i32
      %add3A_310 = arith.addi %mul3A_308, %add3A_309 : i32
      %broadcast_in_dim3A_311 = vector.broadcast %add3A_310 : i32 to vector<16xi32>
      %gt3A_312 = arith.cmpf ogt, %gather3A_306, %get3A_41 : vector<16xf32>
      %select_n3A_313 = arith.select %gt3A_312, %broadcast_in_dim3A_31, %broadcast_in_dim3A_33 : vector<16xi1>, vector<16xi32>
      %eq3A_314 = arith.cmpf oeq, %gather3A_306, %get3A_41 : vector<16xf32>
      %select_n3A_315 = arith.select %eq3A_314, %broadcast_in_dim3A_31, %broadcast_in_dim3A_33 : vector<16xi1>, vector<16xi32>
      %lt3A_316 = arith.cmpi slt, %broadcast_in_dim3A_311, %add3A_43 : vector<16xi32>
      %select_n3A_317 = arith.select %lt3A_316, %broadcast_in_dim3A_31, %broadcast_in_dim3A_33 : vector<16xi1>, vector<16xi32>
      %add3A_318 = arith.addi %add3A_302, %select_n3A_313 : vector<16xi32>
      %mul3A_319 = arith.muli %select_n3A_315, %select_n3A_317 : vector<16xi32>
      %add3A_320 = arith.addi %add3A_318, %mul3A_319 : vector<16xi32>
      %broadcast_in_dim3A_321 = arith.constant 13 : i32
      %broadcast_in_dim3A_322 = vector.broadcast %broadcast_in_dim3A_321 : i32 to vector<16x1xi32>
      %gather3A_323 = vector.shape_cast %broadcast_in_dim3A_322 : vector<16x1xi32> to vector<16xi32>
      %gather3A_324 = tpu.dynamic_gather %get3A_88[%gather3A_323] in [0] : vector<16xf32>, vector<16xi32> -> vector<16xf32>
      %mul3A_325 = arith.constant 16 : i32
      %mul3A_326 = arith.muli %scan3A_82, %mul3A_325 : i32
      %add3A_327 = arith.constant 13 : i32
      %add3A_328 = arith.addi %mul3A_326, %add3A_327 : i32
      %broadcast_in_dim3A_329 = vector.broadcast %add3A_328 : i32 to vector<16xi32>
      %gt3A_330 = arith.cmpf ogt, %gather3A_324, %get3A_41 : vector<16xf32>
      %select_n3A_331 = arith.select %gt3A_330, %broadcast_in_dim3A_31, %broadcast_in_dim3A_33 : vector<16xi1>, vector<16xi32>
      %eq3A_332 = arith.cmpf oeq, %gather3A_324, %get3A_41 : vector<16xf32>
      %select_n3A_333 = arith.select %eq3A_332, %broadcast_in_dim3A_31, %broadcast_in_dim3A_33 : vector<16xi1>, vector<16xi32>
      %lt3A_334 = arith.cmpi slt, %broadcast_in_dim3A_329, %add3A_43 : vector<16xi32>
      %select_n3A_335 = arith.select %lt3A_334, %broadcast_in_dim3A_31, %broadcast_in_dim3A_33 : vector<16xi1>, vector<16xi32>
      %add3A_336 = arith.addi %add3A_320, %select_n3A_331 : vector<16xi32>
      %mul3A_337 = arith.muli %select_n3A_333, %select_n3A_335 : vector<16xi32>
      %add3A_338 = arith.addi %add3A_336, %mul3A_337 : vector<16xi32>
      %broadcast_in_dim3A_339 = arith.constant 14 : i32
      %broadcast_in_dim3A_340 = vector.broadcast %broadcast_in_dim3A_339 : i32 to vector<16x1xi32>
      %gather3A_341 = vector.shape_cast %broadcast_in_dim3A_340 : vector<16x1xi32> to vector<16xi32>
      %gather3A_342 = tpu.dynamic_gather %get3A_88[%gather3A_341] in [0] : vector<16xf32>, vector<16xi32> -> vector<16xf32>
      %mul3A_343 = arith.constant 16 : i32
      %mul3A_344 = arith.muli %scan3A_82, %mul3A_343 : i32
      %add3A_345 = arith.constant 14 : i32
      %add3A_346 = arith.addi %mul3A_344, %add3A_345 : i32
      %broadcast_in_dim3A_347 = vector.broadcast %add3A_346 : i32 to vector<16xi32>
      %gt3A_348 = arith.cmpf ogt, %gather3A_342, %get3A_41 : vector<16xf32>
      %select_n3A_349 = arith.select %gt3A_348, %broadcast_in_dim3A_31, %broadcast_in_dim3A_33 : vector<16xi1>, vector<16xi32>
      %eq3A_350 = arith.cmpf oeq, %gather3A_342, %get3A_41 : vector<16xf32>
      %select_n3A_351 = arith.select %eq3A_350, %broadcast_in_dim3A_31, %broadcast_in_dim3A_33 : vector<16xi1>, vector<16xi32>
      %lt3A_352 = arith.cmpi slt, %broadcast_in_dim3A_347, %add3A_43 : vector<16xi32>
      %select_n3A_353 = arith.select %lt3A_352, %broadcast_in_dim3A_31, %broadcast_in_dim3A_33 : vector<16xi1>, vector<16xi32>
      %add3A_354 = arith.addi %add3A_338, %select_n3A_349 : vector<16xi32>
      %mul3A_355 = arith.muli %select_n3A_351, %select_n3A_353 : vector<16xi32>
      %add3A_356 = arith.addi %add3A_354, %mul3A_355 : vector<16xi32>
      %broadcast_in_dim3A_357 = arith.constant 15 : i32
      %broadcast_in_dim3A_358 = vector.broadcast %broadcast_in_dim3A_357 : i32 to vector<16x1xi32>
      %gather3A_359 = vector.shape_cast %broadcast_in_dim3A_358 : vector<16x1xi32> to vector<16xi32>
      %gather3A_360 = tpu.dynamic_gather %get3A_88[%gather3A_359] in [0] : vector<16xf32>, vector<16xi32> -> vector<16xf32>
      %mul3A_361 = arith.constant 16 : i32
      %mul3A_362 = arith.muli %scan3A_82, %mul3A_361 : i32
      %add3A_363 = arith.constant 15 : i32
      %add3A_364 = arith.addi %mul3A_362, %add3A_363 : i32
      %broadcast_in_dim3A_365 = vector.broadcast %add3A_364 : i32 to vector<16xi32>
      %gt3A_366 = arith.cmpf ogt, %gather3A_360, %get3A_41 : vector<16xf32>
      %select_n3A_367 = arith.select %gt3A_366, %broadcast_in_dim3A_31, %broadcast_in_dim3A_33 : vector<16xi1>, vector<16xi32>
      %eq3A_368 = arith.cmpf oeq, %gather3A_360, %get3A_41 : vector<16xf32>
      %select_n3A_369 = arith.select %eq3A_368, %broadcast_in_dim3A_31, %broadcast_in_dim3A_33 : vector<16xi1>, vector<16xi32>
      %lt3A_370 = arith.cmpi slt, %broadcast_in_dim3A_365, %add3A_43 : vector<16xi32>
      %select_n3A_371 = arith.select %lt3A_370, %broadcast_in_dim3A_31, %broadcast_in_dim3A_33 : vector<16xi1>, vector<16xi32>
      %add3A_372 = arith.addi %add3A_356, %select_n3A_367 : vector<16xi32>
      %mul3A_373 = arith.muli %select_n3A_369, %select_n3A_371 : vector<16xi32>
      %add3A_374 = arith.addi %add3A_372, %mul3A_373 : vector<16xi32>
      scf.yield %add3A_374 : vector<16xi32>
    }
    %scan3A_50 = arith.constant 16 : i32
    %swap3A = arith.constant 0 : index
    %swap3A_51 = tpu.vector_load %arg5[%swap3A] {strides = array<i32>} : memref<32xi32, #tpu.memory_space<vmem>>, vector<16xi32>,
    %swap3A_52 = vector.shape_cast %swap3A_51 : vector<16xi32> to vector<16xi32>
    %swap3A_53 = vector.shape_cast %scan3A_49 : vector<16xi32> to vector<16xi32>
    tpu.vector_store %arg5[%swap3A], %swap3A_53 {strides = array<i32>} : memref<32xi32, #tpu.memory_space<vmem>>, vector<16xi32>,
    %mul3A_54 = arith.constant 2 : i32
    %mul3A_55 = arith.muli %mul3A_54, %select_n3A_28 : i32
    %add3A_56 = arith.constant 1 : i32
    %add3A_57 = arith.addi %mul3A_55, %add3A_56 : i32
    %mul3A_58 = arith.constant 16 : i32
    %mul3A_59 = arith.muli %add3A_57, %mul3A_58 : i32
    %get3A_60 = arith.index_cast %mul3A_59 : i32 to index
    %get3A_61 = tpu.vector_load %arg4[%get3A_60] {strides = array<i32>} : memref<256xf32, #tpu.memory_space<vmem>>, vector<16xf32>,
    %get3A_62 = vector.shape_cast %get3A_61 : vector<16xf32> to vector<16xf32>
    %add3A_63 = vector.broadcast %mul3A_59 : i32 to vector<16xi32>
    %add3A_64 = arith.addi %iota3A, %add3A_63 : vector<16xi32>
    %broadcast_in_dim3A_65 = arith.constant 0 : i32
    %broadcast_in_dim3A_66 = vector.broadcast %broadcast_in_dim3A_65 : i32 to vector<16xi32>
    %scan3A_67 = arith.constant 0 : i32
    %scan3A_68 = arith.constant 16 : i32
    %scan3A_69 = arith.addi %scan3A_67, %scan3A_68 : i32
    %scan3A_70 = arith.constant 1 : i32
    %scan3A_71 = scf.for %scan3A_82 = %scan3A_67 to %scan3A_69 step %scan3A_70 iter_args(%scan3A_83 = %broadcast_in_dim3A_66) -> (vector<16xi32>)  : i32 {
      %mul3A_84 = arith.constant 16 : i32
      %mul3A_85 = arith.muli %scan3A_82, %mul3A_84 : i32
      %get3A_86 = arith.index_cast %mul3A_85 : i32 to index
      %get3A_87 = tpu.vector_load %arg4[%get3A_86] {strides = array<i32>} : memref<256xf32, #tpu.memory_space<vmem>>, vector<16xf32>,
      %get3A_88 = vector.shape_cast %get3A_87 : vector<16xf32> to vector<16xf32>
      %broadcast_in_dim3A_89 = arith.constant 0 : i32
      %broadcast_in_dim3A_90 = vector.broadcast %broadcast_in_dim3A_89 : i32 to vector<16x1xi32>
      %gather3A = vector.shape_cast %broadcast_in_dim3A_90 : vector<16x1xi32> to vector<16xi32>
      %gather3A_91 = tpu.dynamic_gather %get3A_88[%gather3A] in [0] : vector<16xf32>, vector<16xi32> -> vector<16xf32>
      %mul3A_92 = arith.constant 16 : i32
      %mul3A_93 = arith.muli %scan3A_82, %mul3A_92 : i32
      %add3A_94 = arith.constant 0 : i32
      %add3A_95 = arith.addi %mul3A_93, %add3A_94 : i32
      %broadcast_in_dim3A_96 = vector.broadcast %add3A_95 : i32 to vector<16xi32>
      %gt3A = arith.cmpf ogt, %gather3A_91, %get3A_62 : vector<16xf32>
      %select_n3A_97 = arith.select %gt3A, %broadcast_in_dim3A_31, %broadcast_in_dim3A_33 : vector<16xi1>, vector<16xi32>
      %eq3A_98 = arith.cmpf oeq, %gather3A_91, %get3A_62 : vector<16xf32>
      %select_n3A_99 = arith.select %eq3A_98, %broadcast_in_dim3A_31, %broadcast_in_dim3A_33 : vector<16xi1>, vector<16xi32>
      %lt3A_100 = arith.cmpi slt, %broadcast_in_dim3A_96, %add3A_64 : vector<16xi32>
      %select_n3A_101 = arith.select %lt3A_100, %broadcast_in_dim3A_31, %broadcast_in_dim3A_33 : vector<16xi1>, vector<16xi32>
      %add3A_102 = arith.addi %scan3A_83, %select_n3A_97 : vector<16xi32>
      %mul3A_103 = arith.muli %select_n3A_99, %select_n3A_101 : vector<16xi32>
      %add3A_104 = arith.addi %add3A_102, %mul3A_103 : vector<16xi32>
      %broadcast_in_dim3A_105 = arith.constant 1 : i32
      %broadcast_in_dim3A_106 = vector.broadcast %broadcast_in_dim3A_105 : i32 to vector<16x1xi32>
      %gather3A_107 = vector.shape_cast %broadcast_in_dim3A_106 : vector<16x1xi32> to vector<16xi32>
      %gather3A_108 = tpu.dynamic_gather %get3A_88[%gather3A_107] in [0] : vector<16xf32>, vector<16xi32> -> vector<16xf32>
      %mul3A_109 = arith.constant 16 : i32
      %mul3A_110 = arith.muli %scan3A_82, %mul3A_109 : i32
      %add3A_111 = arith.constant 1 : i32
      %add3A_112 = arith.addi %mul3A_110, %add3A_111 : i32
      %broadcast_in_dim3A_113 = vector.broadcast %add3A_112 : i32 to vector<16xi32>
      %gt3A_114 = arith.cmpf ogt, %gather3A_108, %get3A_62 : vector<16xf32>
      %select_n3A_115 = arith.select %gt3A_114, %broadcast_in_dim3A_31, %broadcast_in_dim3A_33 : vector<16xi1>, vector<16xi32>
      %eq3A_116 = arith.cmpf oeq, %gather3A_108, %get3A_62 : vector<16xf32>
      %select_n3A_117 = arith.select %eq3A_116, %broadcast_in_dim3A_31, %broadcast_in_dim3A_33 : vector<16xi1>, vector<16xi32>
      %lt3A_118 = arith.cmpi slt, %broadcast_in_dim3A_113, %add3A_64 : vector<16xi32>
      %select_n3A_119 = arith.select %lt3A_118, %broadcast_in_dim3A_31, %broadcast_in_dim3A_33 : vector<16xi1>, vector<16xi32>
      %add3A_120 = arith.addi %add3A_104, %select_n3A_115 : vector<16xi32>
      %mul3A_121 = arith.muli %select_n3A_117, %select_n3A_119 : vector<16xi32>
      %add3A_122 = arith.addi %add3A_120, %mul3A_121 : vector<16xi32>
      %broadcast_in_dim3A_123 = arith.constant 2 : i32
      %broadcast_in_dim3A_124 = vector.broadcast %broadcast_in_dim3A_123 : i32 to vector<16x1xi32>
      %gather3A_125 = vector.shape_cast %broadcast_in_dim3A_124 : vector<16x1xi32> to vector<16xi32>
      %gather3A_126 = tpu.dynamic_gather %get3A_88[%gather3A_125] in [0] : vector<16xf32>, vector<16xi32> -> vector<16xf32>
      %mul3A_127 = arith.constant 16 : i32
      %mul3A_128 = arith.muli %scan3A_82, %mul3A_127 : i32
      %add3A_129 = arith.constant 2 : i32
      %add3A_130 = arith.addi %mul3A_128, %add3A_129 : i32
      %broadcast_in_dim3A_131 = vector.broadcast %add3A_130 : i32 to vector<16xi32>
      %gt3A_132 = arith.cmpf ogt, %gather3A_126, %get3A_62 : vector<16xf32>
      %select_n3A_133 = arith.select %gt3A_132, %broadcast_in_dim3A_31, %broadcast_in_dim3A_33 : vector<16xi1>, vector<16xi32>
      %eq3A_134 = arith.cmpf oeq, %gather3A_126, %get3A_62 : vector<16xf32>
      %select_n3A_135 = arith.select %eq3A_134, %broadcast_in_dim3A_31, %broadcast_in_dim3A_33 : vector<16xi1>, vector<16xi32>
      %lt3A_136 = arith.cmpi slt, %broadcast_in_dim3A_131, %add3A_64 : vector<16xi32>
      %select_n3A_137 = arith.select %lt3A_136, %broadcast_in_dim3A_31, %broadcast_in_dim3A_33 : vector<16xi1>, vector<16xi32>
      %add3A_138 = arith.addi %add3A_122, %select_n3A_133 : vector<16xi32>
      %mul3A_139 = arith.muli %select_n3A_135, %select_n3A_137 : vector<16xi32>
      %add3A_140 = arith.addi %add3A_138, %mul3A_139 : vector<16xi32>
      %broadcast_in_dim3A_141 = arith.constant 3 : i32
      %broadcast_in_dim3A_142 = vector.broadcast %broadcast_in_dim3A_141 : i32 to vector<16x1xi32>
      %gather3A_143 = vector.shape_cast %broadcast_in_dim3A_142 : vector<16x1xi32> to vector<16xi32>
      %gather3A_144 = tpu.dynamic_gather %get3A_88[%gather3A_143] in [0] : vector<16xf32>, vector<16xi32> -> vector<16xf32>
      %mul3A_145 = arith.constant 16 : i32
      %mul3A_146 = arith.muli %scan3A_82, %mul3A_145 : i32
      %add3A_147 = arith.constant 3 : i32
      %add3A_148 = arith.addi %mul3A_146, %add3A_147 : i32
      %broadcast_in_dim3A_149 = vector.broadcast %add3A_148 : i32 to vector<16xi32>
      %gt3A_150 = arith.cmpf ogt, %gather3A_144, %get3A_62 : vector<16xf32>
      %select_n3A_151 = arith.select %gt3A_150, %broadcast_in_dim3A_31, %broadcast_in_dim3A_33 : vector<16xi1>, vector<16xi32>
      %eq3A_152 = arith.cmpf oeq, %gather3A_144, %get3A_62 : vector<16xf32>
      %select_n3A_153 = arith.select %eq3A_152, %broadcast_in_dim3A_31, %broadcast_in_dim3A_33 : vector<16xi1>, vector<16xi32>
      %lt3A_154 = arith.cmpi slt, %broadcast_in_dim3A_149, %add3A_64 : vector<16xi32>
      %select_n3A_155 = arith.select %lt3A_154, %broadcast_in_dim3A_31, %broadcast_in_dim3A_33 : vector<16xi1>, vector<16xi32>
      %add3A_156 = arith.addi %add3A_140, %select_n3A_151 : vector<16xi32>
      %mul3A_157 = arith.muli %select_n3A_153, %select_n3A_155 : vector<16xi32>
      %add3A_158 = arith.addi %add3A_156, %mul3A_157 : vector<16xi32>
      %broadcast_in_dim3A_159 = arith.constant 4 : i32
      %broadcast_in_dim3A_160 = vector.broadcast %broadcast_in_dim3A_159 : i32 to vector<16x1xi32>
      %gather3A_161 = vector.shape_cast %broadcast_in_dim3A_160 : vector<16x1xi32> to vector<16xi32>
      %gather3A_162 = tpu.dynamic_gather %get3A_88[%gather3A_161] in [0] : vector<16xf32>, vector<16xi32> -> vector<16xf32>
      %mul3A_163 = arith.constant 16 : i32
      %mul3A_164 = arith.muli %scan3A_82, %mul3A_163 : i32
      %add3A_165 = arith.constant 4 : i32
      %add3A_166 = arith.addi %mul3A_164, %add3A_165 : i32
      %broadcast_in_dim3A_167 = vector.broadcast %add3A_166 : i32 to vector<16xi32>
      %gt3A_168 = arith.cmpf ogt, %gather3A_162, %get3A_62 : vector<16xf32>
      %select_n3A_169 = arith.select %gt3A_168, %broadcast_in_dim3A_31, %broadcast_in_dim3A_33 : vector<16xi1>, vector<16xi32>
      %eq3A_170 = arith.cmpf oeq, %gather3A_162, %get3A_62 : vector<16xf32>
      %select_n3A_171 = arith.select %eq3A_170, %broadcast_in_dim3A_31, %broadcast_in_dim3A_33 : vector<16xi1>, vector<16xi32>
      %lt3A_172 = arith.cmpi slt, %broadcast_in_dim3A_167, %add3A_64 : vector<16xi32>
      %select_n3A_173 = arith.select %lt3A_172, %broadcast_in_dim3A_31, %broadcast_in_dim3A_33 : vector<16xi1>, vector<16xi32>
      %add3A_174 = arith.addi %add3A_158, %select_n3A_169 : vector<16xi32>
      %mul3A_175 = arith.muli %select_n3A_171, %select_n3A_173 : vector<16xi32>
      %add3A_176 = arith.addi %add3A_174, %mul3A_175 : vector<16xi32>
      %broadcast_in_dim3A_177 = arith.constant 5 : i32
      %broadcast_in_dim3A_178 = vector.broadcast %broadcast_in_dim3A_177 : i32 to vector<16x1xi32>
      %gather3A_179 = vector.shape_cast %broadcast_in_dim3A_178 : vector<16x1xi32> to vector<16xi32>
      %gather3A_180 = tpu.dynamic_gather %get3A_88[%gather3A_179] in [0] : vector<16xf32>, vector<16xi32> -> vector<16xf32>
      %mul3A_181 = arith.constant 16 : i32
      %mul3A_182 = arith.muli %scan3A_82, %mul3A_181 : i32
      %add3A_183 = arith.constant 5 : i32
      %add3A_184 = arith.addi %mul3A_182, %add3A_183 : i32
      %broadcast_in_dim3A_185 = vector.broadcast %add3A_184 : i32 to vector<16xi32>
      %gt3A_186 = arith.cmpf ogt, %gather3A_180, %get3A_62 : vector<16xf32>
      %select_n3A_187 = arith.select %gt3A_186, %broadcast_in_dim3A_31, %broadcast_in_dim3A_33 : vector<16xi1>, vector<16xi32>
      %eq3A_188 = arith.cmpf oeq, %gather3A_180, %get3A_62 : vector<16xf32>
      %select_n3A_189 = arith.select %eq3A_188, %broadcast_in_dim3A_31, %broadcast_in_dim3A_33 : vector<16xi1>, vector<16xi32>
      %lt3A_190 = arith.cmpi slt, %broadcast_in_dim3A_185, %add3A_64 : vector<16xi32>
      %select_n3A_191 = arith.select %lt3A_190, %broadcast_in_dim3A_31, %broadcast_in_dim3A_33 : vector<16xi1>, vector<16xi32>
      %add3A_192 = arith.addi %add3A_176, %select_n3A_187 : vector<16xi32>
      %mul3A_193 = arith.muli %select_n3A_189, %select_n3A_191 : vector<16xi32>
      %add3A_194 = arith.addi %add3A_192, %mul3A_193 : vector<16xi32>
      %broadcast_in_dim3A_195 = arith.constant 6 : i32
      %broadcast_in_dim3A_196 = vector.broadcast %broadcast_in_dim3A_195 : i32 to vector<16x1xi32>
      %gather3A_197 = vector.shape_cast %broadcast_in_dim3A_196 : vector<16x1xi32> to vector<16xi32>
      %gather3A_198 = tpu.dynamic_gather %get3A_88[%gather3A_197] in [0] : vector<16xf32>, vector<16xi32> -> vector<16xf32>
      %mul3A_199 = arith.constant 16 : i32
      %mul3A_200 = arith.muli %scan3A_82, %mul3A_199 : i32
      %add3A_201 = arith.constant 6 : i32
      %add3A_202 = arith.addi %mul3A_200, %add3A_201 : i32
      %broadcast_in_dim3A_203 = vector.broadcast %add3A_202 : i32 to vector<16xi32>
      %gt3A_204 = arith.cmpf ogt, %gather3A_198, %get3A_62 : vector<16xf32>
      %select_n3A_205 = arith.select %gt3A_204, %broadcast_in_dim3A_31, %broadcast_in_dim3A_33 : vector<16xi1>, vector<16xi32>
      %eq3A_206 = arith.cmpf oeq, %gather3A_198, %get3A_62 : vector<16xf32>
      %select_n3A_207 = arith.select %eq3A_206, %broadcast_in_dim3A_31, %broadcast_in_dim3A_33 : vector<16xi1>, vector<16xi32>
      %lt3A_208 = arith.cmpi slt, %broadcast_in_dim3A_203, %add3A_64 : vector<16xi32>
      %select_n3A_209 = arith.select %lt3A_208, %broadcast_in_dim3A_31, %broadcast_in_dim3A_33 : vector<16xi1>, vector<16xi32>
      %add3A_210 = arith.addi %add3A_194, %select_n3A_205 : vector<16xi32>
      %mul3A_211 = arith.muli %select_n3A_207, %select_n3A_209 : vector<16xi32>
      %add3A_212 = arith.addi %add3A_210, %mul3A_211 : vector<16xi32>
      %broadcast_in_dim3A_213 = arith.constant 7 : i32
      %broadcast_in_dim3A_214 = vector.broadcast %broadcast_in_dim3A_213 : i32 to vector<16x1xi32>
      %gather3A_215 = vector.shape_cast %broadcast_in_dim3A_214 : vector<16x1xi32> to vector<16xi32>
      %gather3A_216 = tpu.dynamic_gather %get3A_88[%gather3A_215] in [0] : vector<16xf32>, vector<16xi32> -> vector<16xf32>
      %mul3A_217 = arith.constant 16 : i32
      %mul3A_218 = arith.muli %scan3A_82, %mul3A_217 : i32
      %add3A_219 = arith.constant 7 : i32
      %add3A_220 = arith.addi %mul3A_218, %add3A_219 : i32
      %broadcast_in_dim3A_221 = vector.broadcast %add3A_220 : i32 to vector<16xi32>
      %gt3A_222 = arith.cmpf ogt, %gather3A_216, %get3A_62 : vector<16xf32>
      %select_n3A_223 = arith.select %gt3A_222, %broadcast_in_dim3A_31, %broadcast_in_dim3A_33 : vector<16xi1>, vector<16xi32>
      %eq3A_224 = arith.cmpf oeq, %gather3A_216, %get3A_62 : vector<16xf32>
      %select_n3A_225 = arith.select %eq3A_224, %broadcast_in_dim3A_31, %broadcast_in_dim3A_33 : vector<16xi1>, vector<16xi32>
      %lt3A_226 = arith.cmpi slt, %broadcast_in_dim3A_221, %add3A_64 : vector<16xi32>
      %select_n3A_227 = arith.select %lt3A_226, %broadcast_in_dim3A_31, %broadcast_in_dim3A_33 : vector<16xi1>, vector<16xi32>
      %add3A_228 = arith.addi %add3A_212, %select_n3A_223 : vector<16xi32>
      %mul3A_229 = arith.muli %select_n3A_225, %select_n3A_227 : vector<16xi32>
      %add3A_230 = arith.addi %add3A_228, %mul3A_229 : vector<16xi32>
      %broadcast_in_dim3A_231 = arith.constant 8 : i32
      %broadcast_in_dim3A_232 = vector.broadcast %broadcast_in_dim3A_231 : i32 to vector<16x1xi32>
      %gather3A_233 = vector.shape_cast %broadcast_in_dim3A_232 : vector<16x1xi32> to vector<16xi32>
      %gather3A_234 = tpu.dynamic_gather %get3A_88[%gather3A_233] in [0] : vector<16xf32>, vector<16xi32> -> vector<16xf32>
      %mul3A_235 = arith.constant 16 : i32
      %mul3A_236 = arith.muli %scan3A_82, %mul3A_235 : i32
      %add3A_237 = arith.constant 8 : i32
      %add3A_238 = arith.addi %mul3A_236, %add3A_237 : i32
      %broadcast_in_dim3A_239 = vector.broadcast %add3A_238 : i32 to vector<16xi32>
      %gt3A_240 = arith.cmpf ogt, %gather3A_234, %get3A_62 : vector<16xf32>
      %select_n3A_241 = arith.select %gt3A_240, %broadcast_in_dim3A_31, %broadcast_in_dim3A_33 : vector<16xi1>, vector<16xi32>
      %eq3A_242 = arith.cmpf oeq, %gather3A_234, %get3A_62 : vector<16xf32>
      %select_n3A_243 = arith.select %eq3A_242, %broadcast_in_dim3A_31, %broadcast_in_dim3A_33 : vector<16xi1>, vector<16xi32>
      %lt3A_244 = arith.cmpi slt, %broadcast_in_dim3A_239, %add3A_64 : vector<16xi32>
      %select_n3A_245 = arith.select %lt3A_244, %broadcast_in_dim3A_31, %broadcast_in_dim3A_33 : vector<16xi1>, vector<16xi32>
      %add3A_246 = arith.addi %add3A_230, %select_n3A_241 : vector<16xi32>
      %mul3A_247 = arith.muli %select_n3A_243, %select_n3A_245 : vector<16xi32>
      %add3A_248 = arith.addi %add3A_246, %mul3A_247 : vector<16xi32>
      %broadcast_in_dim3A_249 = arith.constant 9 : i32
      %broadcast_in_dim3A_250 = vector.broadcast %broadcast_in_dim3A_249 : i32 to vector<16x1xi32>
      %gather3A_251 = vector.shape_cast %broadcast_in_dim3A_250 : vector<16x1xi32> to vector<16xi32>
      %gather3A_252 = tpu.dynamic_gather %get3A_88[%gather3A_251] in [0] : vector<16xf32>, vector<16xi32> -> vector<16xf32>
      %mul3A_253 = arith.constant 16 : i32
      %mul3A_254 = arith.muli %scan3A_82, %mul3A_253 : i32
      %add3A_255 = arith.constant 9 : i32
      %add3A_256 = arith.addi %mul3A_254, %add3A_255 : i32
      %broadcast_in_dim3A_257 = vector.broadcast %add3A_256 : i32 to vector<16xi32>
      %gt3A_258 = arith.cmpf ogt, %gather3A_252, %get3A_62 : vector<16xf32>
      %select_n3A_259 = arith.select %gt3A_258, %broadcast_in_dim3A_31, %broadcast_in_dim3A_33 : vector<16xi1>, vector<16xi32>
      %eq3A_260 = arith.cmpf oeq, %gather3A_252, %get3A_62 : vector<16xf32>
      %select_n3A_261 = arith.select %eq3A_260, %broadcast_in_dim3A_31, %broadcast_in_dim3A_33 : vector<16xi1>, vector<16xi32>
      %lt3A_262 = arith.cmpi slt, %broadcast_in_dim3A_257, %add3A_64 : vector<16xi32>
      %select_n3A_263 = arith.select %lt3A_262, %broadcast_in_dim3A_31, %broadcast_in_dim3A_33 : vector<16xi1>, vector<16xi32>
      %add3A_264 = arith.addi %add3A_248, %select_n3A_259 : vector<16xi32>
      %mul3A_265 = arith.muli %select_n3A_261, %select_n3A_263 : vector<16xi32>
      %add3A_266 = arith.addi %add3A_264, %mul3A_265 : vector<16xi32>
      %broadcast_in_dim3A_267 = arith.constant 10 : i32
      %broadcast_in_dim3A_268 = vector.broadcast %broadcast_in_dim3A_267 : i32 to vector<16x1xi32>
      %gather3A_269 = vector.shape_cast %broadcast_in_dim3A_268 : vector<16x1xi32> to vector<16xi32>
      %gather3A_270 = tpu.dynamic_gather %get3A_88[%gather3A_269] in [0] : vector<16xf32>, vector<16xi32> -> vector<16xf32>
      %mul3A_271 = arith.constant 16 : i32
      %mul3A_272 = arith.muli %scan3A_82, %mul3A_271 : i32
      %add3A_273 = arith.constant 10 : i32
      %add3A_274 = arith.addi %mul3A_272, %add3A_273 : i32
      %broadcast_in_dim3A_275 = vector.broadcast %add3A_274 : i32 to vector<16xi32>
      %gt3A_276 = arith.cmpf ogt, %gather3A_270, %get3A_62 : vector<16xf32>
      %select_n3A_277 = arith.select %gt3A_276, %broadcast_in_dim3A_31, %broadcast_in_dim3A_33 : vector<16xi1>, vector<16xi32>
      %eq3A_278 = arith.cmpf oeq, %gather3A_270, %get3A_62 : vector<16xf32>
      %select_n3A_279 = arith.select %eq3A_278, %broadcast_in_dim3A_31, %broadcast_in_dim3A_33 : vector<16xi1>, vector<16xi32>
      %lt3A_280 = arith.cmpi slt, %broadcast_in_dim3A_275, %add3A_64 : vector<16xi32>
      %select_n3A_281 = arith.select %lt3A_280, %broadcast_in_dim3A_31, %broadcast_in_dim3A_33 : vector<16xi1>, vector<16xi32>
      %add3A_282 = arith.addi %add3A_266, %select_n3A_277 : vector<16xi32>
      %mul3A_283 = arith.muli %select_n3A_279, %select_n3A_281 : vector<16xi32>
      %add3A_284 = arith.addi %add3A_282, %mul3A_283 : vector<16xi32>
      %broadcast_in_dim3A_285 = arith.constant 11 : i32
      %broadcast_in_dim3A_286 = vector.broadcast %broadcast_in_dim3A_285 : i32 to vector<16x1xi32>
      %gather3A_287 = vector.shape_cast %broadcast_in_dim3A_286 : vector<16x1xi32> to vector<16xi32>
      %gather3A_288 = tpu.dynamic_gather %get3A_88[%gather3A_287] in [0] : vector<16xf32>, vector<16xi32> -> vector<16xf32>
      %mul3A_289 = arith.constant 16 : i32
      %mul3A_290 = arith.muli %scan3A_82, %mul3A_289 : i32
      %add3A_291 = arith.constant 11 : i32
      %add3A_292 = arith.addi %mul3A_290, %add3A_291 : i32
      %broadcast_in_dim3A_293 = vector.broadcast %add3A_292 : i32 to vector<16xi32>
      %gt3A_294 = arith.cmpf ogt, %gather3A_288, %get3A_62 : vector<16xf32>
      %select_n3A_295 = arith.select %gt3A_294, %broadcast_in_dim3A_31, %broadcast_in_dim3A_33 : vector<16xi1>, vector<16xi32>
      %eq3A_296 = arith.cmpf oeq, %gather3A_288, %get3A_62 : vector<16xf32>
      %select_n3A_297 = arith.select %eq3A_296, %broadcast_in_dim3A_31, %broadcast_in_dim3A_33 : vector<16xi1>, vector<16xi32>
      %lt3A_298 = arith.cmpi slt, %broadcast_in_dim3A_293, %add3A_64 : vector<16xi32>
      %select_n3A_299 = arith.select %lt3A_298, %broadcast_in_dim3A_31, %broadcast_in_dim3A_33 : vector<16xi1>, vector<16xi32>
      %add3A_300 = arith.addi %add3A_284, %select_n3A_295 : vector<16xi32>
      %mul3A_301 = arith.muli %select_n3A_297, %select_n3A_299 : vector<16xi32>
      %add3A_302 = arith.addi %add3A_300, %mul3A_301 : vector<16xi32>
      %broadcast_in_dim3A_303 = arith.constant 12 : i32
      %broadcast_in_dim3A_304 = vector.broadcast %broadcast_in_dim3A_303 : i32 to vector<16x1xi32>
      %gather3A_305 = vector.shape_cast %broadcast_in_dim3A_304 : vector<16x1xi32> to vector<16xi32>
      %gather3A_306 = tpu.dynamic_gather %get3A_88[%gather3A_305] in [0] : vector<16xf32>, vector<16xi32> -> vector<16xf32>
      %mul3A_307 = arith.constant 16 : i32
      %mul3A_308 = arith.muli %scan3A_82, %mul3A_307 : i32
      %add3A_309 = arith.constant 12 : i32
      %add3A_310 = arith.addi %mul3A_308, %add3A_309 : i32
      %broadcast_in_dim3A_311 = vector.broadcast %add3A_310 : i32 to vector<16xi32>
      %gt3A_312 = arith.cmpf ogt, %gather3A_306, %get3A_62 : vector<16xf32>
      %select_n3A_313 = arith.select %gt3A_312, %broadcast_in_dim3A_31, %broadcast_in_dim3A_33 : vector<16xi1>, vector<16xi32>
      %eq3A_314 = arith.cmpf oeq, %gather3A_306, %get3A_62 : vector<16xf32>
      %select_n3A_315 = arith.select %eq3A_314, %broadcast_in_dim3A_31, %broadcast_in_dim3A_33 : vector<16xi1>, vector<16xi32>
      %lt3A_316 = arith.cmpi slt, %broadcast_in_dim3A_311, %add3A_64 : vector<16xi32>
      %select_n3A_317 = arith.select %lt3A_316, %broadcast_in_dim3A_31, %broadcast_in_dim3A_33 : vector<16xi1>, vector<16xi32>
      %add3A_318 = arith.addi %add3A_302, %select_n3A_313 : vector<16xi32>
      %mul3A_319 = arith.muli %select_n3A_315, %select_n3A_317 : vector<16xi32>
      %add3A_320 = arith.addi %add3A_318, %mul3A_319 : vector<16xi32>
      %broadcast_in_dim3A_321 = arith.constant 13 : i32
      %broadcast_in_dim3A_322 = vector.broadcast %broadcast_in_dim3A_321 : i32 to vector<16x1xi32>
      %gather3A_323 = vector.shape_cast %broadcast_in_dim3A_322 : vector<16x1xi32> to vector<16xi32>
      %gather3A_324 = tpu.dynamic_gather %get3A_88[%gather3A_323] in [0] : vector<16xf32>, vector<16xi32> -> vector<16xf32>
      %mul3A_325 = arith.constant 16 : i32
      %mul3A_326 = arith.muli %scan3A_82, %mul3A_325 : i32
      %add3A_327 = arith.constant 13 : i32
      %add3A_328 = arith.addi %mul3A_326, %add3A_327 : i32
      %broadcast_in_dim3A_329 = vector.broadcast %add3A_328 : i32 to vector<16xi32>
      %gt3A_330 = arith.cmpf ogt, %gather3A_324, %get3A_62 : vector<16xf32>
      %select_n3A_331 = arith.select %gt3A_330, %broadcast_in_dim3A_31, %broadcast_in_dim3A_33 : vector<16xi1>, vector<16xi32>
      %eq3A_332 = arith.cmpf oeq, %gather3A_324, %get3A_62 : vector<16xf32>
      %select_n3A_333 = arith.select %eq3A_332, %broadcast_in_dim3A_31, %broadcast_in_dim3A_33 : vector<16xi1>, vector<16xi32>
      %lt3A_334 = arith.cmpi slt, %broadcast_in_dim3A_329, %add3A_64 : vector<16xi32>
      %select_n3A_335 = arith.select %lt3A_334, %broadcast_in_dim3A_31, %broadcast_in_dim3A_33 : vector<16xi1>, vector<16xi32>
      %add3A_336 = arith.addi %add3A_320, %select_n3A_331 : vector<16xi32>
      %mul3A_337 = arith.muli %select_n3A_333, %select_n3A_335 : vector<16xi32>
      %add3A_338 = arith.addi %add3A_336, %mul3A_337 : vector<16xi32>
      %broadcast_in_dim3A_339 = arith.constant 14 : i32
      %broadcast_in_dim3A_340 = vector.broadcast %broadcast_in_dim3A_339 : i32 to vector<16x1xi32>
      %gather3A_341 = vector.shape_cast %broadcast_in_dim3A_340 : vector<16x1xi32> to vector<16xi32>
      %gather3A_342 = tpu.dynamic_gather %get3A_88[%gather3A_341] in [0] : vector<16xf32>, vector<16xi32> -> vector<16xf32>
      %mul3A_343 = arith.constant 16 : i32
      %mul3A_344 = arith.muli %scan3A_82, %mul3A_343 : i32
      %add3A_345 = arith.constant 14 : i32
      %add3A_346 = arith.addi %mul3A_344, %add3A_345 : i32
      %broadcast_in_dim3A_347 = vector.broadcast %add3A_346 : i32 to vector<16xi32>
      %gt3A_348 = arith.cmpf ogt, %gather3A_342, %get3A_62 : vector<16xf32>
      %select_n3A_349 = arith.select %gt3A_348, %broadcast_in_dim3A_31, %broadcast_in_dim3A_33 : vector<16xi1>, vector<16xi32>
      %eq3A_350 = arith.cmpf oeq, %gather3A_342, %get3A_62 : vector<16xf32>
      %select_n3A_351 = arith.select %eq3A_350, %broadcast_in_dim3A_31, %broadcast_in_dim3A_33 : vector<16xi1>, vector<16xi32>
      %lt3A_352 = arith.cmpi slt, %broadcast_in_dim3A_347, %add3A_64 : vector<16xi32>
      %select_n3A_353 = arith.select %lt3A_352, %broadcast_in_dim3A_31, %broadcast_in_dim3A_33 : vector<16xi1>, vector<16xi32>
      %add3A_354 = arith.addi %add3A_338, %select_n3A_349 : vector<16xi32>
      %mul3A_355 = arith.muli %select_n3A_351, %select_n3A_353 : vector<16xi32>
      %add3A_356 = arith.addi %add3A_354, %mul3A_355 : vector<16xi32>
      %broadcast_in_dim3A_357 = arith.constant 15 : i32
      %broadcast_in_dim3A_358 = vector.broadcast %broadcast_in_dim3A_357 : i32 to vector<16x1xi32>
      %gather3A_359 = vector.shape_cast %broadcast_in_dim3A_358 : vector<16x1xi32> to vector<16xi32>
      %gather3A_360 = tpu.dynamic_gather %get3A_88[%gather3A_359] in [0] : vector<16xf32>, vector<16xi32> -> vector<16xf32>
      %mul3A_361 = arith.constant 16 : i32
      %mul3A_362 = arith.muli %scan3A_82, %mul3A_361 : i32
      %add3A_363 = arith.constant 15 : i32
      %add3A_364 = arith.addi %mul3A_362, %add3A_363 : i32
      %broadcast_in_dim3A_365 = vector.broadcast %add3A_364 : i32 to vector<16xi32>
      %gt3A_366 = arith.cmpf ogt, %gather3A_360, %get3A_62 : vector<16xf32>
      %select_n3A_367 = arith.select %gt3A_366, %broadcast_in_dim3A_31, %broadcast_in_dim3A_33 : vector<16xi1>, vector<16xi32>
      %eq3A_368 = arith.cmpf oeq, %gather3A_360, %get3A_62 : vector<16xf32>
      %select_n3A_369 = arith.select %eq3A_368, %broadcast_in_dim3A_31, %broadcast_in_dim3A_33 : vector<16xi1>, vector<16xi32>
      %lt3A_370 = arith.cmpi slt, %broadcast_in_dim3A_365, %add3A_64 : vector<16xi32>
      %select_n3A_371 = arith.select %lt3A_370, %broadcast_in_dim3A_31, %broadcast_in_dim3A_33 : vector<16xi1>, vector<16xi32>
      %add3A_372 = arith.addi %add3A_356, %select_n3A_367 : vector<16xi32>
      %mul3A_373 = arith.muli %select_n3A_369, %select_n3A_371 : vector<16xi32>
      %add3A_374 = arith.addi %add3A_372, %mul3A_373 : vector<16xi32>
      scf.yield %add3A_374 : vector<16xi32>
    }
    %scan3A_72 = arith.constant 16 : i32
    %swap3A_73 = arith.constant 16 : index
    %swap3A_74 = tpu.vector_load %arg5[%swap3A_73] {strides = array<i32>} : memref<32xi32, #tpu.memory_space<vmem>>, vector<16xi32>,
    %swap3A_75 = vector.shape_cast %swap3A_74 : vector<16xi32> to vector<16xi32>
    %swap3A_76 = vector.shape_cast %scan3A_71 : vector<16xi32> to vector<16xi32>
    tpu.vector_store %arg5[%swap3A_73], %swap3A_76 {strides = array<i32>} : memref<32xi32, #tpu.memory_space<vmem>>, vector<16xi32>,
    %mul3A_77 = arith.constant 256 : i32
    %mul3A_78 = arith.muli %add3A_30, %mul3A_77 : i32
    %mul3A_79 = arith.constant 32 : i32
    %mul3A_80 = arith.muli %select_n3A_28, %mul3A_79 : i32
    %add3A_81 = arith.addi %mul3A_78, %mul3A_80 : i32
    "tpu.region"() ({
      %run_scoped3A = tpu.sem_alloc : memref<!tpu.dma_semaphore, #tpu.memory_space<semaphore_mem>>
      %dma_start3A = tpu.memref_slice %arg3[%add3A_81] : memref<1024xi32, #tpu.memory_space<hbm>> -> memref<32xi32, #tpu.memory_space<hbm>>
      %dma_start3A_82 = tpu.memref_slice %arg3[%add3A_81] : memref<1024xi32, #tpu.memory_space<hbm>> -> memref<32xi32, #tpu.memory_space<hbm>>
      tpu.enqueue_dma source(%arg5 : memref<32xi32, #tpu.memory_space<vmem>>) target(%dma_start3A_82 : memref<32xi32, #tpu.memory_space<hbm>>) target_semaphore(%run_scoped3A : memref<!tpu.dma_semaphore, #tpu.memory_space<semaphore_mem>>)
      %dma_wait3A = tpu.memref_slice %arg3[%add3A_81] : memref<1024xi32, #tpu.memory_space<hbm>> -> memref<32xi32, #tpu.memory_space<hbm>>
      %dma_wait3A_83 = tpu.memref_slice %arg3[%add3A_81] : memref<1024xi32, #tpu.memory_space<hbm>> -> memref<32xi32, #tpu.memory_space<hbm>>
      tpu.wait_dma2 semaphore(%run_scoped3A : memref<!tpu.dma_semaphore, #tpu.memory_space<semaphore_mem>>) src(%arg5 : memref<32xi32, #tpu.memory_space<vmem>>) dst(%dma_wait3A_83 : memref<32xi32, #tpu.memory_space<hbm>>)
      tpu.yield
    }) : () -> ()
    return
  }
}

module attributes {stable_mosaic.version = 14 : i64} {
  func.func @_pre_body(%arg0: i32, %arg1: memref<1x256x128xf32, #tpu.memory_space<vmem>>, %arg2: memref<1x256x1xf32, #tpu.memory_space<vmem>>, %arg3: memref<128x128xf32, #tpu.memory_space<vmem>>, %arg4: memref<1x128xf32, #tpu.memory_space<vmem>>, %arg5: memref<128x128xf32, #tpu.memory_space<vmem>>, %arg6: memref<1x128xf32, #tpu.memory_space<vmem>>, %arg7: memref<1x128xf32, #tpu.memory_space<vmem>>, %arg8: memref<1x1x256xf32, #tpu.memory_space<vmem>>) attributes {dimension_semantics = [#tpu.dimension_semantics<arbitrary>], iteration_bounds = array<i64: 4>, scalar_prefetch = 0 : i64, scratch_operands = 0 : i64, tpu.core_type = #tpu.core_type<tc>, window_params = [{transform_indices = @transform_0, window_bounds = array<i64: 1, 256, 128>}, {transform_indices = @transform_1, window_bounds = array<i64: 1, 256, 1>}, {pipeline_mode = #tpu.pipeline_mode<synchronous>, transform_indices = @transform_2, window_bounds = array<i64: 128, 128>}, {pipeline_mode = #tpu.pipeline_mode<synchronous>, transform_indices = @transform_3, window_bounds = array<i64: 1, 128>}, {pipeline_mode = #tpu.pipeline_mode<synchronous>, transform_indices = @transform_4, window_bounds = array<i64: 128, 128>}, {pipeline_mode = #tpu.pipeline_mode<synchronous>, transform_indices = @transform_5, window_bounds = array<i64: 1, 128>}, {pipeline_mode = #tpu.pipeline_mode<synchronous>, transform_indices = @transform_6, window_bounds = array<i64: 1, 128>}, {transform_indices = @transform_7, window_bounds = array<i64: 1, 1, 256>}]} {
    %get3A = arith.constant 0 : index
    %get3A_0 = arith.constant 0 : index
    %get3A_1 = vector.load %arg3[%get3A, %get3A_0] : memref<128x128xf32, #tpu.memory_space<vmem>>, vector<128x128xf32>
    %get3A_2 = arith.constant 0 : index
    %get3A_3 = arith.constant 0 : index
    %get3A_4 = vector.load %arg4[%get3A_2, %get3A_3] : memref<1x128xf32, #tpu.memory_space<vmem>>, vector<1x128xf32>
    %get3A_5 = arith.constant 0 : index
    %get3A_6 = arith.constant 0 : index
    %get3A_7 = vector.load %arg5[%get3A_5, %get3A_6] : memref<128x128xf32, #tpu.memory_space<vmem>>, vector<128x128xf32>
    %get3A_8 = arith.constant 0 : index
    %get3A_9 = arith.constant 0 : index
    %get3A_10 = vector.load %arg6[%get3A_8, %get3A_9] : memref<1x128xf32, #tpu.memory_space<vmem>>, vector<1x128xf32>
    %get3A_11 = arith.constant 0 : index
    %get3A_12 = arith.constant 0 : index
    %get3A_13 = vector.load %arg7[%get3A_11, %get3A_12] : memref<1x128xf32, #tpu.memory_space<vmem>>, vector<1x128xf32>
    %get3A_14 = arith.constant 0 : index
    %get3A_15 = arith.constant 0 : index
    %get3A_16 = arith.constant 0 : index
    %get3A_17 = vector.load %arg1[%get3A_14, %get3A_15, %get3A_16] : memref<1x256x128xf32, #tpu.memory_space<vmem>>, vector<1x256x128xf32>
    %get3A_18 = vector.shape_cast %get3A_17 : vector<1x256x128xf32> to vector<256x128xf32>
    %get3A_19 = arith.constant 0 : index
    %get3A_20 = arith.constant 0 : index
    %get3A_21 = arith.constant 0 : index
    %get3A_22 = vector.load %arg2[%get3A_19, %get3A_20, %get3A_21] : memref<1x256x1xf32, #tpu.memory_space<vmem>>, vector<1x256x1xf32>
    %get3A_23 = vector.shape_cast %get3A_22 : vector<1x256x1xf32> to vector<256x1xf32>
    %mul3A = vector.broadcast %get3A_23 : vector<256x1xf32> to vector<256x128xf32>
    %mul3A_24 = arith.mulf %get3A_18, %mul3A : vector<256x128xf32>
    %dot_general3A = arith.constant dense<0.000000e+00> : vector<256x128xf32>
    %dot_general3A_25 = tpu.matmul %mul3A_24, %get3A_1, %dot_general3A {dimension_numbers = #tpu.dot_dimension_numbers<[1], [0], [0], [1], [0, 0, 1, 1], [], []>, transpose_lhs_hint = false} : vector<256x128xf32>, vector<128x128xf32>, vector<256x128xf32> -> vector<256x128xf32>
    %add3A = vector.broadcast %get3A_4 : vector<1x128xf32> to vector<256x128xf32>
    %add3A_26 = arith.addf %dot_general3A_25, %add3A : vector<256x128xf32>
    %max3A = arith.constant 0.000000e+00 : f32
    %max3A_27 = vector.broadcast %max3A : f32 to vector<256x128xf32>
    %max3A_28 = arith.maximumf %add3A_26, %max3A_27 : vector<256x128xf32>
    %dot_general3A_29 = arith.constant dense<0.000000e+00> : vector<256x128xf32>
    %dot_general3A_30 = tpu.matmul %max3A_28, %get3A_7, %dot_general3A_29 {dimension_numbers = #tpu.dot_dimension_numbers<[1], [0], [0], [1], [0, 0, 1, 1], [], []>, transpose_lhs_hint = false} : vector<256x128xf32>, vector<128x128xf32>, vector<256x128xf32> -> vector<256x128xf32>
    %add3A_31 = vector.broadcast %get3A_10 : vector<1x128xf32> to vector<256x128xf32>
    %add3A_32 = arith.addf %dot_general3A_30, %add3A_31 : vector<256x128xf32>
    %max3A_33 = arith.constant 0.000000e+00 : f32
    %max3A_34 = vector.broadcast %max3A_33 : f32 to vector<256x128xf32>
    %max3A_35 = arith.maximumf %add3A_32, %max3A_34 : vector<256x128xf32>
    %dot_general3A_36 = arith.constant dense<0.000000e+00> : vector<1x256xf32>
    %dot_general3A_37 = tpu.matmul %get3A_13, %max3A_35, %dot_general3A_36 {dimension_numbers = #tpu.dot_dimension_numbers<[1], [1], [0], [0], [0, 0, 1, 0], [], []>, transpose_lhs_hint = false} : vector<1x128xf32>, vector<256x128xf32>, vector<1x256xf32> -> vector<1x256xf32>
    %tanh3A = math.tanh %dot_general3A_37 : vector<1x256xf32>
    %swap3A = arith.constant 0 : index
    %swap3A_38 = arith.constant 0 : index
    %swap3A_39 = arith.constant 0 : index
    %swap3A_40 = vector.load %arg8[%swap3A, %swap3A_38, %swap3A_39] : memref<1x1x256xf32, #tpu.memory_space<vmem>>, vector<1x1x256xf32>
    %swap3A_41 = vector.shape_cast %swap3A_40 : vector<1x1x256xf32> to vector<1x256xf32>
    %swap3A_42 = vector.shape_cast %tanh3A : vector<1x256xf32> to vector<1x1x256xf32>
    tpu.vector_store %arg8[%swap3A, %swap3A_38, %swap3A_39], %swap3A_42 {strides = array<i32>} : memref<1x1x256xf32, #tpu.memory_space<vmem>>, vector<1x1x256xf32>,
    return
  }
  func.func @transform_0(%arg0: i32) -> (i32, i32, i32) {
    %c0_i32 = arith.constant 0 : i32
    %c0_i32_0 = arith.constant 0 : i32
    %c0_i32_1 = arith.constant 0 : i32
    return %arg0, %c0_i32, %c0_i32_0 : i32, i32, i32
  }
  func.func @transform_1(%arg0: i32) -> (i32, i32, i32) {
    %c0_i32 = arith.constant 0 : i32
    %c0_i32_0 = arith.constant 0 : i32
    %c0_i32_1 = arith.constant 0 : i32
    return %arg0, %c0_i32, %c0_i32_0 : i32, i32, i32
  }
  func.func @transform_2(%arg0: i32) -> (i32, i32) {
    %c0_i32 = arith.constant 0 : i32
    %c0_i32_0 = arith.constant 0 : i32
    %c0_i32_1 = arith.constant 0 : i32
    return %c0_i32, %c0_i32_0 : i32, i32
  }
  func.func @transform_3(%arg0: i32) -> (i32, i32) {
    %c0_i32 = arith.constant 0 : i32
    %c0_i32_0 = arith.constant 0 : i32
    %c0_i32_1 = arith.constant 0 : i32
    return %c0_i32, %c0_i32_0 : i32, i32
  }
  func.func @transform_4(%arg0: i32) -> (i32, i32) {
    %c0_i32 = arith.constant 0 : i32
    %c0_i32_0 = arith.constant 0 : i32
    %c0_i32_1 = arith.constant 0 : i32
    return %c0_i32, %c0_i32_0 : i32, i32
  }
  func.func @transform_5(%arg0: i32) -> (i32, i32) {
    %c0_i32 = arith.constant 0 : i32
    %c0_i32_0 = arith.constant 0 : i32
    %c0_i32_1 = arith.constant 0 : i32
    return %c0_i32, %c0_i32_0 : i32, i32
  }
  func.func @transform_6(%arg0: i32) -> (i32, i32) {
    %c0_i32 = arith.constant 0 : i32
    %c0_i32_0 = arith.constant 0 : i32
    %c0_i32_1 = arith.constant 0 : i32
    return %c0_i32, %c0_i32_0 : i32, i32
  }
  func.func @transform_7(%arg0: i32) -> (i32, i32, i32) {
    %c0_i32 = arith.constant 0 : i32
    %c0_i32_0 = arith.constant 0 : i32
    %c0_i32_1 = arith.constant 0 : i32
    return %arg0, %c0_i32, %c0_i32_0 : i32, i32, i32
  }
}

module attributes {stable_mosaic.version = 14 : i64} {
  func.func @_post_body(%arg0: i32, %arg1: memref<1x256x3xf32, #tpu.memory_space<vmem>>, %arg2: memref<1x256x128xf32, #tpu.memory_space<vmem>>, %arg3: memref<1x256x1xf32, #tpu.memory_space<vmem>>, %arg4: memref<1x1x256xi32, #tpu.memory_space<vmem>>, %arg5: memref<128x128xf32, #tpu.memory_space<vmem>>, %arg6: memref<1x128xf32, #tpu.memory_space<vmem>>, %arg7: memref<128x128xf32, #tpu.memory_space<vmem>>, %arg8: memref<1x128xf32, #tpu.memory_space<vmem>>, %arg9: memref<1x128xf32, #tpu.memory_space<vmem>>, %arg10: memref<128x128xf32, #tpu.memory_space<vmem>>, %arg11: memref<16x128xf32, #tpu.memory_space<vmem>>, %arg12: memref<1x128xf32, #tpu.memory_space<vmem>>, %arg13: memref<1x128xf32, #tpu.memory_space<vmem>>, %arg14: memref<1x128xf32, #tpu.memory_space<vmem>>, %arg15: memref<128x256xf32, #tpu.memory_space<vmem>>, %arg16: memref<1x256xf32, #tpu.memory_space<vmem>>, %arg17: memref<256x256xf32, #tpu.memory_space<vmem>>, %arg18: memref<1x256xf32, #tpu.memory_space<vmem>>, %arg19: memref<256x128xf32, #tpu.memory_space<vmem>>, %arg20: memref<1x128xf32, #tpu.memory_space<vmem>>, %arg21: memref<1x128xf32, #tpu.memory_space<vmem>>, %arg22: memref<1x128xf32, #tpu.memory_space<vmem>>, %arg23: memref<128x128xf32, #tpu.memory_space<vmem>>, %arg24: memref<16x128xf32, #tpu.memory_space<vmem>>, %arg25: memref<1x128xf32, #tpu.memory_space<vmem>>, %arg26: memref<1x128xf32, #tpu.memory_space<vmem>>, %arg27: memref<1x128xf32, #tpu.memory_space<vmem>>, %arg28: memref<128x256xf32, #tpu.memory_space<vmem>>, %arg29: memref<1x256xf32, #tpu.memory_space<vmem>>, %arg30: memref<256x256xf32, #tpu.memory_space<vmem>>, %arg31: memref<1x256xf32, #tpu.memory_space<vmem>>, %arg32: memref<256x128xf32, #tpu.memory_space<vmem>>, %arg33: memref<1x128xf32, #tpu.memory_space<vmem>>, %arg34: memref<1x128xf32, #tpu.memory_space<vmem>>, %arg35: memref<1x128xf32, #tpu.memory_space<vmem>>, %arg36: memref<128x128xf32, #tpu.memory_space<vmem>>, %arg37: memref<16x128xf32, #tpu.memory_space<vmem>>, %arg38: memref<1x128xf32, #tpu.memory_space<vmem>>, %arg39: memref<1x128xf32, #tpu.memory_space<vmem>>, %arg40: memref<1x128xf32, #tpu.memory_space<vmem>>, %arg41: memref<128x256xf32, #tpu.memory_space<vmem>>, %arg42: memref<1x256xf32, #tpu.memory_space<vmem>>, %arg43: memref<256x256xf32, #tpu.memory_space<vmem>>, %arg44: memref<1x256xf32, #tpu.memory_space<vmem>>, %arg45: memref<256x128xf32, #tpu.memory_space<vmem>>, %arg46: memref<1x128xf32, #tpu.memory_space<vmem>>, %arg47: memref<1x128xf32, #tpu.memory_space<vmem>>, %arg48: memref<1x128xf32, #tpu.memory_space<vmem>>, %arg49: memref<128x256xf32, #tpu.memory_space<vmem>>, %arg50: memref<128x256xf32, #tpu.memory_space<vmem>>, %arg51: memref<16x256xf32, #tpu.memory_space<vmem>>, %arg52: memref<1x256xf32, #tpu.memory_space<vmem>>, %arg53: memref<256x256xf32, #tpu.memory_space<vmem>>, %arg54: memref<1x256xf32, #tpu.memory_space<vmem>>, %arg55: memref<256x128xf32, #tpu.memory_space<vmem>>, %arg56: memref<1x128xf32, #tpu.memory_space<vmem>>, %arg57: memref<1x128xf32, #tpu.memory_space<vmem>>, %arg58: memref<1x128xf32, #tpu.memory_space<vmem>>, %arg59: memref<128x256xf32, #tpu.memory_space<vmem>>, %arg60: memref<1x256xf32, #tpu.memory_space<vmem>>, %arg61: memref<256x256xf32, #tpu.memory_space<vmem>>, %arg62: memref<1x256xf32, #tpu.memory_space<vmem>>, %arg63: memref<256x128xf32, #tpu.memory_space<vmem>>, %arg64: memref<1x128xf32, #tpu.memory_space<vmem>>, %arg65: memref<1x128xf32, #tpu.memory_space<vmem>>, %arg66: memref<1x128xf32, #tpu.memory_space<vmem>>, %arg67: memref<1x256x128xf32, #tpu.memory_space<vmem>>) attributes {dimension_semantics = [#tpu.dimension_semantics<arbitrary>], iteration_bounds = array<i64: 4>, scalar_prefetch = 0 : i64, scratch_operands = 0 : i64, tpu.core_type = #tpu.core_type<tc>, window_params = [{transform_indices = @transform_0, window_bounds = array<i64: 1, 256, 3>}, {transform_indices = @transform_1, window_bounds = array<i64: 1, 256, 128>}, {transform_indices = @transform_2, window_bounds = array<i64: 1, 256, 1>}, {transform_indices = @transform_3, window_bounds = array<i64: 1, 1, 256>}, {pipeline_mode = #tpu.pipeline_mode<synchronous>, transform_indices = @transform_4, window_bounds = array<i64: 128, 128>}, {pipeline_mode = #tpu.pipeline_mode<synchronous>, transform_indices = @transform_5, window_bounds = array<i64: 1, 128>}, {pipeline_mode = #tpu.pipeline_mode<synchronous>, transform_indices = @transform_6, window_bounds = array<i64: 128, 128>}, {pipeline_mode = #tpu.pipeline_mode<synchronous>, transform_indices = @transform_7, window_bounds = array<i64: 1, 128>}, {pipeline_mode = #tpu.pipeline_mode<synchronous>, transform_indices = @transform_8, window_bounds = array<i64: 1, 128>}, {pipeline_mode = #tpu.pipeline_mode<synchronous>, transform_indices = @transform_9, window_bounds = array<i64: 128, 128>}, {pipeline_mode = #tpu.pipeline_mode<synchronous>, transform_indices = @transform_10, window_bounds = array<i64: 16, 128>}, {pipeline_mode = #tpu.pipeline_mode<synchronous>, transform_indices = @transform_11, window_bounds = array<i64: 1, 128>}, {pipeline_mode = #tpu.pipeline_mode<synchronous>, transform_indices = @transform_12, window_bounds = array<i64: 1, 128>}, {pipeline_mode = #tpu.pipeline_mode<synchronous>, transform_indices = @transform_13, window_bounds = array<i64: 1, 128>}, {pipeline_mode = #tpu.pipeline_mode<synchronous>, transform_indices = @transform_14, window_bounds = array<i64: 128, 256>}, {pipeline_mode = #tpu.pipeline_mode<synchronous>, transform_indices = @transform_15, window_bounds = array<i64: 1, 256>}, {pipeline_mode = #tpu.pipeline_mode<synchronous>, transform_indices = @transform_16, window_bounds = array<i64: 256, 256>}, {pipeline_mode = #tpu.pipeline_mode<synchronous>, transform_indices = @transform_17, window_bounds = array<i64: 1, 256>}, {pipeline_mode = #tpu.pipeline_mode<synchronous>, transform_indices = @transform_18, window_bounds = array<i64: 256, 128>}, {pipeline_mode = #tpu.pipeline_mode<synchronous>, transform_indices = @transform_19, window_bounds = array<i64: 1, 128>}, {pipeline_mode = #tpu.pipeline_mode<synchronous>, transform_indices = @transform_20, window_bounds = array<i64: 1, 128>}, {pipeline_mode = #tpu.pipeline_mode<synchronous>, transform_indices = @transform_21, window_bounds = array<i64: 1, 128>}, {pipeline_mode = #tpu.pipeline_mode<synchronous>, transform_indices = @transform_22, window_bounds = array<i64: 128, 128>}, {pipeline_mode = #tpu.pipeline_mode<synchronous>, transform_indices = @transform_23, window_bounds = array<i64: 16, 128>}, {pipeline_mode = #tpu.pipeline_mode<synchronous>, transform_indices = @transform_24, window_bounds = array<i64: 1, 128>}, {pipeline_mode = #tpu.pipeline_mode<synchronous>, transform_indices = @transform_25, window_bounds = array<i64: 1, 128>}, {pipeline_mode = #tpu.pipeline_mode<synchronous>, transform_indices = @transform_26, window_bounds = array<i64: 1, 128>}, {pipeline_mode = #tpu.pipeline_mode<synchronous>, transform_indices = @transform_27, window_bounds = array<i64: 128, 256>}, {pipeline_mode = #tpu.pipeline_mode<synchronous>, transform_indices = @transform_28, window_bounds = array<i64: 1, 256>}, {pipeline_mode = #tpu.pipeline_mode<synchronous>, transform_indices = @transform_29, window_bounds = array<i64: 256, 256>}, {pipeline_mode = #tpu.pipeline_mode<synchronous>, transform_indices = @transform_30, window_bounds = array<i64: 1, 256>}, {pipeline_mode = #tpu.pipeline_mode<synchronous>, transform_indices = @transform_31, window_bounds = array<i64: 256, 128>}, {pipeline_mode = #tpu.pipeline_mode<synchronous>, transform_indices = @transform_32, window_bounds = array<i64: 1, 128>}, {pipeline_mode = #tpu.pipeline_mode<synchronous>, transform_indices = @transform_33, window_bounds = array<i64: 1, 128>}, {pipeline_mode = #tpu.pipeline_mode<synchronous>, transform_indices = @transform_34, window_bounds = array<i64: 1, 128>}, {pipeline_mode = #tpu.pipeline_mode<synchronous>, transform_indices = @transform_35, window_bounds = array<i64: 128, 128>}, {pipeline_mode = #tpu.pipeline_mode<synchronous>, transform_indices = @transform_36, window_bounds = array<i64: 16, 128>}, {pipeline_mode = #tpu.pipeline_mode<synchronous>, transform_indices = @transform_37, window_bounds = array<i64: 1, 128>}, {pipeline_mode = #tpu.pipeline_mode<synchronous>, transform_indices = @transform_38, window_bounds = array<i64: 1, 128>}, {pipeline_mode = #tpu.pipeline_mode<synchronous>, transform_indices = @transform_39, window_bounds = array<i64: 1, 128>}, {pipeline_mode = #tpu.pipeline_mode<synchronous>, transform_indices = @transform_40, window_bounds = array<i64: 128, 256>}, {pipeline_mode = #tpu.pipeline_mode<synchronous>, transform_indices = @transform_41, window_bounds = array<i64: 1, 256>}, {pipeline_mode = #tpu.pipeline_mode<synchronous>, transform_indices = @transform_42, window_bounds = array<i64: 256, 256>}, {pipeline_mode = #tpu.pipeline_mode<synchronous>, transform_indices = @transform_43, window_bounds = array<i64: 1, 256>}, {pipeline_mode = #tpu.pipeline_mode<synchronous>, transform_indices = @transform_44, window_bounds = array<i64: 256, 128>}, {pipeline_mode = #tpu.pipeline_mode<synchronous>, transform_indices = @transform_45, window_bounds = array<i64: 1, 128>}, {pipeline_mode = #tpu.pipeline_mode<synchronous>, transform_indices = @transform_46, window_bounds = array<i64: 1, 128>}, {pipeline_mode = #tpu.pipeline_mode<synchronous>, transform_indices = @transform_47, window_bounds = array<i64: 1, 128>}, {pipeline_mode = #tpu.pipeline_mode<synchronous>, transform_indices = @transform_48, window_bounds = array<i64: 128, 256>}, {pipeline_mode = #tpu.pipeline_mode<synchronous>, transform_indices = @transform_49, window_bounds = array<i64: 128, 256>}, {pipeline_mode = #tpu.pipeline_mode<synchronous>, transform_indices = @transform_50, window_bounds = array<i64: 16, 256>}, {pipeline_mode = #tpu.pipeline_mode<synchronous>, transform_indices = @transform_51, window_bounds = array<i64: 1, 256>}, {pipeline_mode = #tpu.pipeline_mode<synchronous>, transform_indices = @transform_52, window_bounds = array<i64: 256, 256>}, {pipeline_mode = #tpu.pipeline_mode<synchronous>, transform_indices = @transform_53, window_bounds = array<i64: 1, 256>}, {pipeline_mode = #tpu.pipeline_mode<synchronous>, transform_indices = @transform_54, window_bounds = array<i64: 256, 128>}, {pipeline_mode = #tpu.pipeline_mode<synchronous>, transform_indices = @transform_55, window_bounds = array<i64: 1, 128>}, {pipeline_mode = #tpu.pipeline_mode<synchronous>, transform_indices = @transform_56, window_bounds = array<i64: 1, 128>}, {pipeline_mode = #tpu.pipeline_mode<synchronous>, transform_indices = @transform_57, window_bounds = array<i64: 1, 128>}, {pipeline_mode = #tpu.pipeline_mode<synchronous>, transform_indices = @transform_58, window_bounds = array<i64: 128, 256>}, {pipeline_mode = #tpu.pipeline_mode<synchronous>, transform_indices = @transform_59, window_bounds = array<i64: 1, 256>}, {pipeline_mode = #tpu.pipeline_mode<synchronous>, transform_indices = @transform_60, window_bounds = array<i64: 256, 256>}, {pipeline_mode = #tpu.pipeline_mode<synchronous>, transform_indices = @transform_61, window_bounds = array<i64: 1, 256>}, {pipeline_mode = #tpu.pipeline_mode<synchronous>, transform_indices = @transform_62, window_bounds = array<i64: 256, 128>}, {pipeline_mode = #tpu.pipeline_mode<synchronous>, transform_indices = @transform_63, window_bounds = array<i64: 1, 128>}, {pipeline_mode = #tpu.pipeline_mode<synchronous>, transform_indices = @transform_64, window_bounds = array<i64: 1, 128>}, {pipeline_mode = #tpu.pipeline_mode<synchronous>, transform_indices = @transform_65, window_bounds = array<i64: 1, 128>}, {transform_indices = @transform_66, window_bounds = array<i64: 1, 256, 128>}]} {
    %get3A = arith.constant 0 : index
    %get3A_0 = arith.constant 0 : index
    %get3A_1 = vector.load %arg5[%get3A, %get3A_0] : memref<128x128xf32, #tpu.memory_space<vmem>>, vector<128x128xf32>
    %get3A_2 = arith.constant 0 : index
    %get3A_3 = arith.constant 0 : index
    %get3A_4 = vector.load %arg6[%get3A_2, %get3A_3] : memref<1x128xf32, #tpu.memory_space<vmem>>, vector<1x128xf32>
    %get3A_5 = arith.constant 0 : index
    %get3A_6 = arith.constant 0 : index
    %get3A_7 = vector.load %arg7[%get3A_5, %get3A_6] : memref<128x128xf32, #tpu.memory_space<vmem>>, vector<128x128xf32>
    %get3A_8 = arith.constant 0 : index
    %get3A_9 = arith.constant 0 : index
    %get3A_10 = vector.load %arg8[%get3A_8, %get3A_9] : memref<1x128xf32, #tpu.memory_space<vmem>>, vector<1x128xf32>
    %get3A_11 = arith.constant 0 : index
    %get3A_12 = arith.constant 0 : index
    %get3A_13 = vector.load %arg9[%get3A_11, %get3A_12] : memref<1x128xf32, #tpu.memory_space<vmem>>, vector<1x128xf32>
    %get3A_14 = arith.constant 0 : index
    %get3A_15 = arith.constant 0 : index
    %get3A_16 = vector.load %arg10[%get3A_14, %get3A_15] : memref<128x128xf32, #tpu.memory_space<vmem>>, vector<128x128xf32>
    %get3A_17 = arith.constant 0 : index
    %get3A_18 = arith.constant 0 : index
    %get3A_19 = vector.load %arg11[%get3A_17, %get3A_18] : memref<16x128xf32, #tpu.memory_space<vmem>>, vector<16x128xf32>
    %get3A_20 = arith.constant 0 : index
    %get3A_21 = arith.constant 0 : index
    %get3A_22 = vector.load %arg12[%get3A_20, %get3A_21] : memref<1x128xf32, #tpu.memory_space<vmem>>, vector<1x128xf32>
    %get3A_23 = arith.constant 0 : index
    %get3A_24 = arith.constant 0 : index
    %get3A_25 = vector.load %arg13[%get3A_23, %get3A_24] : memref<1x128xf32, #tpu.memory_space<vmem>>, vector<1x128xf32>
    %get3A_26 = arith.constant 0 : index
    %get3A_27 = arith.constant 0 : index
    %get3A_28 = vector.load %arg14[%get3A_26, %get3A_27] : memref<1x128xf32, #tpu.memory_space<vmem>>, vector<1x128xf32>
    %get3A_29 = arith.constant 0 : index
    %get3A_30 = arith.constant 0 : index
    %get3A_31 = vector.load %arg15[%get3A_29, %get3A_30] : memref<128x256xf32, #tpu.memory_space<vmem>>, vector<128x256xf32>
    %get3A_32 = arith.constant 0 : index
    %get3A_33 = arith.constant 0 : index
    %get3A_34 = vector.load %arg16[%get3A_32, %get3A_33] : memref<1x256xf32, #tpu.memory_space<vmem>>, vector<1x256xf32>
    %get3A_35 = arith.constant 0 : index
    %get3A_36 = arith.constant 0 : index
    %get3A_37 = vector.load %arg17[%get3A_35, %get3A_36] : memref<256x256xf32, #tpu.memory_space<vmem>>, vector<256x256xf32>
    %get3A_38 = arith.constant 0 : index
    %get3A_39 = arith.constant 0 : index
    %get3A_40 = vector.load %arg18[%get3A_38, %get3A_39] : memref<1x256xf32, #tpu.memory_space<vmem>>, vector<1x256xf32>
    %get3A_41 = arith.constant 0 : index
    %get3A_42 = arith.constant 0 : index
    %get3A_43 = vector.load %arg19[%get3A_41, %get3A_42] : memref<256x128xf32, #tpu.memory_space<vmem>>, vector<256x128xf32>
    %get3A_44 = arith.constant 0 : index
    %get3A_45 = arith.constant 0 : index
    %get3A_46 = vector.load %arg20[%get3A_44, %get3A_45] : memref<1x128xf32, #tpu.memory_space<vmem>>, vector<1x128xf32>
    %get3A_47 = arith.constant 0 : index
    %get3A_48 = arith.constant 0 : index
    %get3A_49 = vector.load %arg21[%get3A_47, %get3A_48] : memref<1x128xf32, #tpu.memory_space<vmem>>, vector<1x128xf32>
    %get3A_50 = arith.constant 0 : index
    %get3A_51 = arith.constant 0 : index
    %get3A_52 = vector.load %arg22[%get3A_50, %get3A_51] : memref<1x128xf32, #tpu.memory_space<vmem>>, vector<1x128xf32>
    %get3A_53 = arith.constant 0 : index
    %get3A_54 = arith.constant 0 : index
    %get3A_55 = vector.load %arg23[%get3A_53, %get3A_54] : memref<128x128xf32, #tpu.memory_space<vmem>>, vector<128x128xf32>
    %get3A_56 = arith.constant 0 : index
    %get3A_57 = arith.constant 0 : index
    %get3A_58 = vector.load %arg24[%get3A_56, %get3A_57] : memref<16x128xf32, #tpu.memory_space<vmem>>, vector<16x128xf32>
    %get3A_59 = arith.constant 0 : index
    %get3A_60 = arith.constant 0 : index
    %get3A_61 = vector.load %arg25[%get3A_59, %get3A_60] : memref<1x128xf32, #tpu.memory_space<vmem>>, vector<1x128xf32>
    %get3A_62 = arith.constant 0 : index
    %get3A_63 = arith.constant 0 : index
    %get3A_64 = vector.load %arg26[%get3A_62, %get3A_63] : memref<1x128xf32, #tpu.memory_space<vmem>>, vector<1x128xf32>
    %get3A_65 = arith.constant 0 : index
    %get3A_66 = arith.constant 0 : index
    %get3A_67 = vector.load %arg27[%get3A_65, %get3A_66] : memref<1x128xf32, #tpu.memory_space<vmem>>, vector<1x128xf32>
    %get3A_68 = arith.constant 0 : index
    %get3A_69 = arith.constant 0 : index
    %get3A_70 = vector.load %arg28[%get3A_68, %get3A_69] : memref<128x256xf32, #tpu.memory_space<vmem>>, vector<128x256xf32>
    %get3A_71 = arith.constant 0 : index
    %get3A_72 = arith.constant 0 : index
    %get3A_73 = vector.load %arg29[%get3A_71, %get3A_72] : memref<1x256xf32, #tpu.memory_space<vmem>>, vector<1x256xf32>
    %get3A_74 = arith.constant 0 : index
    %get3A_75 = arith.constant 0 : index
    %get3A_76 = vector.load %arg30[%get3A_74, %get3A_75] : memref<256x256xf32, #tpu.memory_space<vmem>>, vector<256x256xf32>
    %get3A_77 = arith.constant 0 : index
    %get3A_78 = arith.constant 0 : index
    %get3A_79 = vector.load %arg31[%get3A_77, %get3A_78] : memref<1x256xf32, #tpu.memory_space<vmem>>, vector<1x256xf32>
    %get3A_80 = arith.constant 0 : index
    %get3A_81 = arith.constant 0 : index
    %get3A_82 = vector.load %arg32[%get3A_80, %get3A_81] : memref<256x128xf32, #tpu.memory_space<vmem>>, vector<256x128xf32>
    %get3A_83 = arith.constant 0 : index
    %get3A_84 = arith.constant 0 : index
    %get3A_85 = vector.load %arg33[%get3A_83, %get3A_84] : memref<1x128xf32, #tpu.memory_space<vmem>>, vector<1x128xf32>
    %get3A_86 = arith.constant 0 : index
    %get3A_87 = arith.constant 0 : index
    %get3A_88 = vector.load %arg34[%get3A_86, %get3A_87] : memref<1x128xf32, #tpu.memory_space<vmem>>, vector<1x128xf32>
    %get3A_89 = arith.constant 0 : index
    %get3A_90 = arith.constant 0 : index
    %get3A_91 = vector.load %arg35[%get3A_89, %get3A_90] : memref<1x128xf32, #tpu.memory_space<vmem>>, vector<1x128xf32>
    %get3A_92 = arith.constant 0 : index
    %get3A_93 = arith.constant 0 : index
    %get3A_94 = vector.load %arg36[%get3A_92, %get3A_93] : memref<128x128xf32, #tpu.memory_space<vmem>>, vector<128x128xf32>
    %get3A_95 = arith.constant 0 : index
    %get3A_96 = arith.constant 0 : index
    %get3A_97 = vector.load %arg37[%get3A_95, %get3A_96] : memref<16x128xf32, #tpu.memory_space<vmem>>, vector<16x128xf32>
    %get3A_98 = arith.constant 0 : index
    %get3A_99 = arith.constant 0 : index
    %get3A_100 = vector.load %arg38[%get3A_98, %get3A_99] : memref<1x128xf32, #tpu.memory_space<vmem>>, vector<1x128xf32>
    %get3A_101 = arith.constant 0 : index
    %get3A_102 = arith.constant 0 : index
    %get3A_103 = vector.load %arg39[%get3A_101, %get3A_102] : memref<1x128xf32, #tpu.memory_space<vmem>>, vector<1x128xf32>
    %get3A_104 = arith.constant 0 : index
    %get3A_105 = arith.constant 0 : index
    %get3A_106 = vector.load %arg40[%get3A_104, %get3A_105] : memref<1x128xf32, #tpu.memory_space<vmem>>, vector<1x128xf32>
    %get3A_107 = arith.constant 0 : index
    %get3A_108 = arith.constant 0 : index
    %get3A_109 = vector.load %arg41[%get3A_107, %get3A_108] : memref<128x256xf32, #tpu.memory_space<vmem>>, vector<128x256xf32>
    %get3A_110 = arith.constant 0 : index
    %get3A_111 = arith.constant 0 : index
    %get3A_112 = vector.load %arg42[%get3A_110, %get3A_111] : memref<1x256xf32, #tpu.memory_space<vmem>>, vector<1x256xf32>
    %get3A_113 = arith.constant 0 : index
    %get3A_114 = arith.constant 0 : index
    %get3A_115 = vector.load %arg43[%get3A_113, %get3A_114] : memref<256x256xf32, #tpu.memory_space<vmem>>, vector<256x256xf32>
    %get3A_116 = arith.constant 0 : index
    %get3A_117 = arith.constant 0 : index
    %get3A_118 = vector.load %arg44[%get3A_116, %get3A_117] : memref<1x256xf32, #tpu.memory_space<vmem>>, vector<1x256xf32>
    %get3A_119 = arith.constant 0 : index
    %get3A_120 = arith.constant 0 : index
    %get3A_121 = vector.load %arg45[%get3A_119, %get3A_120] : memref<256x128xf32, #tpu.memory_space<vmem>>, vector<256x128xf32>
    %get3A_122 = arith.constant 0 : index
    %get3A_123 = arith.constant 0 : index
    %get3A_124 = vector.load %arg46[%get3A_122, %get3A_123] : memref<1x128xf32, #tpu.memory_space<vmem>>, vector<1x128xf32>
    %get3A_125 = arith.constant 0 : index
    %get3A_126 = arith.constant 0 : index
    %get3A_127 = vector.load %arg47[%get3A_125, %get3A_126] : memref<1x128xf32, #tpu.memory_space<vmem>>, vector<1x128xf32>
    %get3A_128 = arith.constant 0 : index
    %get3A_129 = arith.constant 0 : index
    %get3A_130 = vector.load %arg48[%get3A_128, %get3A_129] : memref<1x128xf32, #tpu.memory_space<vmem>>, vector<1x128xf32>
    %get3A_131 = arith.constant 0 : index
    %get3A_132 = arith.constant 0 : index
    %get3A_133 = vector.load %arg49[%get3A_131, %get3A_132] : memref<128x256xf32, #tpu.memory_space<vmem>>, vector<128x256xf32>
    %get3A_134 = arith.constant 0 : index
    %get3A_135 = arith.constant 0 : index
    %get3A_136 = vector.load %arg50[%get3A_134, %get3A_135] : memref<128x256xf32, #tpu.memory_space<vmem>>, vector<128x256xf32>
    %get3A_137 = arith.constant 0 : index
    %get3A_138 = arith.constant 0 : index
    %get3A_139 = vector.load %arg51[%get3A_137, %get3A_138] : memref<16x256xf32, #tpu.memory_space<vmem>>, vector<16x256xf32>
    %get3A_140 = arith.constant 0 : index
    %get3A_141 = arith.constant 0 : index
    %get3A_142 = vector.load %arg52[%get3A_140, %get3A_141] : memref<1x256xf32, #tpu.memory_space<vmem>>, vector<1x256xf32>
    %get3A_143 = arith.constant 0 : index
    %get3A_144 = arith.constant 0 : index
    %get3A_145 = vector.load %arg53[%get3A_143, %get3A_144] : memref<256x256xf32, #tpu.memory_space<vmem>>, vector<256x256xf32>
    %get3A_146 = arith.constant 0 : index
    %get3A_147 = arith.constant 0 : index
    %get3A_148 = vector.load %arg54[%get3A_146, %get3A_147] : memref<1x256xf32, #tpu.memory_space<vmem>>, vector<1x256xf32>
    %get3A_149 = arith.constant 0 : index
    %get3A_150 = arith.constant 0 : index
    %get3A_151 = vector.load %arg55[%get3A_149, %get3A_150] : memref<256x128xf32, #tpu.memory_space<vmem>>, vector<256x128xf32>
    %get3A_152 = arith.constant 0 : index
    %get3A_153 = arith.constant 0 : index
    %get3A_154 = vector.load %arg56[%get3A_152, %get3A_153] : memref<1x128xf32, #tpu.memory_space<vmem>>, vector<1x128xf32>
    %get3A_155 = arith.constant 0 : index
    %get3A_156 = arith.constant 0 : index
    %get3A_157 = vector.load %arg57[%get3A_155, %get3A_156] : memref<1x128xf32, #tpu.memory_space<vmem>>, vector<1x128xf32>
    %get3A_158 = arith.constant 0 : index
    %get3A_159 = arith.constant 0 : index
    %get3A_160 = vector.load %arg58[%get3A_158, %get3A_159] : memref<1x128xf32, #tpu.memory_space<vmem>>, vector<1x128xf32>
    %get3A_161 = arith.constant 0 : index
    %get3A_162 = arith.constant 0 : index
    %get3A_163 = vector.load %arg59[%get3A_161, %get3A_162] : memref<128x256xf32, #tpu.memory_space<vmem>>, vector<128x256xf32>
    %get3A_164 = arith.constant 0 : index
    %get3A_165 = arith.constant 0 : index
    %get3A_166 = vector.load %arg60[%get3A_164, %get3A_165] : memref<1x256xf32, #tpu.memory_space<vmem>>, vector<1x256xf32>
    %get3A_167 = arith.constant 0 : index
    %get3A_168 = arith.constant 0 : index
    %get3A_169 = vector.load %arg61[%get3A_167, %get3A_168] : memref<256x256xf32, #tpu.memory_space<vmem>>, vector<256x256xf32>
    %get3A_170 = arith.constant 0 : index
    %get3A_171 = arith.constant 0 : index
    %get3A_172 = vector.load %arg62[%get3A_170, %get3A_171] : memref<1x256xf32, #tpu.memory_space<vmem>>, vector<1x256xf32>
    %get3A_173 = arith.constant 0 : index
    %get3A_174 = arith.constant 0 : index
    %get3A_175 = vector.load %arg63[%get3A_173, %get3A_174] : memref<256x128xf32, #tpu.memory_space<vmem>>, vector<256x128xf32>
    %get3A_176 = arith.constant 0 : index
    %get3A_177 = arith.constant 0 : index
    %get3A_178 = vector.load %arg64[%get3A_176, %get3A_177] : memref<1x128xf32, #tpu.memory_space<vmem>>, vector<1x128xf32>
    %get3A_179 = arith.constant 0 : index
    %get3A_180 = arith.constant 0 : index
    %get3A_181 = vector.load %arg65[%get3A_179, %get3A_180] : memref<1x128xf32, #tpu.memory_space<vmem>>, vector<1x128xf32>
    %get3A_182 = arith.constant 0 : index
    %get3A_183 = arith.constant 0 : index
    %get3A_184 = vector.load %arg66[%get3A_182, %get3A_183] : memref<1x128xf32, #tpu.memory_space<vmem>>, vector<1x128xf32>
    %get3A_185 = arith.constant 0 : index
    %get3A_186 = arith.constant 0 : index
    %get3A_187 = arith.constant 0 : index
    %get3A_188 = vector.load %arg1[%get3A_185, %get3A_186, %get3A_187] : memref<1x256x3xf32, #tpu.memory_space<vmem>>, vector<1x256x3xf32>
    %get3A_189 = vector.shape_cast %get3A_188 : vector<1x256x3xf32> to vector<256x3xf32>
    %get3A_190 = arith.constant 0 : index
    %get3A_191 = arith.constant 0 : index
    %get3A_192 = arith.constant 0 : index
    %get3A_193 = vector.load %arg2[%get3A_190, %get3A_191, %get3A_192] : memref<1x256x128xf32, #tpu.memory_space<vmem>>, vector<1x256x128xf32>
    %get3A_194 = vector.shape_cast %get3A_193 : vector<1x256x128xf32> to vector<256x128xf32>
    %get3A_195 = arith.constant 0 : index
    %get3A_196 = arith.constant 0 : index
    %get3A_197 = arith.constant 0 : index
    %get3A_198 = vector.load %arg3[%get3A_195, %get3A_196, %get3A_197] : memref<1x256x1xf32, #tpu.memory_space<vmem>>, vector<1x256x1xf32>
    %get3A_199 = vector.shape_cast %get3A_198 : vector<1x256x1xf32> to vector<256x1xf32>
    %get3A_200 = arith.constant 0 : index
    %get3A_201 = arith.constant 0 : index
    %get3A_202 = arith.constant 0 : index
    %get3A_203 = vector.load %arg4[%get3A_200, %get3A_201, %get3A_202] : memref<1x1x256xi32, #tpu.memory_space<vmem>>, vector<1x1x256xi32>
    %get3A_204 = vector.shape_cast %get3A_203 : vector<1x1x256xi32> to vector<1x256xi32>
    %mul3A = vector.broadcast %get3A_199 : vector<256x1xf32> to vector<256x128xf32>
    %mul3A_205 = arith.mulf %get3A_194, %mul3A : vector<256x128xf32>
    %dot_general3A = arith.constant dense<0.000000e+00> : vector<256x128xf32>
    %dot_general3A_206 = tpu.matmul %mul3A_205, %get3A_1, %dot_general3A {dimension_numbers = #tpu.dot_dimension_numbers<[1], [0], [0], [1], [0, 0, 1, 1], [], []>, transpose_lhs_hint = false} : vector<256x128xf32>, vector<128x128xf32>, vector<256x128xf32> -> vector<256x128xf32>
    %add3A = vector.broadcast %get3A_4 : vector<1x128xf32> to vector<256x128xf32>
    %add3A_207 = arith.addf %dot_general3A_206, %add3A : vector<256x128xf32>
    %max3A = arith.constant 0.000000e+00 : f32
    %max3A_208 = vector.broadcast %max3A : f32 to vector<256x128xf32>
    %max3A_209 = arith.maximumf %add3A_207, %max3A_208 : vector<256x128xf32>
    %dot_general3A_210 = arith.constant dense<0.000000e+00> : vector<256x128xf32>
    %dot_general3A_211 = tpu.matmul %max3A_209, %get3A_7, %dot_general3A_210 {dimension_numbers = #tpu.dot_dimension_numbers<[1], [0], [0], [1], [0, 0, 1, 1], [], []>, transpose_lhs_hint = false} : vector<256x128xf32>, vector<128x128xf32>, vector<256x128xf32> -> vector<256x128xf32>
    %add3A_212 = vector.broadcast %get3A_10 : vector<1x128xf32> to vector<256x128xf32>
    %add3A_213 = arith.addf %dot_general3A_211, %add3A_212 : vector<256x128xf32>
    %max3A_214 = arith.constant 0.000000e+00 : f32
    %max3A_215 = vector.broadcast %max3A_214 : f32 to vector<256x128xf32>
    %max3A_216 = arith.maximumf %add3A_213, %max3A_215 : vector<256x128xf32>
    %mul3A_217 = vector.broadcast %get3A_13 : vector<1x128xf32> to vector<256x128xf32>
    %mul3A_218 = arith.mulf %max3A_216, %mul3A_217 : vector<256x128xf32>
    %reduce_sum3A = arith.constant dense<0.000000e+00> : vector<256xf32>
    %reduce_sum3A_219 = vector.multi_reduction <add>, %mul3A_218, %reduce_sum3A [1] : vector<256x128xf32> to vector<256xf32>
    %broadcast_in_dim3A = vector.shape_cast %reduce_sum3A_219 : vector<256xf32> to vector<256x1xf32>
    %tanh3A = math.tanh %broadcast_in_dim3A : vector<256x1xf32>
    %mul3A_220 = vector.broadcast %tanh3A : vector<256x1xf32> to vector<256x128xf32>
    %mul3A_221 = arith.mulf %max3A_216, %mul3A_220 : vector<256x128xf32>
    %dot_general3A_222 = arith.constant dense<0.000000e+00> : vector<256x256xf32>
    %dot_general3A_223 = tpu.matmul %get3A_189, %get3A_189, %dot_general3A_222 {dimension_numbers = #tpu.dot_dimension_numbers<[1], [1], [0], [0], [0, 0, 1, 0], [], []>, transpose_lhs_hint = false} : vector<256x3xf32>, vector<256x3xf32>, vector<256x256xf32> -> vector<256x256xf32>
    %mul3A_224 = arith.mulf %get3A_189, %get3A_189 : vector<256x3xf32>
    %reduce_sum3A_225 = arith.constant dense<0.000000e+00> : vector<256xf32>
    %reduce_sum3A_226 = vector.multi_reduction <add>, %mul3A_224, %reduce_sum3A_225 [1] : vector<256x3xf32> to vector<256xf32>
    %broadcast_in_dim3A_227 = vector.shape_cast %reduce_sum3A_226 : vector<256xf32> to vector<256x1xf32>
    %broadcast_in_dim3A_228 = arith.constant 1.000000e+00 : f32
    %broadcast_in_dim3A_229 = vector.broadcast %broadcast_in_dim3A_228 : f32 to vector<1x3xf32>
    %dot_general3A_230 = arith.constant dense<0.000000e+00> : vector<1x256xf32>
    %dot_general3A_231 = tpu.matmul %broadcast_in_dim3A_229, %mul3A_224, %dot_general3A_230 {dimension_numbers = #tpu.dot_dimension_numbers<[1], [1], [0], [0], [0, 0, 1, 0], [], []>, transpose_lhs_hint = false} : vector<1x3xf32>, vector<256x3xf32>, vector<1x256xf32> -> vector<1x256xf32>
    %add3A_232 = vector.broadcast %broadcast_in_dim3A_227 : vector<256x1xf32> to vector<256x256xf32>
    %add3A_233 = vector.broadcast %dot_general3A_231 : vector<1x256xf32> to vector<256x256xf32>
    %add3A_234 = arith.addf %add3A_232, %add3A_233 : vector<256x256xf32>
    %mul3A_235 = arith.constant 2.000000e+00 : f32
    %mul3A_236 = vector.broadcast %mul3A_235 : f32 to vector<256x256xf32>
    %mul3A_237 = arith.mulf %mul3A_236, %dot_general3A_223 : vector<256x256xf32>
    %sub3A = arith.subf %add3A_234, %mul3A_237 : vector<256x256xf32>
    %max3A_238 = arith.constant 0.000000e+00 : f32
    %max3A_239 = vector.broadcast %max3A_238 : f32 to vector<256x256xf32>
    %max3A_240 = arith.maximumf %sub3A, %max3A_239 : vector<256x256xf32>
    %sqrt3A = math.sqrt %max3A_240 : vector<256x256xf32>
    %iota3A = tpu.iota {dimensions = array<i32: 0>} : vector<64x256xi32>
    %eq3A = vector.broadcast %get3A_204 : vector<1x256xi32> to vector<64x256xi32>
    %eq3A_241 = arith.cmpi eq, %iota3A, %eq3A : vector<64x256xi32>
    %convert_element_type3A = arith.extui %eq3A_241 : vector<64x256xi1> to vector<64x256xi32>
    %convert_element_type3A_242 = arith.sitofp %convert_element_type3A : vector<64x256xi32> to vector<64x256xf32>
    %dot_general3A_243 = arith.constant dense<0.000000e+00> : vector<64x128xf32>
    %dot_general3A_244 = tpu.matmul %convert_element_type3A_242, %mul3A_221, %dot_general3A_243 {dimension_numbers = #tpu.dot_dimension_numbers<[1], [0], [0], [1], [0, 0, 1, 1], [], []>, transpose_lhs_hint = false} : vector<64x256xf32>, vector<256x128xf32>, vector<64x128xf32> -> vector<64x128xf32>
    %dot_general3A_245 = arith.constant dense<0.000000e+00> : vector<64x256xf32>
    %dot_general3A_246 = tpu.matmul %convert_element_type3A_242, %sqrt3A, %dot_general3A_245 {dimension_numbers = #tpu.dot_dimension_numbers<[1], [0], [0], [1], [0, 0, 1, 1], [], []>, transpose_lhs_hint = false} : vector<64x256xf32>, vector<256x256xf32>, vector<64x256xf32> -> vector<64x256xf32>
    %dot_general3A_247 = arith.constant dense<0.000000e+00> : vector<256x64xf32>
    %dot_general3A_248 = tpu.matmul %sqrt3A, %convert_element_type3A_242, %dot_general3A_247 {dimension_numbers = #tpu.dot_dimension_numbers<[1], [1], [0], [0], [0, 0, 1, 0], [], []>, transpose_lhs_hint = false} : vector<256x256xf32>, vector<64x256xf32>, vector<256x64xf32> -> vector<256x64xf32>
    %dot_general3A_249 = arith.constant dense<0.000000e+00> : vector<64x64xf32>
    %dot_general3A_250 = tpu.matmul %dot_general3A_246, %convert_element_type3A_242, %dot_general3A_249 {dimension_numbers = #tpu.dot_dimension_numbers<[1], [1], [0], [0], [0, 0, 1, 0], [], []>, transpose_lhs_hint = false} : vector<64x256xf32>, vector<64x256xf32>, vector<64x64xf32> -> vector<64x64xf32>
    %reduce_sum3A_251 = arith.constant dense<0.000000e+00> : vector<128xf32>
    %reduce_sum3A_252 = vector.multi_reduction <add>, %get3A_194, %reduce_sum3A_251 [0] : vector<256x128xf32> to vector<128xf32>
    %broadcast_in_dim3A_253 = vector.shape_cast %reduce_sum3A_252 : vector<128xf32> to vector<1x128xf32>
    %div3A = arith.constant 2.560000e+02 : f32
    %div3A_254 = vector.broadcast %div3A : f32 to vector<1x128xf32>
    %div3A_255 = arith.divf %broadcast_in_dim3A_253, %div3A_254 : vector<1x128xf32>
    %iota3A_256 = tpu.iota {dimensions = array<i32: 2>} : vector<1x1x16xi32>
    %convert_element_type3A_257 = arith.sitofp %iota3A_256 : vector<1x1x16xi32> to vector<1x1x16xf32>
    %mul3A_258 = arith.constant 1.33333337 : f32
    %mul3A_259 = vector.broadcast %mul3A_258 : f32 to vector<1x1x16xf32>
    %mul3A_260 = arith.mulf %convert_element_type3A_257, %mul3A_259 : vector<1x1x16xf32>
    %broadcast_in_dim3A_261 = vector.shape_cast %dot_general3A_246 : vector<64x256xf32> to vector<64x256x1xf32>
    %mul3A_262 = arith.constant 1.000000e-01 : f32
    %mul3A_263 = vector.broadcast %mul3A_262 : f32 to vector<64x256x1xf32>
    %mul3A_264 = arith.mulf %broadcast_in_dim3A_261, %mul3A_263 : vector<64x256x1xf32>
    %sub3A_265 = vector.broadcast %mul3A_264 : vector<64x256x1xf32> to vector<64x256x16xf32>
    %sub3A_266 = vector.broadcast %mul3A_260 : vector<1x1x16xf32> to vector<64x256x16xf32>
    %sub3A_267 = arith.subf %sub3A_265, %sub3A_266 : vector<64x256x16xf32>
    %mul3A_268 = arith.constant 8.000000e-01 : f32
    %mul3A_269 = vector.broadcast %mul3A_268 : f32 to vector<64x256x16xf32>
    %mul3A_270 = arith.mulf %sub3A_267, %mul3A_269 : vector<64x256x16xf32>
    %mul3A_271 = arith.mulf %mul3A_270, %mul3A_270 : vector<64x256x16xf32>
    %neg3A = arith.constant 0.000000e+00 : f32
    %neg3A_272 = vector.broadcast %neg3A : f32 to vector<64x256x16xf32>
    %neg3A_273 = arith.subf %neg3A_272, %mul3A_271 : vector<64x256x16xf32>
    %exp3A = math.exp %neg3A_273 : vector<64x256x16xf32>
    %reduce_sum3A_274 = arith.constant dense<0.000000e+00> : vector<64x16xf32>
    %reduce_sum3A_275 = vector.multi_reduction <add>, %exp3A, %reduce_sum3A_274 [1] : vector<64x256x16xf32> to vector<64x16xf32>
    %div3A_276 = arith.constant 2.560000e+02 : f32
    %div3A_277 = vector.broadcast %div3A_276 : f32 to vector<64x16xf32>
    %div3A_278 = arith.divf %reduce_sum3A_275, %div3A_277 : vector<64x16xf32>
    %dot_general3A_279 = arith.constant dense<0.000000e+00> : vector<1x128xf32>
    %dot_general3A_280 = tpu.matmul %div3A_255, %get3A_16, %dot_general3A_279 {dimension_numbers = #tpu.dot_dimension_numbers<[1], [0], [0], [1], [0, 0, 1, 1], [], []>, transpose_lhs_hint = false} : vector<1x128xf32>, vector<128x128xf32>, vector<1x128xf32> -> vector<1x128xf32>
    %dot_general3A_281 = arith.constant dense<0.000000e+00> : vector<64x128xf32>
    %dot_general3A_282 = tpu.matmul %div3A_278, %get3A_19, %dot_general3A_281 {dimension_numbers = #tpu.dot_dimension_numbers<[1], [0], [0], [1], [0, 0, 1, 1], [], []>, transpose_lhs_hint = false} : vector<64x16xf32>, vector<16x128xf32>, vector<64x128xf32> -> vector<64x128xf32>
    %add3A_283 = vector.broadcast %dot_general3A_280 : vector<1x128xf32> to vector<64x128xf32>
    %add3A_284 = arith.addf %add3A_283, %dot_general3A_282 : vector<64x128xf32>
    %add3A_285 = vector.broadcast %get3A_22 : vector<1x128xf32> to vector<64x128xf32>
    %add3A_286 = arith.addf %add3A_284, %add3A_285 : vector<64x128xf32>
    %add3A_287 = arith.addf %dot_general3A_244, %add3A_286 : vector<64x128xf32>
    %reduce_sum3A_288 = arith.constant dense<0.000000e+00> : vector<64xf32>
    %reduce_sum3A_289 = vector.multi_reduction <add>, %add3A_287, %reduce_sum3A_288 [1] : vector<64x128xf32> to vector<64xf32>
    %broadcast_in_dim3A_290 = vector.shape_cast %reduce_sum3A_289 : vector<64xf32> to vector<64x1xf32>
    %div3A_291 = arith.constant 1.280000e+02 : f32
    %div3A_292 = vector.broadcast %div3A_291 : f32 to vector<64x1xf32>
    %div3A_293 = arith.divf %broadcast_in_dim3A_290, %div3A_292 : vector<64x1xf32>
    %sub3A_294 = vector.broadcast %div3A_293 : vector<64x1xf32> to vector<64x128xf32>
    %sub3A_295 = arith.subf %add3A_287, %sub3A_294 : vector<64x128xf32>
    %integer_pow3A = arith.mulf %sub3A_295, %sub3A_295 : vector<64x128xf32>
    %reduce_sum3A_296 = arith.constant dense<0.000000e+00> : vector<64xf32>
    %reduce_sum3A_297 = vector.multi_reduction <add>, %integer_pow3A, %reduce_sum3A_296 [1] : vector<64x128xf32> to vector<64xf32>
    %broadcast_in_dim3A_298 = vector.shape_cast %reduce_sum3A_297 : vector<64xf32> to vector<64x1xf32>
    %div3A_299 = arith.constant 1.280000e+02 : f32
    %div3A_300 = vector.broadcast %div3A_299 : f32 to vector<64x1xf32>
    %div3A_301 = arith.divf %broadcast_in_dim3A_298, %div3A_300 : vector<64x1xf32>
    %sub3A_302 = vector.broadcast %div3A_293 : vector<64x1xf32> to vector<64x128xf32>
    %sub3A_303 = arith.subf %add3A_287, %sub3A_302 : vector<64x128xf32>
    %add3A_304 = arith.constant 9.99999974E-6 : f32
    %add3A_305 = vector.broadcast %add3A_304 : f32 to vector<64x1xf32>
    %add3A_306 = arith.addf %div3A_301, %add3A_305 : vector<64x1xf32>
    %sqrt3A_307 = math.sqrt %add3A_306 : vector<64x1xf32>
    %div3A_308 = vector.broadcast %sqrt3A_307 : vector<64x1xf32> to vector<64x128xf32>
    %div3A_309 = arith.divf %sub3A_303, %div3A_308 : vector<64x128xf32>
    %mul3A_310 = vector.broadcast %get3A_25 : vector<1x128xf32> to vector<64x128xf32>
    %mul3A_311 = arith.mulf %div3A_309, %mul3A_310 : vector<64x128xf32>
    %add3A_312 = vector.broadcast %get3A_28 : vector<1x128xf32> to vector<64x128xf32>
    %add3A_313 = arith.addf %mul3A_311, %add3A_312 : vector<64x128xf32>
    %dot_general3A_314 = arith.constant dense<0.000000e+00> : vector<64x256xf32>
    %dot_general3A_315 = tpu.matmul %add3A_313, %get3A_31, %dot_general3A_314 {dimension_numbers = #tpu.dot_dimension_numbers<[1], [0], [0], [1], [0, 0, 1, 1], [], []>, transpose_lhs_hint = false} : vector<64x128xf32>, vector<128x256xf32>, vector<64x256xf32> -> vector<64x256xf32>
    %add3A_316 = vector.broadcast %get3A_34 : vector<1x256xf32> to vector<64x256xf32>
    %add3A_317 = arith.addf %dot_general3A_315, %add3A_316 : vector<64x256xf32>
    %max3A_318 = arith.constant 0.000000e+00 : f32
    %max3A_319 = vector.broadcast %max3A_318 : f32 to vector<64x256xf32>
    %max3A_320 = arith.maximumf %add3A_317, %max3A_319 : vector<64x256xf32>
    %dot_general3A_321 = arith.constant dense<0.000000e+00> : vector<64x256xf32>
    %dot_general3A_322 = tpu.matmul %max3A_320, %get3A_37, %dot_general3A_321 {dimension_numbers = #tpu.dot_dimension_numbers<[1], [0], [0], [1], [0, 0, 1, 1], [], []>, transpose_lhs_hint = false} : vector<64x256xf32>, vector<256x256xf32>, vector<64x256xf32> -> vector<64x256xf32>
    %add3A_323 = vector.broadcast %get3A_40 : vector<1x256xf32> to vector<64x256xf32>
    %add3A_324 = arith.addf %dot_general3A_322, %add3A_323 : vector<64x256xf32>
    %max3A_325 = arith.constant 0.000000e+00 : f32
    %max3A_326 = vector.broadcast %max3A_325 : f32 to vector<64x256xf32>
    %max3A_327 = arith.maximumf %add3A_324, %max3A_326 : vector<64x256xf32>
    %dot_general3A_328 = arith.constant dense<0.000000e+00> : vector<64x128xf32>
    %dot_general3A_329 = tpu.matmul %max3A_327, %get3A_43, %dot_general3A_328 {dimension_numbers = #tpu.dot_dimension_numbers<[1], [0], [0], [1], [0, 0, 1, 1], [], []>, transpose_lhs_hint = false} : vector<64x256xf32>, vector<256x128xf32>, vector<64x128xf32> -> vector<64x128xf32>
    %add3A_330 = vector.broadcast %get3A_46 : vector<1x128xf32> to vector<64x128xf32>
    %add3A_331 = arith.addf %dot_general3A_329, %add3A_330 : vector<64x128xf32>
    %add3A_332 = arith.addf %add3A_313, %add3A_331 : vector<64x128xf32>
    %reduce_sum3A_333 = arith.constant dense<0.000000e+00> : vector<64xf32>
    %reduce_sum3A_334 = vector.multi_reduction <add>, %add3A_332, %reduce_sum3A_333 [1] : vector<64x128xf32> to vector<64xf32>
    %broadcast_in_dim3A_335 = vector.shape_cast %reduce_sum3A_334 : vector<64xf32> to vector<64x1xf32>
    %div3A_336 = arith.constant 1.280000e+02 : f32
    %div3A_337 = vector.broadcast %div3A_336 : f32 to vector<64x1xf32>
    %div3A_338 = arith.divf %broadcast_in_dim3A_335, %div3A_337 : vector<64x1xf32>
    %sub3A_339 = vector.broadcast %div3A_338 : vector<64x1xf32> to vector<64x128xf32>
    %sub3A_340 = arith.subf %add3A_332, %sub3A_339 : vector<64x128xf32>
    %integer_pow3A_341 = arith.mulf %sub3A_340, %sub3A_340 : vector<64x128xf32>
    %reduce_sum3A_342 = arith.constant dense<0.000000e+00> : vector<64xf32>
    %reduce_sum3A_343 = vector.multi_reduction <add>, %integer_pow3A_341, %reduce_sum3A_342 [1] : vector<64x128xf32> to vector<64xf32>
    %broadcast_in_dim3A_344 = vector.shape_cast %reduce_sum3A_343 : vector<64xf32> to vector<64x1xf32>
    %div3A_345 = arith.constant 1.280000e+02 : f32
    %div3A_346 = vector.broadcast %div3A_345 : f32 to vector<64x1xf32>
    %div3A_347 = arith.divf %broadcast_in_dim3A_344, %div3A_346 : vector<64x1xf32>
    %sub3A_348 = vector.broadcast %div3A_338 : vector<64x1xf32> to vector<64x128xf32>
    %sub3A_349 = arith.subf %add3A_332, %sub3A_348 : vector<64x128xf32>
    %add3A_350 = arith.constant 9.99999974E-6 : f32
    %add3A_351 = vector.broadcast %add3A_350 : f32 to vector<64x1xf32>
    %add3A_352 = arith.addf %div3A_347, %add3A_351 : vector<64x1xf32>
    %sqrt3A_353 = math.sqrt %add3A_352 : vector<64x1xf32>
    %div3A_354 = vector.broadcast %sqrt3A_353 : vector<64x1xf32> to vector<64x128xf32>
    %div3A_355 = arith.divf %sub3A_349, %div3A_354 : vector<64x128xf32>
    %mul3A_356 = vector.broadcast %get3A_49 : vector<1x128xf32> to vector<64x128xf32>
    %mul3A_357 = arith.mulf %div3A_355, %mul3A_356 : vector<64x128xf32>
    %add3A_358 = vector.broadcast %get3A_52 : vector<1x128xf32> to vector<64x128xf32>
    %add3A_359 = arith.addf %mul3A_357, %add3A_358 : vector<64x128xf32>
    %iota3A_360 = tpu.iota {dimensions = array<i32: 2>} : vector<1x1x16xi32>
    %convert_element_type3A_361 = arith.sitofp %iota3A_360 : vector<1x1x16xi32> to vector<1x1x16xf32>
    %mul3A_362 = arith.constant 1.33333337 : f32
    %mul3A_363 = vector.broadcast %mul3A_362 : f32 to vector<1x1x16xf32>
    %mul3A_364 = arith.mulf %convert_element_type3A_361, %mul3A_363 : vector<1x1x16xf32>
    %broadcast_in_dim3A_365 = vector.shape_cast %dot_general3A_250 : vector<64x64xf32> to vector<64x64x1xf32>
    %mul3A_366 = arith.constant 1.000000e-01 : f32
    %mul3A_367 = vector.broadcast %mul3A_366 : f32 to vector<64x64x1xf32>
    %mul3A_368 = arith.mulf %broadcast_in_dim3A_365, %mul3A_367 : vector<64x64x1xf32>
    %sub3A_369 = vector.broadcast %mul3A_368 : vector<64x64x1xf32> to vector<64x64x16xf32>
    %sub3A_370 = vector.broadcast %mul3A_364 : vector<1x1x16xf32> to vector<64x64x16xf32>
    %sub3A_371 = arith.subf %sub3A_369, %sub3A_370 : vector<64x64x16xf32>
    %mul3A_372 = arith.constant 8.000000e-01 : f32
    %mul3A_373 = vector.broadcast %mul3A_372 : f32 to vector<64x64x16xf32>
    %mul3A_374 = arith.mulf %sub3A_371, %mul3A_373 : vector<64x64x16xf32>
    %mul3A_375 = arith.mulf %mul3A_374, %mul3A_374 : vector<64x64x16xf32>
    %neg3A_376 = arith.constant 0.000000e+00 : f32
    %neg3A_377 = vector.broadcast %neg3A_376 : f32 to vector<64x64x16xf32>
    %neg3A_378 = arith.subf %neg3A_377, %mul3A_375 : vector<64x64x16xf32>
    %exp3A_379 = math.exp %neg3A_378 : vector<64x64x16xf32>
    %reduce_sum3A_380 = arith.constant dense<0.000000e+00> : vector<64x16xf32>
    %reduce_sum3A_381 = vector.multi_reduction <add>, %exp3A_379, %reduce_sum3A_380 [1] : vector<64x64x16xf32> to vector<64x16xf32>
    %div3A_382 = arith.constant 6.400000e+01 : f32
    %div3A_383 = vector.broadcast %div3A_382 : f32 to vector<64x16xf32>
    %div3A_384 = arith.divf %reduce_sum3A_381, %div3A_383 : vector<64x16xf32>
    %reduce_sum3A_385 = arith.constant dense<0.000000e+00> : vector<128xf32>
    %reduce_sum3A_386 = vector.multi_reduction <add>, %add3A_359, %reduce_sum3A_385 [0] : vector<64x128xf32> to vector<128xf32>
    %broadcast_in_dim3A_387 = vector.shape_cast %reduce_sum3A_386 : vector<128xf32> to vector<1x128xf32>
    %div3A_388 = arith.constant 6.400000e+01 : f32
    %div3A_389 = vector.broadcast %div3A_388 : f32 to vector<1x128xf32>
    %div3A_390 = arith.divf %broadcast_in_dim3A_387, %div3A_389 : vector<1x128xf32>
    %dot_general3A_391 = arith.constant dense<0.000000e+00> : vector<1x128xf32>
    %dot_general3A_392 = tpu.matmul %div3A_390, %get3A_55, %dot_general3A_391 {dimension_numbers = #tpu.dot_dimension_numbers<[1], [0], [0], [1], [0, 0, 1, 1], [], []>, transpose_lhs_hint = false} : vector<1x128xf32>, vector<128x128xf32>, vector<1x128xf32> -> vector<1x128xf32>
    %dot_general3A_393 = arith.constant dense<0.000000e+00> : vector<64x128xf32>
    %dot_general3A_394 = tpu.matmul %div3A_384, %get3A_58, %dot_general3A_393 {dimension_numbers = #tpu.dot_dimension_numbers<[1], [0], [0], [1], [0, 0, 1, 1], [], []>, transpose_lhs_hint = false} : vector<64x16xf32>, vector<16x128xf32>, vector<64x128xf32> -> vector<64x128xf32>
    %add3A_395 = vector.broadcast %dot_general3A_392 : vector<1x128xf32> to vector<64x128xf32>
    %add3A_396 = arith.addf %add3A_395, %dot_general3A_394 : vector<64x128xf32>
    %add3A_397 = vector.broadcast %get3A_61 : vector<1x128xf32> to vector<64x128xf32>
    %add3A_398 = arith.addf %add3A_396, %add3A_397 : vector<64x128xf32>
    %add3A_399 = arith.addf %add3A_359, %add3A_398 : vector<64x128xf32>
    %reduce_sum3A_400 = arith.constant dense<0.000000e+00> : vector<64xf32>
    %reduce_sum3A_401 = vector.multi_reduction <add>, %add3A_399, %reduce_sum3A_400 [1] : vector<64x128xf32> to vector<64xf32>
    %broadcast_in_dim3A_402 = vector.shape_cast %reduce_sum3A_401 : vector<64xf32> to vector<64x1xf32>
    %div3A_403 = arith.constant 1.280000e+02 : f32
    %div3A_404 = vector.broadcast %div3A_403 : f32 to vector<64x1xf32>
    %div3A_405 = arith.divf %broadcast_in_dim3A_402, %div3A_404 : vector<64x1xf32>
    %sub3A_406 = vector.broadcast %div3A_405 : vector<64x1xf32> to vector<64x128xf32>
    %sub3A_407 = arith.subf %add3A_399, %sub3A_406 : vector<64x128xf32>
    %integer_pow3A_408 = arith.mulf %sub3A_407, %sub3A_407 : vector<64x128xf32>
    %reduce_sum3A_409 = arith.constant dense<0.000000e+00> : vector<64xf32>
    %reduce_sum3A_410 = vector.multi_reduction <add>, %integer_pow3A_408, %reduce_sum3A_409 [1] : vector<64x128xf32> to vector<64xf32>
    %broadcast_in_dim3A_411 = vector.shape_cast %reduce_sum3A_410 : vector<64xf32> to vector<64x1xf32>
    %div3A_412 = arith.constant 1.280000e+02 : f32
    %div3A_413 = vector.broadcast %div3A_412 : f32 to vector<64x1xf32>
    %div3A_414 = arith.divf %broadcast_in_dim3A_411, %div3A_413 : vector<64x1xf32>
    %sub3A_415 = vector.broadcast %div3A_405 : vector<64x1xf32> to vector<64x128xf32>
    %sub3A_416 = arith.subf %add3A_399, %sub3A_415 : vector<64x128xf32>
    %add3A_417 = arith.constant 9.99999974E-6 : f32
    %add3A_418 = vector.broadcast %add3A_417 : f32 to vector<64x1xf32>
    %add3A_419 = arith.addf %div3A_414, %add3A_418 : vector<64x1xf32>
    %sqrt3A_420 = math.sqrt %add3A_419 : vector<64x1xf32>
    %div3A_421 = vector.broadcast %sqrt3A_420 : vector<64x1xf32> to vector<64x128xf32>
    %div3A_422 = arith.divf %sub3A_416, %div3A_421 : vector<64x128xf32>
    %mul3A_423 = vector.broadcast %get3A_64 : vector<1x128xf32> to vector<64x128xf32>
    %mul3A_424 = arith.mulf %div3A_422, %mul3A_423 : vector<64x128xf32>
    %add3A_425 = vector.broadcast %get3A_67 : vector<1x128xf32> to vector<64x128xf32>
    %add3A_426 = arith.addf %mul3A_424, %add3A_425 : vector<64x128xf32>
    %dot_general3A_427 = arith.constant dense<0.000000e+00> : vector<64x256xf32>
    %dot_general3A_428 = tpu.matmul %add3A_426, %get3A_70, %dot_general3A_427 {dimension_numbers = #tpu.dot_dimension_numbers<[1], [0], [0], [1], [0, 0, 1, 1], [], []>, transpose_lhs_hint = false} : vector<64x128xf32>, vector<128x256xf32>, vector<64x256xf32> -> vector<64x256xf32>
    %add3A_429 = vector.broadcast %get3A_73 : vector<1x256xf32> to vector<64x256xf32>
    %add3A_430 = arith.addf %dot_general3A_428, %add3A_429 : vector<64x256xf32>
    %max3A_431 = arith.constant 0.000000e+00 : f32
    %max3A_432 = vector.broadcast %max3A_431 : f32 to vector<64x256xf32>
    %max3A_433 = arith.maximumf %add3A_430, %max3A_432 : vector<64x256xf32>
    %dot_general3A_434 = arith.constant dense<0.000000e+00> : vector<64x256xf32>
    %dot_general3A_435 = tpu.matmul %max3A_433, %get3A_76, %dot_general3A_434 {dimension_numbers = #tpu.dot_dimension_numbers<[1], [0], [0], [1], [0, 0, 1, 1], [], []>, transpose_lhs_hint = false} : vector<64x256xf32>, vector<256x256xf32>, vector<64x256xf32> -> vector<64x256xf32>
    %add3A_436 = vector.broadcast %get3A_79 : vector<1x256xf32> to vector<64x256xf32>
    %add3A_437 = arith.addf %dot_general3A_435, %add3A_436 : vector<64x256xf32>
    %max3A_438 = arith.constant 0.000000e+00 : f32
    %max3A_439 = vector.broadcast %max3A_438 : f32 to vector<64x256xf32>
    %max3A_440 = arith.maximumf %add3A_437, %max3A_439 : vector<64x256xf32>
    %dot_general3A_441 = arith.constant dense<0.000000e+00> : vector<64x128xf32>
    %dot_general3A_442 = tpu.matmul %max3A_440, %get3A_82, %dot_general3A_441 {dimension_numbers = #tpu.dot_dimension_numbers<[1], [0], [0], [1], [0, 0, 1, 1], [], []>, transpose_lhs_hint = false} : vector<64x256xf32>, vector<256x128xf32>, vector<64x128xf32> -> vector<64x128xf32>
    %add3A_443 = vector.broadcast %get3A_85 : vector<1x128xf32> to vector<64x128xf32>
    %add3A_444 = arith.addf %dot_general3A_442, %add3A_443 : vector<64x128xf32>
    %add3A_445 = arith.addf %add3A_426, %add3A_444 : vector<64x128xf32>
    %reduce_sum3A_446 = arith.constant dense<0.000000e+00> : vector<64xf32>
    %reduce_sum3A_447 = vector.multi_reduction <add>, %add3A_445, %reduce_sum3A_446 [1] : vector<64x128xf32> to vector<64xf32>
    %broadcast_in_dim3A_448 = vector.shape_cast %reduce_sum3A_447 : vector<64xf32> to vector<64x1xf32>
    %div3A_449 = arith.constant 1.280000e+02 : f32
    %div3A_450 = vector.broadcast %div3A_449 : f32 to vector<64x1xf32>
    %div3A_451 = arith.divf %broadcast_in_dim3A_448, %div3A_450 : vector<64x1xf32>
    %sub3A_452 = vector.broadcast %div3A_451 : vector<64x1xf32> to vector<64x128xf32>
    %sub3A_453 = arith.subf %add3A_445, %sub3A_452 : vector<64x128xf32>
    %integer_pow3A_454 = arith.mulf %sub3A_453, %sub3A_453 : vector<64x128xf32>
    %reduce_sum3A_455 = arith.constant dense<0.000000e+00> : vector<64xf32>
    %reduce_sum3A_456 = vector.multi_reduction <add>, %integer_pow3A_454, %reduce_sum3A_455 [1] : vector<64x128xf32> to vector<64xf32>
    %broadcast_in_dim3A_457 = vector.shape_cast %reduce_sum3A_456 : vector<64xf32> to vector<64x1xf32>
    %div3A_458 = arith.constant 1.280000e+02 : f32
    %div3A_459 = vector.broadcast %div3A_458 : f32 to vector<64x1xf32>
    %div3A_460 = arith.divf %broadcast_in_dim3A_457, %div3A_459 : vector<64x1xf32>
    %sub3A_461 = vector.broadcast %div3A_451 : vector<64x1xf32> to vector<64x128xf32>
    %sub3A_462 = arith.subf %add3A_445, %sub3A_461 : vector<64x128xf32>
    %add3A_463 = arith.constant 9.99999974E-6 : f32
    %add3A_464 = vector.broadcast %add3A_463 : f32 to vector<64x1xf32>
    %add3A_465 = arith.addf %div3A_460, %add3A_464 : vector<64x1xf32>
    %sqrt3A_466 = math.sqrt %add3A_465 : vector<64x1xf32>
    %div3A_467 = vector.broadcast %sqrt3A_466 : vector<64x1xf32> to vector<64x128xf32>
    %div3A_468 = arith.divf %sub3A_462, %div3A_467 : vector<64x128xf32>
    %mul3A_469 = vector.broadcast %get3A_88 : vector<1x128xf32> to vector<64x128xf32>
    %mul3A_470 = arith.mulf %div3A_468, %mul3A_469 : vector<64x128xf32>
    %add3A_471 = vector.broadcast %get3A_91 : vector<1x128xf32> to vector<64x128xf32>
    %add3A_472 = arith.addf %mul3A_470, %add3A_471 : vector<64x128xf32>
    %reduce_sum3A_473 = arith.constant dense<0.000000e+00> : vector<128xf32>
    %reduce_sum3A_474 = vector.multi_reduction <add>, %add3A_472, %reduce_sum3A_473 [0] : vector<64x128xf32> to vector<128xf32>
    %broadcast_in_dim3A_475 = vector.shape_cast %reduce_sum3A_474 : vector<128xf32> to vector<1x128xf32>
    %div3A_476 = arith.constant 6.400000e+01 : f32
    %div3A_477 = vector.broadcast %div3A_476 : f32 to vector<1x128xf32>
    %div3A_478 = arith.divf %broadcast_in_dim3A_475, %div3A_477 : vector<1x128xf32>
    %dot_general3A_479 = arith.constant dense<0.000000e+00> : vector<1x128xf32>
    %dot_general3A_480 = tpu.matmul %div3A_478, %get3A_94, %dot_general3A_479 {dimension_numbers = #tpu.dot_dimension_numbers<[1], [0], [0], [1], [0, 0, 1, 1], [], []>, transpose_lhs_hint = false} : vector<1x128xf32>, vector<128x128xf32>, vector<1x128xf32> -> vector<1x128xf32>
    %dot_general3A_481 = arith.constant dense<0.000000e+00> : vector<64x128xf32>
    %dot_general3A_482 = tpu.matmul %div3A_384, %get3A_97, %dot_general3A_481 {dimension_numbers = #tpu.dot_dimension_numbers<[1], [0], [0], [1], [0, 0, 1, 1], [], []>, transpose_lhs_hint = false} : vector<64x16xf32>, vector<16x128xf32>, vector<64x128xf32> -> vector<64x128xf32>
    %add3A_483 = vector.broadcast %dot_general3A_480 : vector<1x128xf32> to vector<64x128xf32>
    %add3A_484 = arith.addf %add3A_483, %dot_general3A_482 : vector<64x128xf32>
    %add3A_485 = vector.broadcast %get3A_100 : vector<1x128xf32> to vector<64x128xf32>
    %add3A_486 = arith.addf %add3A_484, %add3A_485 : vector<64x128xf32>
    %add3A_487 = arith.addf %add3A_472, %add3A_486 : vector<64x128xf32>
    %reduce_sum3A_488 = arith.constant dense<0.000000e+00> : vector<64xf32>
    %reduce_sum3A_489 = vector.multi_reduction <add>, %add3A_487, %reduce_sum3A_488 [1] : vector<64x128xf32> to vector<64xf32>
    %broadcast_in_dim3A_490 = vector.shape_cast %reduce_sum3A_489 : vector<64xf32> to vector<64x1xf32>
    %div3A_491 = arith.constant 1.280000e+02 : f32
    %div3A_492 = vector.broadcast %div3A_491 : f32 to vector<64x1xf32>
    %div3A_493 = arith.divf %broadcast_in_dim3A_490, %div3A_492 : vector<64x1xf32>
    %sub3A_494 = vector.broadcast %div3A_493 : vector<64x1xf32> to vector<64x128xf32>
    %sub3A_495 = arith.subf %add3A_487, %sub3A_494 : vector<64x128xf32>
    %integer_pow3A_496 = arith.mulf %sub3A_495, %sub3A_495 : vector<64x128xf32>
    %reduce_sum3A_497 = arith.constant dense<0.000000e+00> : vector<64xf32>
    %reduce_sum3A_498 = vector.multi_reduction <add>, %integer_pow3A_496, %reduce_sum3A_497 [1] : vector<64x128xf32> to vector<64xf32>
    %broadcast_in_dim3A_499 = vector.shape_cast %reduce_sum3A_498 : vector<64xf32> to vector<64x1xf32>
    %div3A_500 = arith.constant 1.280000e+02 : f32
    %div3A_501 = vector.broadcast %div3A_500 : f32 to vector<64x1xf32>
    %div3A_502 = arith.divf %broadcast_in_dim3A_499, %div3A_501 : vector<64x1xf32>
    %sub3A_503 = vector.broadcast %div3A_493 : vector<64x1xf32> to vector<64x128xf32>
    %sub3A_504 = arith.subf %add3A_487, %sub3A_503 : vector<64x128xf32>
    %add3A_505 = arith.constant 9.99999974E-6 : f32
    %add3A_506 = vector.broadcast %add3A_505 : f32 to vector<64x1xf32>
    %add3A_507 = arith.addf %div3A_502, %add3A_506 : vector<64x1xf32>
    %sqrt3A_508 = math.sqrt %add3A_507 : vector<64x1xf32>
    %div3A_509 = vector.broadcast %sqrt3A_508 : vector<64x1xf32> to vector<64x128xf32>
    %div3A_510 = arith.divf %sub3A_504, %div3A_509 : vector<64x128xf32>
    %mul3A_511 = vector.broadcast %get3A_103 : vector<1x128xf32> to vector<64x128xf32>
    %mul3A_512 = arith.mulf %div3A_510, %mul3A_511 : vector<64x128xf32>
    %add3A_513 = vector.broadcast %get3A_106 : vector<1x128xf32> to vector<64x128xf32>
    %add3A_514 = arith.addf %mul3A_512, %add3A_513 : vector<64x128xf32>
    %dot_general3A_515 = arith.constant dense<0.000000e+00> : vector<64x256xf32>
    %dot_general3A_516 = tpu.matmul %add3A_514, %get3A_109, %dot_general3A_515 {dimension_numbers = #tpu.dot_dimension_numbers<[1], [0], [0], [1], [0, 0, 1, 1], [], []>, transpose_lhs_hint = false} : vector<64x128xf32>, vector<128x256xf32>, vector<64x256xf32> -> vector<64x256xf32>
    %add3A_517 = vector.broadcast %get3A_112 : vector<1x256xf32> to vector<64x256xf32>
    %add3A_518 = arith.addf %dot_general3A_516, %add3A_517 : vector<64x256xf32>
    %max3A_519 = arith.constant 0.000000e+00 : f32
    %max3A_520 = vector.broadcast %max3A_519 : f32 to vector<64x256xf32>
    %max3A_521 = arith.maximumf %add3A_518, %max3A_520 : vector<64x256xf32>
    %dot_general3A_522 = arith.constant dense<0.000000e+00> : vector<64x256xf32>
    %dot_general3A_523 = tpu.matmul %max3A_521, %get3A_115, %dot_general3A_522 {dimension_numbers = #tpu.dot_dimension_numbers<[1], [0], [0], [1], [0, 0, 1, 1], [], []>, transpose_lhs_hint = false} : vector<64x256xf32>, vector<256x256xf32>, vector<64x256xf32> -> vector<64x256xf32>
    %add3A_524 = vector.broadcast %get3A_118 : vector<1x256xf32> to vector<64x256xf32>
    %add3A_525 = arith.addf %dot_general3A_523, %add3A_524 : vector<64x256xf32>
    %max3A_526 = arith.constant 0.000000e+00 : f32
    %max3A_527 = vector.broadcast %max3A_526 : f32 to vector<64x256xf32>
    %max3A_528 = arith.maximumf %add3A_525, %max3A_527 : vector<64x256xf32>
    %dot_general3A_529 = arith.constant dense<0.000000e+00> : vector<64x128xf32>
    %dot_general3A_530 = tpu.matmul %max3A_528, %get3A_121, %dot_general3A_529 {dimension_numbers = #tpu.dot_dimension_numbers<[1], [0], [0], [1], [0, 0, 1, 1], [], []>, transpose_lhs_hint = false} : vector<64x256xf32>, vector<256x128xf32>, vector<64x128xf32> -> vector<64x128xf32>
    %add3A_531 = vector.broadcast %get3A_124 : vector<1x128xf32> to vector<64x128xf32>
    %add3A_532 = arith.addf %dot_general3A_530, %add3A_531 : vector<64x128xf32>
    %add3A_533 = arith.addf %add3A_514, %add3A_532 : vector<64x128xf32>
    %reduce_sum3A_534 = arith.constant dense<0.000000e+00> : vector<64xf32>
    %reduce_sum3A_535 = vector.multi_reduction <add>, %add3A_533, %reduce_sum3A_534 [1] : vector<64x128xf32> to vector<64xf32>
    %broadcast_in_dim3A_536 = vector.shape_cast %reduce_sum3A_535 : vector<64xf32> to vector<64x1xf32>
    %div3A_537 = arith.constant 1.280000e+02 : f32
    %div3A_538 = vector.broadcast %div3A_537 : f32 to vector<64x1xf32>
    %div3A_539 = arith.divf %broadcast_in_dim3A_536, %div3A_538 : vector<64x1xf32>
    %sub3A_540 = vector.broadcast %div3A_539 : vector<64x1xf32> to vector<64x128xf32>
    %sub3A_541 = arith.subf %add3A_533, %sub3A_540 : vector<64x128xf32>
    %integer_pow3A_542 = arith.mulf %sub3A_541, %sub3A_541 : vector<64x128xf32>
    %reduce_sum3A_543 = arith.constant dense<0.000000e+00> : vector<64xf32>
    %reduce_sum3A_544 = vector.multi_reduction <add>, %integer_pow3A_542, %reduce_sum3A_543 [1] : vector<64x128xf32> to vector<64xf32>
    %broadcast_in_dim3A_545 = vector.shape_cast %reduce_sum3A_544 : vector<64xf32> to vector<64x1xf32>
    %div3A_546 = arith.constant 1.280000e+02 : f32
    %div3A_547 = vector.broadcast %div3A_546 : f32 to vector<64x1xf32>
    %div3A_548 = arith.divf %broadcast_in_dim3A_545, %div3A_547 : vector<64x1xf32>
    %sub3A_549 = vector.broadcast %div3A_539 : vector<64x1xf32> to vector<64x128xf32>
    %sub3A_550 = arith.subf %add3A_533, %sub3A_549 : vector<64x128xf32>
    %add3A_551 = arith.constant 9.99999974E-6 : f32
    %add3A_552 = vector.broadcast %add3A_551 : f32 to vector<64x1xf32>
    %add3A_553 = arith.addf %div3A_548, %add3A_552 : vector<64x1xf32>
    %sqrt3A_554 = math.sqrt %add3A_553 : vector<64x1xf32>
    %div3A_555 = vector.broadcast %sqrt3A_554 : vector<64x1xf32> to vector<64x128xf32>
    %div3A_556 = arith.divf %sub3A_550, %div3A_555 : vector<64x128xf32>
    %mul3A_557 = vector.broadcast %get3A_127 : vector<1x128xf32> to vector<64x128xf32>
    %mul3A_558 = arith.mulf %div3A_556, %mul3A_557 : vector<64x128xf32>
    %add3A_559 = vector.broadcast %get3A_130 : vector<1x128xf32> to vector<64x128xf32>
    %add3A_560 = arith.addf %mul3A_558, %add3A_559 : vector<64x128xf32>
    %dot_general3A_561 = arith.constant dense<0.000000e+00> : vector<256x256xf32>
    %dot_general3A_562 = tpu.matmul %get3A_194, %get3A_133, %dot_general3A_561 {dimension_numbers = #tpu.dot_dimension_numbers<[1], [0], [0], [1], [0, 0, 1, 1], [], []>, transpose_lhs_hint = false} : vector<256x128xf32>, vector<128x256xf32>, vector<256x256xf32> -> vector<256x256xf32>
    %add3A_563 = vector.broadcast %get3A_142 : vector<1x256xf32> to vector<256x256xf32>
    %add3A_564 = arith.addf %dot_general3A_562, %add3A_563 : vector<256x256xf32>
    %dot_general3A_565 = arith.constant dense<0.000000e+00> : vector<64x256xf32>
    %dot_general3A_566 = tpu.matmul %add3A_560, %get3A_136, %dot_general3A_565 {dimension_numbers = #tpu.dot_dimension_numbers<[1], [0], [0], [1], [0, 0, 1, 1], [], []>, transpose_lhs_hint = false} : vector<64x128xf32>, vector<128x256xf32>, vector<64x256xf32> -> vector<64x256xf32>
    %iota3A_567 = tpu.iota {dimensions = array<i32: 2>} : vector<1x1x16xi32>
    %convert_element_type3A_568 = arith.sitofp %iota3A_567 : vector<1x1x16xi32> to vector<1x1x16xf32>
    %mul3A_569 = arith.constant 1.33333337 : f32
    %mul3A_570 = vector.broadcast %mul3A_569 : f32 to vector<1x1x16xf32>
    %mul3A_571 = arith.mulf %convert_element_type3A_568, %mul3A_570 : vector<1x1x16xf32>
    %broadcast_in_dim3A_572 = vector.shape_cast %dot_general3A_248 : vector<256x64xf32> to vector<256x64x1xf32>
    %mul3A_573 = arith.constant 1.000000e-01 : f32
    %mul3A_574 = vector.broadcast %mul3A_573 : f32 to vector<256x64x1xf32>
    %mul3A_575 = arith.mulf %broadcast_in_dim3A_572, %mul3A_574 : vector<256x64x1xf32>
    %sub3A_576 = vector.broadcast %mul3A_575 : vector<256x64x1xf32> to vector<256x64x16xf32>
    %sub3A_577 = vector.broadcast %mul3A_571 : vector<1x1x16xf32> to vector<256x64x16xf32>
    %sub3A_578 = arith.subf %sub3A_576, %sub3A_577 : vector<256x64x16xf32>
    %mul3A_579 = arith.constant 8.000000e-01 : f32
    %mul3A_580 = vector.broadcast %mul3A_579 : f32 to vector<256x64x16xf32>
    %mul3A_581 = arith.mulf %sub3A_578, %mul3A_580 : vector<256x64x16xf32>
    %mul3A_582 = arith.mulf %mul3A_581, %mul3A_581 : vector<256x64x16xf32>
    %neg3A_583 = arith.constant 0.000000e+00 : f32
    %neg3A_584 = vector.broadcast %neg3A_583 : f32 to vector<256x64x16xf32>
    %neg3A_585 = arith.subf %neg3A_584, %mul3A_582 : vector<256x64x16xf32>
    %exp3A_586 = math.exp %neg3A_585 : vector<256x64x16xf32>
    %reshape3A = vector.shape_cast %exp3A_586 : vector<256x64x16xf32> to vector<16384x16xf32>
    %dot_general3A_587 = arith.constant dense<0.000000e+00> : vector<16384x256xf32>
    %dot_general3A_588 = tpu.matmul %reshape3A, %get3A_139, %dot_general3A_587 {dimension_numbers = #tpu.dot_dimension_numbers<[1], [0], [0], [1], [0, 0, 1, 1], [], []>, transpose_lhs_hint = false} : vector<16384x16xf32>, vector<16x256xf32>, vector<16384x256xf32> -> vector<16384x256xf32>
    %broadcast_in_dim3A_589 = vector.shape_cast %add3A_564 : vector<256x256xf32> to vector<256x1x256xf32>
    %broadcast_in_dim3A_590 = vector.shape_cast %broadcast_in_dim3A_589 : vector<256x1x256xf32> to vector<256x1x256xf32>
    %broadcast_in_dim3A_591 = vector.broadcast %broadcast_in_dim3A_590 : vector<256x1x256xf32> to vector<256x64x256xf32>
    %reshape3A_592 = vector.shape_cast %broadcast_in_dim3A_591 : vector<256x64x256xf32> to vector<16384x256xf32>
    %add3A_593 = arith.addf %dot_general3A_588, %reshape3A_592 : vector<16384x256xf32>
    %broadcast_in_dim3A_594 = vector.shape_cast %dot_general3A_566 : vector<64x256xf32> to vector<1x64x256xf32>
    %broadcast_in_dim3A_595 = vector.shape_cast %broadcast_in_dim3A_594 : vector<1x64x256xf32> to vector<1x64x256xf32>
    %broadcast_in_dim3A_596 = vector.broadcast %broadcast_in_dim3A_595 : vector<1x64x256xf32> to vector<256x64x256xf32>
    %reshape3A_597 = vector.shape_cast %broadcast_in_dim3A_596 : vector<256x64x256xf32> to vector<16384x256xf32>
    %add3A_598 = arith.addf %add3A_593, %reshape3A_597 : vector<16384x256xf32>
    %max3A_599 = arith.constant 0.000000e+00 : f32
    %max3A_600 = vector.broadcast %max3A_599 : f32 to vector<16384x256xf32>
    %max3A_601 = arith.maximumf %add3A_598, %max3A_600 : vector<16384x256xf32>
    %dot_general3A_602 = arith.constant dense<0.000000e+00> : vector<16384x256xf32>
    %dot_general3A_603 = tpu.matmul %max3A_601, %get3A_145, %dot_general3A_602 {dimension_numbers = #tpu.dot_dimension_numbers<[1], [0], [0], [1], [0, 0, 1, 1], [], []>, transpose_lhs_hint = false} : vector<16384x256xf32>, vector<256x256xf32>, vector<16384x256xf32> -> vector<16384x256xf32>
    %add3A_604 = vector.broadcast %get3A_148 : vector<1x256xf32> to vector<16384x256xf32>
    %add3A_605 = arith.addf %dot_general3A_603, %add3A_604 : vector<16384x256xf32>
    %max3A_606 = arith.constant 0.000000e+00 : f32
    %max3A_607 = vector.broadcast %max3A_606 : f32 to vector<16384x256xf32>
    %max3A_608 = arith.maximumf %add3A_605, %max3A_607 : vector<16384x256xf32>
    %reshape3A_609 = vector.shape_cast %max3A_608 : vector<16384x256xf32> to vector<256x64x256xf32>
    %reduce_sum3A_610 = arith.constant dense<0.000000e+00> : vector<256x256xf32>
    %reduce_sum3A_611 = vector.multi_reduction <add>, %reshape3A_609, %reduce_sum3A_610 [1] : vector<256x64x256xf32> to vector<256x256xf32>
    %div3A_612 = arith.constant 6.400000e+01 : f32
    %div3A_613 = vector.broadcast %div3A_612 : f32 to vector<256x256xf32>
    %div3A_614 = arith.divf %reduce_sum3A_611, %div3A_613 : vector<256x256xf32>
    %dot_general3A_615 = arith.constant dense<0.000000e+00> : vector<256x128xf32>
    %dot_general3A_616 = tpu.matmul %div3A_614, %get3A_151, %dot_general3A_615 {dimension_numbers = #tpu.dot_dimension_numbers<[1], [0], [0], [1], [0, 0, 1, 1], [], []>, transpose_lhs_hint = false} : vector<256x256xf32>, vector<256x128xf32>, vector<256x128xf32> -> vector<256x128xf32>
    %add3A_617 = vector.broadcast %get3A_154 : vector<1x128xf32> to vector<256x128xf32>
    %add3A_618 = arith.addf %dot_general3A_616, %add3A_617 : vector<256x128xf32>
    %mul3A_619 = vector.broadcast %get3A_199 : vector<256x1xf32> to vector<256x128xf32>
    %mul3A_620 = arith.mulf %add3A_618, %mul3A_619 : vector<256x128xf32>
    %add3A_621 = arith.addf %get3A_194, %mul3A_620 : vector<256x128xf32>
    %reduce_sum3A_622 = arith.constant dense<0.000000e+00> : vector<256xf32>
    %reduce_sum3A_623 = vector.multi_reduction <add>, %add3A_621, %reduce_sum3A_622 [1] : vector<256x128xf32> to vector<256xf32>
    %broadcast_in_dim3A_624 = vector.shape_cast %reduce_sum3A_623 : vector<256xf32> to vector<256x1xf32>
    %div3A_625 = arith.constant 1.280000e+02 : f32
    %div3A_626 = vector.broadcast %div3A_625 : f32 to vector<256x1xf32>
    %div3A_627 = arith.divf %broadcast_in_dim3A_624, %div3A_626 : vector<256x1xf32>
    %sub3A_628 = vector.broadcast %div3A_627 : vector<256x1xf32> to vector<256x128xf32>
    %sub3A_629 = arith.subf %add3A_621, %sub3A_628 : vector<256x128xf32>
    %integer_pow3A_630 = arith.mulf %sub3A_629, %sub3A_629 : vector<256x128xf32>
    %reduce_sum3A_631 = arith.constant dense<0.000000e+00> : vector<256xf32>
    %reduce_sum3A_632 = vector.multi_reduction <add>, %integer_pow3A_630, %reduce_sum3A_631 [1] : vector<256x128xf32> to vector<256xf32>
    %broadcast_in_dim3A_633 = vector.shape_cast %reduce_sum3A_632 : vector<256xf32> to vector<256x1xf32>
    %div3A_634 = arith.constant 1.280000e+02 : f32
    %div3A_635 = vector.broadcast %div3A_634 : f32 to vector<256x1xf32>
    %div3A_636 = arith.divf %broadcast_in_dim3A_633, %div3A_635 : vector<256x1xf32>
    %sub3A_637 = vector.broadcast %div3A_627 : vector<256x1xf32> to vector<256x128xf32>
    %sub3A_638 = arith.subf %add3A_621, %sub3A_637 : vector<256x128xf32>
    %add3A_639 = arith.constant 9.99999974E-6 : f32
    %add3A_640 = vector.broadcast %add3A_639 : f32 to vector<256x1xf32>
    %add3A_641 = arith.addf %div3A_636, %add3A_640 : vector<256x1xf32>
    %sqrt3A_642 = math.sqrt %add3A_641 : vector<256x1xf32>
    %div3A_643 = vector.broadcast %sqrt3A_642 : vector<256x1xf32> to vector<256x128xf32>
    %div3A_644 = arith.divf %sub3A_638, %div3A_643 : vector<256x128xf32>
    %mul3A_645 = vector.broadcast %get3A_157 : vector<1x128xf32> to vector<256x128xf32>
    %mul3A_646 = arith.mulf %div3A_644, %mul3A_645 : vector<256x128xf32>
    %add3A_647 = vector.broadcast %get3A_160 : vector<1x128xf32> to vector<256x128xf32>
    %add3A_648 = arith.addf %mul3A_646, %add3A_647 : vector<256x128xf32>
    %dot_general3A_649 = arith.constant dense<0.000000e+00> : vector<256x256xf32>
    %dot_general3A_650 = tpu.matmul %add3A_648, %get3A_163, %dot_general3A_649 {dimension_numbers = #tpu.dot_dimension_numbers<[1], [0], [0], [1], [0, 0, 1, 1], [], []>, transpose_lhs_hint = false} : vector<256x128xf32>, vector<128x256xf32>, vector<256x256xf32> -> vector<256x256xf32>
    %add3A_651 = vector.broadcast %get3A_166 : vector<1x256xf32> to vector<256x256xf32>
    %add3A_652 = arith.addf %dot_general3A_650, %add3A_651 : vector<256x256xf32>
    %max3A_653 = arith.constant 0.000000e+00 : f32
    %max3A_654 = vector.broadcast %max3A_653 : f32 to vector<256x256xf32>
    %max3A_655 = arith.maximumf %add3A_652, %max3A_654 : vector<256x256xf32>
    %dot_general3A_656 = arith.constant dense<0.000000e+00> : vector<256x256xf32>
    %dot_general3A_657 = tpu.matmul %max3A_655, %get3A_169, %dot_general3A_656 {dimension_numbers = #tpu.dot_dimension_numbers<[1], [0], [0], [1], [0, 0, 1, 1], [], []>, transpose_lhs_hint = false} : vector<256x256xf32>, vector<256x256xf32>, vector<256x256xf32> -> vector<256x256xf32>
    %add3A_658 = vector.broadcast %get3A_172 : vector<1x256xf32> to vector<256x256xf32>
    %add3A_659 = arith.addf %dot_general3A_657, %add3A_658 : vector<256x256xf32>
    %max3A_660 = arith.constant 0.000000e+00 : f32
    %max3A_661 = vector.broadcast %max3A_660 : f32 to vector<256x256xf32>
    %max3A_662 = arith.maximumf %add3A_659, %max3A_661 : vector<256x256xf32>
    %dot_general3A_663 = arith.constant dense<0.000000e+00> : vector<256x128xf32>
    %dot_general3A_664 = tpu.matmul %max3A_662, %get3A_175, %dot_general3A_663 {dimension_numbers = #tpu.dot_dimension_numbers<[1], [0], [0], [1], [0, 0, 1, 1], [], []>, transpose_lhs_hint = false} : vector<256x256xf32>, vector<256x128xf32>, vector<256x128xf32> -> vector<256x128xf32>
    %add3A_665 = vector.broadcast %get3A_178 : vector<1x128xf32> to vector<256x128xf32>
    %add3A_666 = arith.addf %dot_general3A_664, %add3A_665 : vector<256x128xf32>
    %mul3A_667 = vector.broadcast %get3A_199 : vector<256x1xf32> to vector<256x128xf32>
    %mul3A_668 = arith.mulf %add3A_666, %mul3A_667 : vector<256x128xf32>
    %add3A_669 = arith.addf %add3A_648, %mul3A_668 : vector<256x128xf32>
    %reduce_sum3A_670 = arith.constant dense<0.000000e+00> : vector<256xf32>
    %reduce_sum3A_671 = vector.multi_reduction <add>, %add3A_669, %reduce_sum3A_670 [1] : vector<256x128xf32> to vector<256xf32>
    %broadcast_in_dim3A_672 = vector.shape_cast %reduce_sum3A_671 : vector<256xf32> to vector<256x1xf32>
    %div3A_673 = arith.constant 1.280000e+02 : f32
    %div3A_674 = vector.broadcast %div3A_673 : f32 to vector<256x1xf32>
    %div3A_675 = arith.divf %broadcast_in_dim3A_672, %div3A_674 : vector<256x1xf32>
    %sub3A_676 = vector.broadcast %div3A_675 : vector<256x1xf32> to vector<256x128xf32>
    %sub3A_677 = arith.subf %add3A_669, %sub3A_676 : vector<256x128xf32>
    %integer_pow3A_678 = arith.mulf %sub3A_677, %sub3A_677 : vector<256x128xf32>
    %reduce_sum3A_679 = arith.constant dense<0.000000e+00> : vector<256xf32>
    %reduce_sum3A_680 = vector.multi_reduction <add>, %integer_pow3A_678, %reduce_sum3A_679 [1] : vector<256x128xf32> to vector<256xf32>
    %broadcast_in_dim3A_681 = vector.shape_cast %reduce_sum3A_680 : vector<256xf32> to vector<256x1xf32>
    %div3A_682 = arith.constant 1.280000e+02 : f32
    %div3A_683 = vector.broadcast %div3A_682 : f32 to vector<256x1xf32>
    %div3A_684 = arith.divf %broadcast_in_dim3A_681, %div3A_683 : vector<256x1xf32>
    %sub3A_685 = vector.broadcast %div3A_675 : vector<256x1xf32> to vector<256x128xf32>
    %sub3A_686 = arith.subf %add3A_669, %sub3A_685 : vector<256x128xf32>
    %add3A_687 = arith.constant 9.99999974E-6 : f32
    %add3A_688 = vector.broadcast %add3A_687 : f32 to vector<256x1xf32>
    %add3A_689 = arith.addf %div3A_684, %add3A_688 : vector<256x1xf32>
    %sqrt3A_690 = math.sqrt %add3A_689 : vector<256x1xf32>
    %div3A_691 = vector.broadcast %sqrt3A_690 : vector<256x1xf32> to vector<256x128xf32>
    %div3A_692 = arith.divf %sub3A_686, %div3A_691 : vector<256x128xf32>
    %mul3A_693 = vector.broadcast %get3A_181 : vector<1x128xf32> to vector<256x128xf32>
    %mul3A_694 = arith.mulf %div3A_692, %mul3A_693 : vector<256x128xf32>
    %add3A_695 = vector.broadcast %get3A_184 : vector<1x128xf32> to vector<256x128xf32>
    %add3A_696 = arith.addf %mul3A_694, %add3A_695 : vector<256x128xf32>
    %swap3A = arith.constant 0 : index
    %swap3A_697 = arith.constant 0 : index
    %swap3A_698 = arith.constant 0 : index
    %swap3A_699 = vector.load %arg67[%swap3A, %swap3A_697, %swap3A_698] : memref<1x256x128xf32, #tpu.memory_space<vmem>>, vector<1x256x128xf32>
    %swap3A_700 = vector.shape_cast %swap3A_699 : vector<1x256x128xf32> to vector<256x128xf32>
    %swap3A_701 = vector.shape_cast %add3A_696 : vector<256x128xf32> to vector<1x256x128xf32>
    tpu.vector_store %arg67[%swap3A, %swap3A_697, %swap3A_698], %swap3A_701 {strides = array<i32>} : memref<1x256x128xf32, #tpu.memory_space<vmem>>, vector<1x256x128xf32>,
    return
  }
  func.func @transform_0(%arg0: i32) -> (i32, i32, i32) {
    %c0_i32 = arith.constant 0 : i32
    %c0_i32_0 = arith.constant 0 : i32
    %c0_i32_1 = arith.constant 0 : i32
    return %arg0, %c0_i32, %c0_i32_0 : i32, i32, i32
  }
  func.func @transform_1(%arg0: i32) -> (i32, i32, i32) {
    %c0_i32 = arith.constant 0 : i32
    %c0_i32_0 = arith.constant 0 : i32
    %c0_i32_1 = arith.constant 0 : i32
    return %arg0, %c0_i32, %c0_i32_0 : i32, i32, i32
  }
  func.func @transform_2(%arg0: i32) -> (i32, i32, i32) {
    %c0_i32 = arith.constant 0 : i32
    %c0_i32_0 = arith.constant 0 : i32
    %c0_i32_1 = arith.constant 0 : i32
    return %arg0, %c0_i32, %c0_i32_0 : i32, i32, i32
  }
  func.func @transform_3(%arg0: i32) -> (i32, i32, i32) {
    %c0_i32 = arith.constant 0 : i32
    %c0_i32_0 = arith.constant 0 : i32
    %c0_i32_1 = arith.constant 0 : i32
    return %arg0, %c0_i32, %c0_i32_0 : i32, i32, i32
  }
  func.func @transform_4(%arg0: i32) -> (i32, i32) {
    %c0_i32 = arith.constant 0 : i32
    %c0_i32_0 = arith.constant 0 : i32
    %c0_i32_1 = arith.constant 0 : i32
    return %c0_i32, %c0_i32_0 : i32, i32
  }
  func.func @transform_5(%arg0: i32) -> (i32, i32) {
    %c0_i32 = arith.constant 0 : i32
    %c0_i32_0 = arith.constant 0 : i32
    %c0_i32_1 = arith.constant 0 : i32
    return %c0_i32, %c0_i32_0 : i32, i32
  }
  func.func @transform_6(%arg0: i32) -> (i32, i32) {
    %c0_i32 = arith.constant 0 : i32
    %c0_i32_0 = arith.constant 0 : i32
    %c0_i32_1 = arith.constant 0 : i32
    return %c0_i32, %c0_i32_0 : i32, i32
  }
  func.func @transform_7(%arg0: i32) -> (i32, i32) {
    %c0_i32 = arith.constant 0 : i32
    %c0_i32_0 = arith.constant 0 : i32
    %c0_i32_1 = arith.constant 0 : i32
    return %c0_i32, %c0_i32_0 : i32, i32
  }
  func.func @transform_8(%arg0: i32) -> (i32, i32) {
    %c0_i32 = arith.constant 0 : i32
    %c0_i32_0 = arith.constant 0 : i32
    %c0_i32_1 = arith.constant 0 : i32
    return %c0_i32, %c0_i32_0 : i32, i32
  }
  func.func @transform_9(%arg0: i32) -> (i32, i32) {
    %c0_i32 = arith.constant 0 : i32
    %c0_i32_0 = arith.constant 0 : i32
    %c0_i32_1 = arith.constant 0 : i32
    return %c0_i32, %c0_i32_0 : i32, i32
  }
  func.func @transform_10(%arg0: i32) -> (i32, i32) {
    %c0_i32 = arith.constant 0 : i32
    %c0_i32_0 = arith.constant 0 : i32
    %c0_i32_1 = arith.constant 0 : i32
    return %c0_i32, %c0_i32_0 : i32, i32
  }
  func.func @transform_11(%arg0: i32) -> (i32, i32) {
    %c0_i32 = arith.constant 0 : i32
    %c0_i32_0 = arith.constant 0 : i32
    %c0_i32_1 = arith.constant 0 : i32
    return %c0_i32, %c0_i32_0 : i32, i32
  }
  func.func @transform_12(%arg0: i32) -> (i32, i32) {
    %c0_i32 = arith.constant 0 : i32
    %c0_i32_0 = arith.constant 0 : i32
    %c0_i32_1 = arith.constant 0 : i32
    return %c0_i32, %c0_i32_0 : i32, i32
  }
  func.func @transform_13(%arg0: i32) -> (i32, i32) {
    %c0_i32 = arith.constant 0 : i32
    %c0_i32_0 = arith.constant 0 : i32
    %c0_i32_1 = arith.constant 0 : i32
    return %c0_i32, %c0_i32_0 : i32, i32
  }
  func.func @transform_14(%arg0: i32) -> (i32, i32) {
    %c0_i32 = arith.constant 0 : i32
    %c0_i32_0 = arith.constant 0 : i32
    %c0_i32_1 = arith.constant 0 : i32
    return %c0_i32, %c0_i32_0 : i32, i32
  }
  func.func @transform_15(%arg0: i32) -> (i32, i32) {
    %c0_i32 = arith.constant 0 : i32
    %c0_i32_0 = arith.constant 0 : i32
    %c0_i32_1 = arith.constant 0 : i32
    return %c0_i32, %c0_i32_0 : i32, i32
  }
  func.func @transform_16(%arg0: i32) -> (i32, i32) {
    %c0_i32 = arith.constant 0 : i32
    %c0_i32_0 = arith.constant 0 : i32
    %c0_i32_1 = arith.constant 0 : i32
    return %c0_i32, %c0_i32_0 : i32, i32
  }
  func.func @transform_17(%arg0: i32) -> (i32, i32) {
    %c0_i32 = arith.constant 0 : i32
    %c0_i32_0 = arith.constant 0 : i32
    %c0_i32_1 = arith.constant 0 : i32
    return %c0_i32, %c0_i32_0 : i32, i32
  }
  func.func @transform_18(%arg0: i32) -> (i32, i32) {
    %c0_i32 = arith.constant 0 : i32
    %c0_i32_0 = arith.constant 0 : i32
    %c0_i32_1 = arith.constant 0 : i32
    return %c0_i32, %c0_i32_0 : i32, i32
  }
  func.func @transform_19(%arg0: i32) -> (i32, i32) {
    %c0_i32 = arith.constant 0 : i32
    %c0_i32_0 = arith.constant 0 : i32
    %c0_i32_1 = arith.constant 0 : i32
    return %c0_i32, %c0_i32_0 : i32, i32
  }
  func.func @transform_20(%arg0: i32) -> (i32, i32) {
    %c0_i32 = arith.constant 0 : i32
    %c0_i32_0 = arith.constant 0 : i32
    %c0_i32_1 = arith.constant 0 : i32
    return %c0_i32, %c0_i32_0 : i32, i32
  }
  func.func @transform_21(%arg0: i32) -> (i32, i32) {
    %c0_i32 = arith.constant 0 : i32
    %c0_i32_0 = arith.constant 0 : i32
    %c0_i32_1 = arith.constant 0 : i32
    return %c0_i32, %c0_i32_0 : i32, i32
  }
  func.func @transform_22(%arg0: i32) -> (i32, i32) {
    %c0_i32 = arith.constant 0 : i32
    %c0_i32_0 = arith.constant 0 : i32
    %c0_i32_1 = arith.constant 0 : i32
    return %c0_i32, %c0_i32_0 : i32, i32
  }
  func.func @transform_23(%arg0: i32) -> (i32, i32) {
    %c0_i32 = arith.constant 0 : i32
    %c0_i32_0 = arith.constant 0 : i32
    %c0_i32_1 = arith.constant 0 : i32
    return %c0_i32, %c0_i32_0 : i32, i32
  }
  func.func @transform_24(%arg0: i32) -> (i32, i32) {
    %c0_i32 = arith.constant 0 : i32
    %c0_i32_0 = arith.constant 0 : i32
    %c0_i32_1 = arith.constant 0 : i32
    return %c0_i32, %c0_i32_0 : i32, i32
  }
  func.func @transform_25(%arg0: i32) -> (i32, i32) {
    %c0_i32 = arith.constant 0 : i32
    %c0_i32_0 = arith.constant 0 : i32
    %c0_i32_1 = arith.constant 0 : i32
    return %c0_i32, %c0_i32_0 : i32, i32
  }
  func.func @transform_26(%arg0: i32) -> (i32, i32) {
    %c0_i32 = arith.constant 0 : i32
    %c0_i32_0 = arith.constant 0 : i32
    %c0_i32_1 = arith.constant 0 : i32
    return %c0_i32, %c0_i32_0 : i32, i32
  }
  func.func @transform_27(%arg0: i32) -> (i32, i32) {
    %c0_i32 = arith.constant 0 : i32
    %c0_i32_0 = arith.constant 0 : i32
    %c0_i32_1 = arith.constant 0 : i32
    return %c0_i32, %c0_i32_0 : i32, i32
  }
  func.func @transform_28(%arg0: i32) -> (i32, i32) {
    %c0_i32 = arith.constant 0 : i32
    %c0_i32_0 = arith.constant 0 : i32
    %c0_i32_1 = arith.constant 0 : i32
    return %c0_i32, %c0_i32_0 : i32, i32
  }
  func.func @transform_29(%arg0: i32) -> (i32, i32) {
    %c0_i32 = arith.constant 0 : i32
    %c0_i32_0 = arith.constant 0 : i32
    %c0_i32_1 = arith.constant 0 : i32
    return %c0_i32, %c0_i32_0 : i32, i32
  }
  func.func @transform_30(%arg0: i32) -> (i32, i32) {
    %c0_i32 = arith.constant 0 : i32
    %c0_i32_0 = arith.constant 0 : i32
    %c0_i32_1 = arith.constant 0 : i32
    return %c0_i32, %c0_i32_0 : i32, i32
  }
  func.func @transform_31(%arg0: i32) -> (i32, i32) {
    %c0_i32 = arith.constant 0 : i32
    %c0_i32_0 = arith.constant 0 : i32
    %c0_i32_1 = arith.constant 0 : i32
    return %c0_i32, %c0_i32_0 : i32, i32
  }
  func.func @transform_32(%arg0: i32) -> (i32, i32) {
    %c0_i32 = arith.constant 0 : i32
    %c0_i32_0 = arith.constant 0 : i32
    %c0_i32_1 = arith.constant 0 : i32
    return %c0_i32, %c0_i32_0 : i32, i32
  }
  func.func @transform_33(%arg0: i32) -> (i32, i32) {
    %c0_i32 = arith.constant 0 : i32
    %c0_i32_0 = arith.constant 0 : i32
    %c0_i32_1 = arith.constant 0 : i32
    return %c0_i32, %c0_i32_0 : i32, i32
  }
  func.func @transform_34(%arg0: i32) -> (i32, i32) {
    %c0_i32 = arith.constant 0 : i32
    %c0_i32_0 = arith.constant 0 : i32
    %c0_i32_1 = arith.constant 0 : i32
    return %c0_i32, %c0_i32_0 : i32, i32
  }
  func.func @transform_35(%arg0: i32) -> (i32, i32) {
    %c0_i32 = arith.constant 0 : i32
    %c0_i32_0 = arith.constant 0 : i32
    %c0_i32_1 = arith.constant 0 : i32
    return %c0_i32, %c0_i32_0 : i32, i32
  }
  func.func @transform_36(%arg0: i32) -> (i32, i32) {
    %c0_i32 = arith.constant 0 : i32
    %c0_i32_0 = arith.constant 0 : i32
    %c0_i32_1 = arith.constant 0 : i32
    return %c0_i32, %c0_i32_0 : i32, i32
  }
  func.func @transform_37(%arg0: i32) -> (i32, i32) {
    %c0_i32 = arith.constant 0 : i32
    %c0_i32_0 = arith.constant 0 : i32
    %c0_i32_1 = arith.constant 0 : i32
    return %c0_i32, %c0_i32_0 : i32, i32
  }
  func.func @transform_38(%arg0: i32) -> (i32, i32) {
    %c0_i32 = arith.constant 0 : i32
    %c0_i32_0 = arith.constant 0 : i32
    %c0_i32_1 = arith.constant 0 : i32
    return %c0_i32, %c0_i32_0 : i32, i32
  }
  func.func @transform_39(%arg0: i32) -> (i32, i32) {
    %c0_i32 = arith.constant 0 : i32
    %c0_i32_0 = arith.constant 0 : i32
    %c0_i32_1 = arith.constant 0 : i32
    return %c0_i32, %c0_i32_0 : i32, i32
  }
  func.func @transform_40(%arg0: i32) -> (i32, i32) {
    %c0_i32 = arith.constant 0 : i32
    %c0_i32_0 = arith.constant 0 : i32
    %c0_i32_1 = arith.constant 0 : i32
    return %c0_i32, %c0_i32_0 : i32, i32
  }
  func.func @transform_41(%arg0: i32) -> (i32, i32) {
    %c0_i32 = arith.constant 0 : i32
    %c0_i32_0 = arith.constant 0 : i32
    %c0_i32_1 = arith.constant 0 : i32
    return %c0_i32, %c0_i32_0 : i32, i32
  }
  func.func @transform_42(%arg0: i32) -> (i32, i32) {
    %c0_i32 = arith.constant 0 : i32
    %c0_i32_0 = arith.constant 0 : i32
    %c0_i32_1 = arith.constant 0 : i32
    return %c0_i32, %c0_i32_0 : i32, i32
  }
  func.func @transform_43(%arg0: i32) -> (i32, i32) {
    %c0_i32 = arith.constant 0 : i32
    %c0_i32_0 = arith.constant 0 : i32
    %c0_i32_1 = arith.constant 0 : i32
    return %c0_i32, %c0_i32_0 : i32, i32
  }
  func.func @transform_44(%arg0: i32) -> (i32, i32) {
    %c0_i32 = arith.constant 0 : i32
    %c0_i32_0 = arith.constant 0 : i32
    %c0_i32_1 = arith.constant 0 : i32
    return %c0_i32, %c0_i32_0 : i32, i32
  }
  func.func @transform_45(%arg0: i32) -> (i32, i32) {
    %c0_i32 = arith.constant 0 : i32
    %c0_i32_0 = arith.constant 0 : i32
    %c0_i32_1 = arith.constant 0 : i32
    return %c0_i32, %c0_i32_0 : i32, i32
  }
  func.func @transform_46(%arg0: i32) -> (i32, i32) {
    %c0_i32 = arith.constant 0 : i32
    %c0_i32_0 = arith.constant 0 : i32
    %c0_i32_1 = arith.constant 0 : i32
    return %c0_i32, %c0_i32_0 : i32, i32
  }
  func.func @transform_47(%arg0: i32) -> (i32, i32) {
    %c0_i32 = arith.constant 0 : i32
    %c0_i32_0 = arith.constant 0 : i32
    %c0_i32_1 = arith.constant 0 : i32
    return %c0_i32, %c0_i32_0 : i32, i32
  }
  func.func @transform_48(%arg0: i32) -> (i32, i32) {
    %c0_i32 = arith.constant 0 : i32
    %c0_i32_0 = arith.constant 0 : i32
    %c0_i32_1 = arith.constant 0 : i32
    return %c0_i32, %c0_i32_0 : i32, i32
  }
  func.func @transform_49(%arg0: i32) -> (i32, i32) {
    %c0_i32 = arith.constant 0 : i32
    %c0_i32_0 = arith.constant 0 : i32
    %c0_i32_1 = arith.constant 0 : i32
    return %c0_i32, %c0_i32_0 : i32, i32
  }
  func.func @transform_50(%arg0: i32) -> (i32, i32) {
    %c0_i32 = arith.constant 0 : i32
    %c0_i32_0 = arith.constant 0 : i32
    %c0_i32_1 = arith.constant 0 : i32
    return %c0_i32, %c0_i32_0 : i32, i32
  }
  func.func @transform_51(%arg0: i32) -> (i32, i32) {
    %c0_i32 = arith.constant 0 : i32
    %c0_i32_0 = arith.constant 0 : i32
    %c0_i32_1 = arith.constant 0 : i32
    return %c0_i32, %c0_i32_0 : i32, i32
  }
  func.func @transform_52(%arg0: i32) -> (i32, i32) {
    %c0_i32 = arith.constant 0 : i32
    %c0_i32_0 = arith.constant 0 : i32
    %c0_i32_1 = arith.constant 0 : i32
    return %c0_i32, %c0_i32_0 : i32, i32
  }
  func.func @transform_53(%arg0: i32) -> (i32, i32) {
    %c0_i32 = arith.constant 0 : i32
    %c0_i32_0 = arith.constant 0 : i32
    %c0_i32_1 = arith.constant 0 : i32
    return %c0_i32, %c0_i32_0 : i32, i32
  }
  func.func @transform_54(%arg0: i32) -> (i32, i32) {
    %c0_i32 = arith.constant 0 : i32
    %c0_i32_0 = arith.constant 0 : i32
    %c0_i32_1 = arith.constant 0 : i32
    return %c0_i32, %c0_i32_0 : i32, i32
  }
  func.func @transform_55(%arg0: i32) -> (i32, i32) {
    %c0_i32 = arith.constant 0 : i32
    %c0_i32_0 = arith.constant 0 : i32
    %c0_i32_1 = arith.constant 0 : i32
    return %c0_i32, %c0_i32_0 : i32, i32
  }
  func.func @transform_56(%arg0: i32) -> (i32, i32) {
    %c0_i32 = arith.constant 0 : i32
    %c0_i32_0 = arith.constant 0 : i32
    %c0_i32_1 = arith.constant 0 : i32
    return %c0_i32, %c0_i32_0 : i32, i32
  }
  func.func @transform_57(%arg0: i32) -> (i32, i32) {
    %c0_i32 = arith.constant 0 : i32
    %c0_i32_0 = arith.constant 0 : i32
    %c0_i32_1 = arith.constant 0 : i32
    return %c0_i32, %c0_i32_0 : i32, i32
  }
  func.func @transform_58(%arg0: i32) -> (i32, i32) {
    %c0_i32 = arith.constant 0 : i32
    %c0_i32_0 = arith.constant 0 : i32
    %c0_i32_1 = arith.constant 0 : i32
    return %c0_i32, %c0_i32_0 : i32, i32
  }
  func.func @transform_59(%arg0: i32) -> (i32, i32) {
    %c0_i32 = arith.constant 0 : i32
    %c0_i32_0 = arith.constant 0 : i32
    %c0_i32_1 = arith.constant 0 : i32
    return %c0_i32, %c0_i32_0 : i32, i32
  }
  func.func @transform_60(%arg0: i32) -> (i32, i32) {
    %c0_i32 = arith.constant 0 : i32
    %c0_i32_0 = arith.constant 0 : i32
    %c0_i32_1 = arith.constant 0 : i32
    return %c0_i32, %c0_i32_0 : i32, i32
  }
  func.func @transform_61(%arg0: i32) -> (i32, i32) {
    %c0_i32 = arith.constant 0 : i32
    %c0_i32_0 = arith.constant 0 : i32
    %c0_i32_1 = arith.constant 0 : i32
    return %c0_i32, %c0_i32_0 : i32, i32
  }
  func.func @transform_62(%arg0: i32) -> (i32, i32) {
    %c0_i32 = arith.constant 0 : i32
    %c0_i32_0 = arith.constant 0 : i32
    %c0_i32_1 = arith.constant 0 : i32
    return %c0_i32, %c0_i32_0 : i32, i32
  }
  func.func @transform_63(%arg0: i32) -> (i32, i32) {
    %c0_i32 = arith.constant 0 : i32
    %c0_i32_0 = arith.constant 0 : i32
    %c0_i32_1 = arith.constant 0 : i32
    return %c0_i32, %c0_i32_0 : i32, i32
  }
  func.func @transform_64(%arg0: i32) -> (i32, i32) {
    %c0_i32 = arith.constant 0 : i32
    %c0_i32_0 = arith.constant 0 : i32
    %c0_i32_1 = arith.constant 0 : i32
    return %c0_i32, %c0_i32_0 : i32, i32
  }
  func.func @transform_65(%arg0: i32) -> (i32, i32) {
    %c0_i32 = arith.constant 0 : i32
    %c0_i32_0 = arith.constant 0 : i32
    %c0_i32_1 = arith.constant 0 : i32
    return %c0_i32, %c0_i32_0 : i32, i32
  }
  func.func @transform_66(%arg0: i32) -> (i32, i32, i32) {
    %c0_i32 = arith.constant 0 : i32
    %c0_i32_0 = arith.constant 0 : i32
    %c0_i32_1 = arith.constant 0 : i32
    return %arg0, %c0_i32, %c0_i32_0 : i32, i32, i32
  }
}

</mosaic_0001>

<sc_bundles>
// kernel: kernel.5.cloned.1.call-start
scs
__scs_entry_jumppad:
0x0: {  	(pc) =	sbr.rel $0x88, $3  }
0x1: {  	(tag) =	ssettag $0x0;
	lr =	simm.s32 $0x1  }
0x2: {  	[smem:$0x3F65] =	sst lr;
	_ =	strace $0xD0000000  }
0x3: {  	_ = 	snop  }
0x4: {  	_ = 	snop  }
0x5: {  	_ = 	snop  }
0x6: {  	_ = 	snop  }
0x7: {  	_ = 	snop  }
__scs_overlays_trampoline_lowered:
0x8: {  	[smem:$0x3F74] =	sst s0  }
0x9: {  	[smem:$0x3F75] =	sst s1  }
0xa: {  	[smem:$0x3F76] =	sst s2  }
0xb: {  	[smem:$0x3F77] =	sst s3  }
0xc: {  	[smem:$0x3F78] =	sst s4  }
0xd: {  	[smem:$0x3F79] =	sst s5  }
0xe: {  	[smem:$0x3F7A] =	sst s6  }
0xf: {  	[smem:$0x3F7B] =	sst s7  }
0x10: {  	[smem:$0x3F7C] =	sst s8  }
0x11: {  	[smem:$0x3F7D] =	sst s9;
	s0 =	simm.s32 @!p0 $0x0  }
0x12: {  	s1 =	sld [smem:$0x3F63];
	s0 =	simm.s32 @p0 $0x1  }
0x13: {  	[smem:$0x3F7E] =	sst s0;
	s0 =	simm.s32 @!p1 $0x0  }
0x14: {  	s2 =	sld [smem:$0x3F62];
	s0 =	simm.s32 @p1 $0x1  }
0x15: {  	[smem:$0x3F7F] =	sst s0;
	s0 =	simm.s32 @!p2 $0x0  }
0x16: {  	s3 =	sld [smem:$0x3FDB];
	s0 =	simm.s32 @p2 $0x1  }
0x17: {  	s4 =	simm.s32 $0x1BF5;
	[smem:$0x3F81] =	sst s0  }
0x18: {  	s0 =	sld [smem:$0x3F64];
	_ =	swait.ge [sflag:s4], $0x0  }
0x19: {  	s7 =	sld [smem:$0x3F65]  }
0x1a: {  	s8 =	sadd.s32 $0xFFFFE003, lr  }
0x1b: {  	s9 =	sadd.s32 $0xFFFFFEF7, lr;
	s5 =	simm.s32 $0xFFFFFFFF;
	p2 =	slt.u32 s8, $0xFFFFF086  }
0x1c: {  	p1 =	slt.u32 s9, $0xF7A;
	s5 =	simm.s32 @!p2 $0x0  }
0x1d: {  	s5 =	simm.s32 @p1 $0x1;
	p0 =	seq.s32 s7, s2  }
0x1e: {  	s7 =	smul.u32 @!p0 $0xF7A, s2;
	p2 =	seq.s32 @!p0 s5, $0x0  }
0x1f: {  	s9 =	smul.u32 $0xF7A, s1;
	s8 =	simm.s32 @!p0 $0x1BF5;
	p2 =	por !p2, p0  }
0x20: {  	[sflag:s8] =	ssyncset.s32 @!p0 $0xFFFFF086;
	s6 =	sadd.s32 @!p0 s3, s7;
	s7 =	simm.s32 @!p0 $0x108  }
0x21: {  	s3 =	sadd.s32 s3, s9;
	s6 =	sadd.s32 @!p0 $0x88, s6;
	s7 =	simm.s32 @p2 $0x1082  }
0x22: {  	[simem:s7], [sflag:s8] =	dma.local @!p0 [hbm:s6], $0xF7A  }
0x23: {  	s9 =	sor.u32 $0xD0000000, s2;
	s6 =	simm.s32 $0x108;
	_ =	swait.ge @!p0 [sflag:s8], $0x0  }
0x24: {  	s3 =	sadd.s32 $0x88, s3;
	s6 =	simm.s32 @!p1 $0x1082;
	[sflag:s4] =	ssyncset.s32 $0xFFFFF086  }
0x25: {  	[simem:s6], [sflag:s4] =	dma.local [hbm:s3], $0xF7A  }
0x26: {  	[smem:$0x3F65] =	sst s1;
	(tag) =	ssettag s2;
	_ =	strace s9  }
0x27: {  	s1 =	sld [smem:$0x3F75]  }
0x28: {  	s2 =	sld [smem:$0x3F76]  }
0x29: {  	s4 =	sld [smem:$0x3F78]  }
0x2a: {  	p0 =	seq.s32 s5, $0x0;
	s5 =	sld [smem:$0x3F79]  }
0x2b: {  	s6 =	sld [smem:$0x3F7A]  }
0x2c: {  	s7 =	sld [smem:$0x3F7B]  }
0x2d: {  	s3 =	simm.s32 $0x108;
	s8 =	sld [smem:$0x3F7C]  }
0x2e: {  	s3 =	simm.s32 @!p0 $0x1082;
	s9 =	sld [smem:$0x3F7D]  }
0x2f: {  	lr =	sadd.s32 s0, s3;
	s0 =	sld [smem:$0x3F74]  }
0x30: {  	s3 =	sld [smem:$0x3F77]  }
0x31: {  	[smem:$0x3F80] =	sst s10  }
0x32: {  	s10 =	sld [smem:$0x3F7E];
	_ =	sdelay $0x3  }
0x33: {  	p0 =	seq.s32 s10, $0x1;
	s10 =	sld [smem:$0x3F80];
	_ =	sdelay $0x3  }
0x34: {  	[smem:$0x3F80] =	sst s10  }
0x35: {  	s10 =	sld [smem:$0x3F7F];
	_ =	sdelay $0x3  }
0x36: {  	p1 =	seq.s32 s10, $0x1;
	s10 =	sld [smem:$0x3F80];
	_ =	sdelay $0x3  }
0x37: {  	[smem:$0x3F80] =	sst s10  }
0x38: {  	s10 =	sld [smem:$0x3F81]  }
0x39: {  	_ = 	snop;
	(pc) =	sbr.ind lr, $3  }
0x3a: {  	_ = 	snop  }
0x3b: {  	_ = 	snop  }
0x3c: {  	p2 =	seq.s32 s10, $0x1;
	s10 =	sld [smem:$0x3F80]  }
0x3d: {  	_ =	shalt  }
0x3e: {  	_ =	shalt  }
0x3f: {  	_ =	shalt  }
0x40: {  	_ =	shalt  }
0x41: {  	_ =	shalt  }
0x42: {  	_ =	shalt  }
0x43: {  	_ =	shalt  }
0x44: {  	_ =	shalt  }
0x45: {  	_ =	shalt  }
0x46: {  	_ =	shalt  }
0x47: {  	_ =	shalt  }
0x48: {  	_ =	shalt  }
0x49: {  	_ =	shalt  }
0x4a: {  	_ =	shalt  }
0x4b: {  	_ =	shalt  }
0x4c: {  	_ =	shalt  }
0x4d: {  	_ =	shalt  }
0x4e: {  	_ =	shalt  }
0x4f: {  	_ =	shalt  }
0x50: {  	_ =	shalt  }
0x51: {  	_ =	shalt  }
0x52: {  	_ =	shalt  }
0x53: {  	_ =	shalt  }
0x54: {  	_ =	shalt  }
0x55: {  	_ =	shalt  }
0x56: {  	_ =	shalt  }
0x57: {  	_ =	shalt  }
0x58: {  	_ =	shalt  }
0x59: {  	_ =	shalt  }
0x5a: {  	_ =	shalt  }
0x5b: {  	_ =	shalt  }
0x5c: {  	_ =	shalt  }
0x5d: {  	_ =	shalt  }
0x5e: {  	_ =	shalt  }
0x5f: {  	_ =	shalt  }
0x60: {  	_ =	shalt  }
0x61: {  	_ =	shalt  }
0x62: {  	_ =	shalt  }
0x63: {  	_ =	shalt  }
0x64: {  	_ =	shalt  }
0x65: {  	_ =	shalt  }
0x66: {  	_ =	shalt  }
0x67: {  	_ =	shalt  }
0x68: {  	_ =	shalt  }
0x69: {  	_ =	shalt  }
0x6a: {  	_ =	shalt  }
0x6b: {  	_ =	shalt  }
0x6c: {  	_ =	shalt  }
0x6d: {  	_ =	shalt  }
0x6e: {  	_ =	shalt  }
0x6f: {  	_ =	shalt  }
0x70: {  	_ =	shalt  }
0x71: {  	_ =	shalt  }
0x72: {  	_ =	shalt  }
0x73: {  	_ =	shalt  }
0x74: {  	_ =	shalt  }
0x75: {  	_ =	shalt  }
0x76: {  	_ =	shalt  }
0x77: {  	_ =	shalt  }
0x78: {  	_ =	shalt  }
0x79: {  	_ =	shalt  }
0x7a: {  	_ =	shalt  }
0x7b: {  	_ =	shalt  }
0x7c: {  	_ =	shalt  }
0x7d: {  	_ =	shalt  }
0x7e: {  	_ =	shalt  }
0x7f: {  	_ =	shalt  }
0x80: {  	_ =	shalt  }
0x81: {  	_ =	shalt  }
0x82: {  	_ =	shalt  }
0x83: {  	_ =	shalt  }
0x84: {  	_ =	shalt  }
0x85: {  	_ =	shalt  }
0x86: {  	_ =	shalt  }
0x87: {  	_ =	shalt  }
.Lfunc_end0:
.L_simem_size_0:
called_computation_lowered:
.L_overlay_start_0:
0x88: {  	s2 =	sld [smem:$0x3FD9]  }
0x89: {  	s3 =	sld [smem:$0x3FFE];
	_ =	sdelay $0x1  }
0x8a: {  	s1 =	srdreg.scid  }
0x8b: {  	s0 =	sand.u32 $0x1, s1  }
0x8c: {  	s14 =	sshll.u32 s0, $0xA;
	s2 =	sadd.s32 s3, s2  }
0x8d: {  	s2 =	sadd.s32 s2, s14  }
0x8e: {  	[smem:$0x3F8C] =	sst s2  }
0x8f: {  	_ = 	snop  }
0x90: {  	s2 =	sld [smem:$0x3FD0];
	_ =	sdelay $0x2  }
0x91: {  	s15 =	simm.s32 $0xA;
	s4 =	simm.s32 $0x10  }
0x92: {  	[smem:s4], [sflag:s15] =	dma.local [hbm:s2], $0x1  }
0x93: {  	_ =	swait.eq [sflag:s15], $0x1  }
0x94: {  	[sflag:s15] =	ssyncset.done $0x0  }
0x95: {  	[sflag:s15] =	ssyncadd.s32 $0xFFFFFFFF  }
0x96: {  	s16 =	sld [smem:$0x10];
	(tm) =	ssettm $0x1  }
0x97: {  	s17 =	sld [smem:$0x3FFB];
	_ =	sdelay $0x3  }
0x98: {  	_ =	strace s17  }
0x99: {  	s3 =	sld [smem:$0x3FFC];
	_ =	sdelay $0x3  }
0x9a: {  	_ =	strace s3  }
0x9b: {  	s3 =	sld [smem:$0x3FFD];
	_ =	sdelay $0x3  }
0x9c: {  	_ =	strace s3  }
0x9d: {  	_ =	strace $0x8FFFFFFF  }
0x9e: {  	s18 =	sld [smem:$0x3FDB];
	_ =	sdelay $0x1  }
0x9f: {  	s19 =	simm.s32 $_scs_section_size  }
0xa0: {  	s5 =	simm.s32 $_size__tile_overlayer_lowered;
	s6 =	simm.s32 $_tile_overlayer_lowered  }
0xa1: {  	s22 =	simm.s32 $0x1BFF;
	s21 =	sshll.u32 s6, $0x1;
	s3 =	sadd.s32 s19, s18  }
0xa2: {  	s7 =	simm.s32 $0x0;
	s20 =	sshll.u32 s5, $0x1;
	s5 =	sadd.s32 s21, s3  }
0xa3: {  	[timem:s7], [sflag:s22] =	dma.local [hbm:s5], s20  }
0xa4: {  	_ =	swait.ge [sflag:s22], s20  }
0xa5: {  	s4 =	ssub.s32 $0x0, s20;
	[sflag:s22] =	ssyncset.done $0x0  }
0xa6: {  	[sflag:s22] =	ssyncadd.s32 s4;
	_ =	sdelay $0x1  }
0xa7: {  	s23 =	simm.s32 $0x1B8B  }
0xa8: {  	_ =	swait.ge [sflag:s23], $0x1  }
0xa9: {  	[sflag:s23] =	ssyncset.done $0x0  }
0xaa: {  	s25 =	simm.s32 $0x1B8E;
	s24 =	sld [smem:$0x3FFE];
	[sflag:s23] =	ssyncadd.s32 $0xFFFFFFFF  }
0xab: {  	s26 =	simm.s32 $execute0_lowered;
	[smem:$0x3FD2] =	sst s25  }
0xac: {  	s5 =	sshll.u32 s26, $0x1;
	_ =	strace $0x80000046;
	[dreg:$0x1] =	wrdreg $0xFFFFFFFF  }
0xad: {  	s28 =	simm.s32 $_size_execute0_lowered;
	s3 =	sadd.s32 s3, s5;
	[dreg:$0x0] =	wrdreg $0x0  }
0xae: {  	s5 =	sshll.u32 s28, $0x1;
	[dreg:$0x2] =	wrdreg s3  }
0xaf: {  	[dreg:$0x3] =	wrdreg s5  }
0xb0: {  	[dreg:$0x4] =	wrdreg $0xC0  }
0xb1: {  	_ =	task [dreg:s7], $0x5FFFF  }
0xb2: {  	[dreg:$0x1] =	wrdreg $0xFFFFFFFF  }
0xb3: {  	[dreg:$0x0] =	wrdreg $0x60  }
0xb4: {  	[dreg:$0x2] =	wrdreg s16  }
0xb5: {  	[dreg:$0x3] =	wrdreg s24  }
0xb6: {  	[dreg:$0x4] =	wrdreg $0x9  }
0xb7: {  	_ =	task.clear_ibuf [dreg:s7], $0x5FFFF;
	_ =	strace $0x90000046  }
0xb8: {  	s29 =	simm.s32 $0x9;
	_ =	strace $0x80000048  }
0xb9: {  	_ =	swait.ge [sflag:s29], $0x1  }
0xba: {  	[sflag:s29] =	ssyncadd.s32 $0xFFFFFFFF  }
0xbb: {  	_ =	strace $0x90000048  }
0xbc: {  	_ =	sfence  }
0xbd: {  	s30 =	sld [smem:$0x0];
	_ =	sdelay $0x2  }
0xbe: {  	s31 =	sshll.u32 s1, $0xD;
	s1 =	sshrl.u32 s1, $0x2  }
0xbf: {  	s3 =	sand.u32 $0x4000, s31;
	s1 =	sadd.s32 s1, s30  }
0xc0: {  	s0 =	sor.u32 s3, s0;
	s1 =	sshll.u32 s1, $0x11  }
0xc1: {  	s0 =	sor.u32 s1, s0  }
0xc2: {  	s0 =	sadd.s32 $0x8F2B, s0  }
0xc3: {  	[sflag:s0] =	ssyncadd.remote.s32 $0x1  }
0xc4: {  	_ =	sfence.sel $0xFFFF  }
0xc5: {  	[dreg:$0x0] =	wrdreg $0xFFFFFFFF;
	(pc) =	sbr.abs _section_cstart, $3  }
0xc6: {  	[dreg:$0x1] =	wrdreg $0xFFFFFFFF  }
0xc7: {  	_ =	task.clear_ibuf [dreg:s7], $0x2FFFF;
	_ =	strace $0x9FFFFFFF  }
0xc8: {  	(tm) =	ssettm $0x7FFFFFFF  }
0xc9: {  	_ =	shalt  }
tec
execute0_lowered:
.L_overlay_start_1:
0x0: {  	(tag) =	ssettag $0x1  }
0x1: {  	s1 =	srdreg.scid;
	s4 =	rddreg [dreg:$0x0]  }
0x2: {  	s0 =	stileid.u32;
	s6 =	rddreg [dreg:$0x1]  }
0x3: {  	s12 =	simm.s32 $0x0;
	s5 =	sand.u32 $0x1, s1;
	s2 =	sshrl.u32 s0, $0x3  }
0x4: {  	s1 =	rddreg [dreg:$0x2];
	s8 =	sshll.u32 s0, $0x5;
	s3 =	sshll.u32 s5, $0x1  }
0x5: {  	s5 =	ssub.s32 $0x2, s5;
	s30 =	sand.u32 $0x80, s8;
	s7 =	sor.u32 s2, s3  }
0x6: {  	v1 =	vlaneseq.u32;
	s2 =	simm.s32 $0x0;
	s3 =	sand.u32 $0xE0, s8;
	s11 =	sshrl.u32 s5, $0x1  }
0x7: {  	v2 =	vimm.s32 $0x0;
	v3 =	vimm.s32 $0x1;
	v4 =	vimm.s32 $0x2;
	s8 =	simm.s32 $0x80;
	s9 =	sshll.u32 s7, $0x8;
	s10 =	sor.u32 $0x10, s3  }
0x8: {  	v5 =	vimm.s32 $0x3;
	v6 =	vimm.s32 $0x4;
	v7 =	vimm.s32 $0x5;
	[smem:$0x7FF] =	sst s2;
	s28 =	ssub.s32 s5, s11;
	s29 =	sshll.u32 s7, $0x4  }
0x9: {  	v8 =	vimm.s32 $0x6;
	v9 =	vimm.s32 $0x7;
	v10 =	vimm.s32 $0x8;
	s11 =	simm.s32 $0x100;
	s9 =	sor.u32 s3, s9;
	_ =	strace $0x80000047  }
0xa: {  	v11 =	vimm.s32 $0x9;
	v12 =	vimm.s32 $0xA;
	v13 =	vimm.s32 $0xB;
	s31 =	sand.u32 $0x70, s10;
	s4 =	sadd.s32 s4, s29;
	s9 =	sshrl.u32 s9, $0x3  }
0xb: {  	v14 =	vimm.s32 $0xC;
	v0 =	vor.u32 s3, v1;
	v1 =	vor.u32 s10, v1;
	s7 =	smax.u32 s28, $0x1;
	s10 =	simm.s32 $0x1;
	s6 =	sadd.s32 s9, s6  }
0xc: {  	v15 =	vimm.s32 $0xD;
	v16 =	vimm.s32 $0xE;
	v17 =	vimm.s32 $0xF;
	s5 =	sor.u32 s31, s30;
	s9 =	simm.s32 $0x200;
	s6 =	sadd.s32 $0x7E00, s6  }
.LBB2_1:
0xd: {  	[tilespmem:s2], [sflag:$0x1] =	stream.strided.gather [hbm4b:s4+s8], $0x100, s9, s8, $0x38;
	[tilespmem:$0x180] =	vst v63  }
0xe: {  	s13 =	simm.s32 $0xF;
	s14 =	simm.s32 $0xD;
	s15 =	simm.s32 $0xE  }
0xf: {  	s21 =	simm.s32 $0xB;
	s16 =	simm.s32 $0xC;
	s22 =	simm.s32 $0x7;
	v18 =	vmov s13;
	v19 =	vmov s14  }
0x10: {  	s23 =	simm.s32 $0x8;
	s17 =	simm.s32 $0x9;
	s24 =	simm.s32 $0x4;
	v20 =	vmov s15;
	v21 =	vmov s21;
	v22 =	vmov s16  }
0x11: {  	s25 =	simm.s32 $0x5;
	s26 =	simm.s32 $0x6;
	s28 =	simm.s32 $0x1;
	v23 =	vmov s22;
	v24 =	vmov s23;
	v25 =	vmov s17  }
0x12: {  	s29 =	simm.s32 $0x2;
	s30 =	simm.s32 $0x3;
	_ =	swait.ge [sflag:s10], $0x100;
	v26 =	vmov s24;
	v27 =	vmov s25;
	v28 =	vmov s26  }
0x13: {  	s20 =	simm.s32 $0xA;
	s31 =	simm.s32 $0x0;
	v29 =	vmov s28;
	v30 =	vmov s29;
	v32 =	vmov s30;
	[sflag:s10] =	ssyncset.done $0x0  }
0x14: {  	v33 =	vmov s31;
	vm8 =	vlt.u32 v18, v0;
	v18 =	vmov s20;
	[sflag:s10] =	ssyncadd.s32 $0xFFFFFF00  }
0x15: {  	vm4 =	vlt.u32 v19, v0;
	vm9 =	vlt.u32 v20, v0;
	vm13 =	vlt.u32 v22, v0;
	v31 =	vld [tilespmem:s2+$0x0]  }
0x16: {  	vm6 =	vlt.u32 v23, v0;
	vm7 =	vlt.u32 v24, v0;
	vm3 =	vlt.u32 v28, v0  }
0x17: {  	vm10 =	vlt.u32 v27, v0;
	vm12 =	vlt.u32 v26, v0;
	vm11 =	vlt.u32 v30, v0  }
0x18: {  	vm14 =	vlt.u32 v29, v0;
	vm0 =	vlt.u32 v18, v0;
	v18 =	vimm.s32 $0x0  }
0x19: {  	v29 =	vimm.s32 $0x0;
	v18 =	vsel vm0, $0xFFFFFFFF, v18;
	vm0 =	vlt.u32 v21, v0  }
0x1a: {  	[tilespmem:$0x1FFD0] =	vst v18;
	v18 =	vimm.s32 $0x0;
	v20 =	vperm.xlane v31, v16;
	v19 =	vperm.xlane v31, v17  }
0x1b: {  	v18 =	vsel vm0, $0xFFFFFFFF, v18;
	v22 =	vperm.xlane v31, v14;
	v21 =	vperm.xlane v31, v15  }
0x1c: {  	vm0 =	vlt.u32 v25, v0;
	v24 =	vperm.xlane v31, v12;
	v23 =	vperm.xlane v31, v13  }
0x1d: {  	[tilespmem:$0x1FFE0] =	vst v18;
	v18 =	vimm.s32 $0x0;
	v26 =	vperm.xlane v31, v10;
	v25 =	vperm.xlane v31, v11  }
0x1e: {  	v18 =	vsel vm0, $0xFFFFFFFF, v18;
	v28 =	vperm.xlane v31, v8;
	v27 =	vperm.xlane v31, v9  }
0x1f: {  	s13 =	simm.s32 $0x1F;
	s14 =	simm.s32 $0x0;
	vm0 =	vlt.u32 v32, v0;
	[tilespmem:$0x1FFF0] =	vst v18;
	v18 =	vld [tilespmem:s3+$0x0];
	v32 =	vperm.xlane v31, v6;
	v30 =	vperm.xlane v31, v7  }
.LBB2_2:
0x20: {  	v34 =	vimm.s32 $0x0;
	v46 =	vimm.s32 $0x0;
	v47 =	vimm.s32 $0x0  }
0x21: {  	v48 =	vimm.s32 $0x0;
	v49 =	vimm.s32 $0x0;
	v50 =	vperm.xlane v31, v4  }
0x22: {  	vm1 =	vlt.u32 v33, v0;
	v51 =	vperm.xlane v31, v5;
	v35 =	vperm.xlane v31, v2  }
0x23: {  	v31 =	vperm.xlane v31, v3;
	v36 =	vimm.s32 $0x0;
	v52 =	vimm.s32 $0x0  }
0x24: {  	v53 =	vimm.s32 $0x0;
	v54 =	vimm.s32 $0x0;
	v34 =	vsel vm7, $0xFFFFFFFF, v34  }
0x25: {  	v55 =	vimm.s32 $0x0;
	vm2 =	vgt.f32 v19, v18;
	[tilespmem:$0x1FF10] =	vst v34;
	v34 =	vsel vm13, $0xFFFFFFFF, v46  }
0x26: {  	v56 =	vimm.s32 $0x0;
	v57 =	vimm.s32 $0x0;
	v36 =	vsel vm2, $0xFFFFFFFF, v36;
	[tilespmem:$0x1FF60] =	vst v34  }
0x27: {  	v58 =	vimm.s32 $0x0;
	vm2 =	vgt.f32 v22, v18;
	v34 =	vsel vm4, $0xFFFFFFFF, v47;
	[tilespmem:$0x1FFB0] =	vst v36  }
0x28: {  	vm5 =	vgt.f32 v28, v18;
	vm15 =	vgt.f32 v30, v18;
	v36 =	vsel vm2, $0xFFFFFFFF, v52;
	[tilespmem:$0x1FF80] =	vst v34  }
0x29: {  	vm13 =	vgt.f32 v27, v18;
	vm2 =	vgt.f32 v21, v18;
	v34 =	vsel vm9, $0xFFFFFFFF, v48;
	[tilespmem:$0x1FF50] =	vst v36  }
0x2a: {  	vm7 =	vgt.f32 v51, v18;
	v36 =	vsel vm2, $0xFFFFFFFF, v53;
	vm2 =	vgt.f32 v20, v18;
	[tilespmem:$0x1FFA0] =	vst v34  }
0x2b: {  	vm4 =	vmmov vm6;
	[tilespmem:$0x1FF70] =	vst v36;
	v36 =	vsel vm2, $0xFFFFFFFF, v54;
	vm2 =	vgt.f32 v25, v18  }
0x2c: {  	vm6 =	vgt.f32 v32, v18;
	[tilespmem:$0x1FF90] =	vst v36;
	v36 =	vsel vm2, $0xFFFFFFFF, v55;
	vm2 =	vgt.f32 v24, v18  }
0x2d: {  	v34 =	vsel vm8, $0xFFFFFFFF, v49;
	[tilespmem:$0x1FF20] =	vst v36;
	v36 =	vsel vm2, $0xFFFFFFFF, v56;
	vm2 =	vgt.f32 v23, v18  }
0x2e: {  	vm8 =	vgt.f32 v35, v18;
	[tilespmem:$0x1FF30] =	vst v36;
	v36 =	vsel vm2, $0xFFFFFFFF, v57;
	vm2 =	vgt.f32 v26, v18  }
0x2f: {  	v59 =	vsel vm8, $0x1, v2;
	[tilespmem:$0x1FF40] =	vst v36;
	v36 =	vsel vm2, $0xFFFFFFFF, v58;
	vm2 =	veq.f32 v35, v18  }
0x30: {  	vm9 =	vgt.f32 v50, v18;
	v29 =	vadd.s32 v59, v29;
	vm1 =	vmand vm1, vm2  }
0x31: {  	vm2 =	vgt.f32 v31, v18;
	v60 =	vsel vm1, $0x1, v2;
	vm1 =	veq.f32 v31, v18  }
0x32: {  	v31 =	vsel vm2, $0x1, v2;
	v29 =	vadd.s32 v60, v29;
	vm1 =	vmand vm14, vm1  }
0x33: {  	v29 =	vadd.s32 v31, v29;
	v31 =	vsel vm1, $0x1, v2;
	vm1 =	veq.f32 v50, v18  }
0x34: {  	v29 =	vadd.s32 v31, v29;
	v31 =	vsel vm9, $0x1, v2;
	vm1 =	vmand vm11, vm1  }
0x35: {  	v29 =	vadd.s32 v31, v29;
	v31 =	vsel vm1, $0x1, v2;
	vm1 =	veq.f32 v51, v18  }
0x36: {  	v29 =	vadd.s32 v31, v29;
	v31 =	vsel vm7, $0x1, v2;
	vm0 =	vmand vm0, vm1  }
0x37: {  	v29 =	vadd.s32 v31, v29;
	v31 =	vsel vm0, $0x1, v2;
	vm0 =	veq.f32 v32, v18  }
0x38: {  	v29 =	vadd.s32 v31, v29;
	v31 =	vsel vm6, $0x1, v2;
	vm0 =	vmand vm12, vm0  }
0x39: {  	v29 =	vadd.s32 v31, v29;
	v31 =	vsel vm0, $0x1, v2;
	vm0 =	veq.f32 v30, v18  }
0x3a: {  	v30 =	vsel vm15, $0x1, v2;
	v29 =	vadd.s32 v31, v29;
	vm0 =	vmand vm10, vm0  }
0x3b: {  	v29 =	vadd.s32 v30, v29;
	v30 =	vsel vm0, $0x1, v2;
	vm0 =	veq.f32 v28, v18  }
0x3c: {  	v28 =	vadd.s32 v30, v29;
	v29 =	vsel vm5, $0x1, v2;
	vm0 =	vmand vm3, vm0  }
0x3d: {  	v28 =	vadd.s32 v29, v28;
	v29 =	vsel vm0, $0x1, v2;
	vm0 =	veq.f32 v27, v18  }
0x3e: {  	v27 =	vadd.s32 v29, v28;
	v28 =	vsel vm13, $0x1, v2;
	vm0 =	vmand vm4, vm0  }
0x3f: {  	[tilespmem:$0x1FF00] =	vst v36;
	v27 =	vadd.s32 v28, v27;
	v28 =	vsel vm0, $0x1, v2  }
0x40: {  	vm0 =	veq.f32 v26, v18;
	v26 =	vadd.s32 v28, v27;
	v27 =	vld [tilespmem:$0x1FF00]  }
0x41: {  	v28 =	vld [tilespmem:$0x1FF10];
	_ =	sdelay $0x3  }
0x42: {  	vm1 =	vnez.u8 v27  }
0x43: {  	v27 =	vsel vm1, $0x1, v2;
	vm1 =	vnez.u8 v28  }
0x44: {  	vm0 =	vmand vm1, vm0  }
0x45: {  	v26 =	vadd.s32 v27, v26;
	v27 =	vsel vm0, $0x1, v2  }
0x46: {  	vm0 =	veq.f32 v25, v18;
	v25 =	vadd.s32 v27, v26;
	v26 =	vld [tilespmem:$0x1FF20]  }
0x47: {  	v27 =	vld [tilespmem:$0x1FFF0];
	_ =	sdelay $0x3  }
0x48: {  	vm1 =	vnez.u8 v26  }
0x49: {  	v26 =	vsel vm1, $0x1, v2;
	vm1 =	vnez.u8 v27  }
0x4a: {  	vm0 =	vmand vm1, vm0  }
0x4b: {  	v25 =	vadd.s32 v26, v25;
	v26 =	vsel vm0, $0x1, v2  }
0x4c: {  	vm0 =	veq.f32 v24, v18;
	v24 =	vadd.s32 v26, v25;
	v25 =	vld [tilespmem:$0x1FF30]  }
0x4d: {  	v26 =	vld [tilespmem:$0x1FFD0];
	_ =	sdelay $0x3  }
0x4e: {  	vm1 =	vnez.u8 v25  }
0x4f: {  	v25 =	vsel vm1, $0x1, v2;
	vm1 =	vnez.u8 v26  }
0x50: {  	vm0 =	vmand vm1, vm0  }
0x51: {  	v24 =	vadd.s32 v25, v24;
	v25 =	vsel vm0, $0x1, v2  }
0x52: {  	vm0 =	veq.f32 v23, v18;
	v23 =	vadd.s32 v25, v24;
	v24 =	vld [tilespmem:$0x1FF40]  }
0x53: {  	v25 =	vld [tilespmem:$0x1FFE0];
	_ =	sdelay $0x3  }
0x54: {  	vm1 =	vnez.u8 v24  }
0x55: {  	v24 =	vsel vm1, $0x1, v2;
	vm1 =	vnez.u8 v25  }
0x56: {  	vm0 =	vmand vm1, vm0  }
0x57: {  	v23 =	vadd.s32 v24, v23;
	v24 =	vsel vm0, $0x1, v2  }
0x58: {  	vm0 =	veq.f32 v22, v18;
	v22 =	vadd.s32 v24, v23;
	v23 =	vld [tilespmem:$0x1FF50]  }
0x59: {  	v24 =	vld [tilespmem:$0x1FF60];
	_ =	sdelay $0x3  }
0x5a: {  	vm1 =	vnez.u8 v23  }
0x5b: {  	v23 =	vsel vm1, $0x1, v2;
	vm1 =	vnez.u8 v24  }
0x5c: {  	vm0 =	vmand vm1, vm0  }
0x5d: {  	v22 =	vadd.s32 v23, v22;
	v23 =	vsel vm0, $0x1, v2  }
0x5e: {  	vm0 =	veq.f32 v21, v18;
	v21 =	vadd.s32 v23, v22;
	v22 =	vld [tilespmem:$0x1FF70]  }
0x5f: {  	v23 =	vld [tilespmem:$0x1FF80];
	_ =	sdelay $0x3  }
0x60: {  	vm1 =	vnez.u8 v22  }
0x61: {  	v22 =	vsel vm1, $0x1, v2;
	vm1 =	vnez.u8 v23  }
0x62: {  	vm0 =	vmand vm1, vm0  }
0x63: {  	v21 =	vadd.s32 v22, v21;
	v22 =	vsel vm0, $0x1, v2  }
0x64: {  	vm0 =	veq.f32 v20, v18;
	v20 =	vadd.s32 v22, v21;
	v21 =	vld [tilespmem:$0x1FF90]  }
0x65: {  	v22 =	vld [tilespmem:$0x1FFA0];
	_ =	sdelay $0x1  }
0x66: {  	s28 =	sadd.s32 $0xFFFFFFF2, s13  }
0x67: {  	s14 =	sadd.s32 $0x10, s14;
	s29 =	sadd.s32 $0xFFFFFFF3, s13;
	s30 =	sadd.s32 $0xFFFFFFF4, s13;
	v61 =	vmov s28  }
0x68: {  	s31 =	sadd.s32 $0xFFFFFFF1, s13;
	v62 =	vmov s29;
	v63 =	vmov s30;
	v31 =	vld [tilespmem:s14+$0x0];
	vm1 =	vnez.u8 v21  }
0x69: {  	v33 =	vmov s31;
	v21 =	vsel vm1, $0x1, v2;
	vm1 =	vnez.u8 v22  }
0x6a: {  	s26 =	sadd.s32 $0xFFFFFFF7, s13;
	vm14 =	vlt.u32 v61, v0;
	vm11 =	vlt.u32 v62, v0;
	vm0 =	vmand vm1, vm0  }
0x6b: {  	v30 =	vmov s26;
	v20 =	vadd.s32 v21, v20;
	v21 =	vsel vm0, $0x1, v2  }
0x6c: {  	s25 =	sadd.s32 $0xFFFFFFF6, s13;
	[tilespmem:$0x1FFC0] =	vst v34;
	vm3 =	vlt.u32 v30, v0;
	vm0 =	veq.f32 v19, v18;
	v19 =	vadd.s32 v21, v20;
	v20 =	vld [tilespmem:$0x1FFB0]  }
0x6d: {  	s24 =	sadd.s32 $0xFFFFFFF5, s13;
	v32 =	vperm.xlane v31, v6;
	v30 =	vperm.xlane v31, v7;
	v28 =	vmov s25;
	v21 =	vld [tilespmem:$0x1FFC0]  }
0x6e: {  	s23 =	sadd.s32 $0xFFFFFFF9, s13;
	vm10 =	vlt.u32 v28, v0;
	v28 =	vperm.xlane v31, v8;
	v27 =	vmov s24  }
0x6f: {  	s22 =	sadd.s32 $0xFFFFFFF8, s13;
	s20 =	sadd.s32 $0xFFFFFFFA, s13;
	vm12 =	vlt.u32 v27, v0;
	v27 =	vperm.xlane v31, v9;
	v25 =	vmov s23  }
0x70: {  	v26 =	vmov s20;
	vm7 =	vlt.u32 v25, v0;
	v24 =	vmov s22  }
0x71: {  	v25 =	vperm.xlane v31, v11;
	vm6 =	vlt.u32 v24, v0;
	vm1 =	vnez.u8 v20  }
0x72: {  	s19 =	sadd.s32 $0xFFFFFFFD, s13;
	v24 =	vperm.xlane v31, v12;
	v20 =	vsel vm1, $0x1, v2;
	vm1 =	vnez.u8 v21  }
0x73: {  	v23 =	vmov s19;
	v21 =	vmov s13;
	vm0 =	vmand vm1, vm0  }
0x74: {  	s15 =	sadd.s32 $0xFFFFFFFE, s13;
	s17 =	sadd.s32 $0xFFFFFFFB, s13;
	v19 =	vadd.s32 v20, v19;
	vm8 =	vlt.u32 v21, v0;
	v20 =	vsel vm0, $0x1, v2  }
0x75: {  	v21 =	vmov s17;
	v29 =	vadd.s32 v20, v19;
	v19 =	vmov s15  }
0x76: {  	s18 =	sadd.s32 $0xFFFFFFFC, s13;
	vm0 =	vlt.u32 v21, v0;
	vm4 =	vlt.u32 v19, v0;
	v19 =	vimm.s32 $0x0  }
0x77: {  	p0 =	sne.s32 s13, $0xFF;
	vm13 =	vlt.u32 v23, v0;
	v22 =	vmov s18;
	v19 =	vsel vm0, $0xFFFFFFFF, v19  }
.Ltmp0:
0x78: {  	s16 =	sadd.s32 $0xFFFFFFFF, s13;
	v23 =	vperm.xlane v31, v13;
	vm0 =	vlt.u32 v22, v0;
	[tilespmem:$0x1FFD0] =	vst v19;
	v19 =	vimm.s32 $0x0;
	(pc) =	sbr.rel @p0 .LBB2_2-.Ltmp0, $4  }
0x79: {  	v21 =	vperm.xlane v31, v15;
	v20 =	vmov s16;
	v19 =	vsel vm0, $0xFFFFFFFF, v19  }
0x7a: {  	vm9 =	vlt.u32 v20, v0;
	vm0 =	vlt.u32 v26, v0;
	[tilespmem:$0x1FFE0] =	vst v19;
	v19 =	vimm.s32 $0x0  }
0x7b: {  	v20 =	vperm.xlane v31, v16;
	v22 =	vperm.xlane v31, v14;
	v19 =	vsel vm0, $0xFFFFFFFF, v19  }
0x7c: {  	s13 =	sadd.s32 $0x10, s13;
	v26 =	vperm.xlane v31, v10;
	vm0 =	vlt.u32 v63, v0;
	[tilespmem:$0x1FFF0] =	vst v19;
	v19 =	vperm.xlane v31, v17  }
0x7d: {  	v34 =	vperm.xlane v31, v2;
	_ =	sdelay $0x1  }
0x7e: {  	v35 =	vperm.xlane v31, v3;
	vm1 =	vgt.f32 v34, v18  }
0x7f: {  	vm2 =	veq.f32 v34, v18;
	v36 =	vsel vm1, $0x1, v2;
	vm1 =	vlt.u32 v33, v0  }
0x80: {  	v53 =	vperm.xlane v31, v4;
	v31 =	vperm.xlane v31, v5;
	vm1 =	vmand vm1, vm2  }
0x81: {  	vm2 =	vgt.f32 v35, v18;
	v54 =	vsel vm1, $0x1, v2;
	vm1 =	veq.f32 v35, v18  }
0x82: {  	v29 =	vadd.s32 v36, v29;
	v37 =	vsel vm2, $0x1, v2;
	vm1 =	vmand vm14, vm1  }
0x83: {  	vm2 =	vgt.f32 v53, v18;
	v55 =	vsel vm1, $0x1, v2;
	vm1 =	veq.f32 v53, v18  }
0x84: {  	v56 =	vsel vm2, $0x1, v2;
	v29 =	vadd.s32 v54, v29;
	vm1 =	vmand vm11, vm1  }
0x85: {  	v29 =	vadd.s32 v37, v29;
	v57 =	vsel vm1, $0x1, v2;
	vm1 =	veq.f32 v31, v18  }
0x86: {  	vm2 =	vgt.f32 v31, v18;
	v29 =	vadd.s32 v55, v29;
	vm0 =	vmand vm0, vm1  }
0x87: {  	vm1 =	vgt.f32 v32, v18;
	v58 =	vsel vm0, $0x1, v2;
	vm0 =	veq.f32 v32, v18  }
0x88: {  	v31 =	vsel vm2, $0x1, v2;
	v59 =	vsel vm1, $0x1, v2;
	vm1 =	vmand vm12, vm0  }
0x89: {  	v29 =	vadd.s32 v56, v29;
	v60 =	vsel vm1, $0x1, v2;
	vm1 =	vgt.f32 v30, v18  }
0x8a: {  	v29 =	vadd.s32 v57, v29;
	v61 =	vsel vm1, $0x1, v2;
	vm1 =	veq.f32 v30, v18  }
0x8b: {  	v29 =	vadd.s32 v31, v29;
	vm5 =	vmand vm10, vm1  }
0x8c: {  	v29 =	vadd.s32 v58, v29;
	v30 =	vsel vm5, $0x1, v2;
	vm5 =	vgt.f32 v28, v18  }
0x8d: {  	v29 =	vadd.s32 v59, v29;
	v31 =	vsel vm5, $0x1, v2;
	vm5 =	veq.f32 v28, v18  }
0x8e: {  	v28 =	vadd.s32 v60, v29;
	vm3 =	vmand vm3, vm5  }
0x8f: {  	v28 =	vadd.s32 v61, v28;
	v29 =	vsel vm3, $0x1, v2;
	vm3 =	vgt.f32 v27, v18  }
0x90: {  	v28 =	vadd.s32 v30, v28;
	v30 =	vsel vm3, $0x1, v2;
	vm3 =	veq.f32 v27, v18  }
0x91: {  	v27 =	vadd.s32 v31, v28;
	vm3 =	vmand vm6, vm3  }
0x92: {  	v27 =	vadd.s32 v29, v27;
	v28 =	vsel vm3, $0x1, v2;
	vm3 =	vgt.f32 v26, v18  }
0x93: {  	v27 =	vadd.s32 v30, v27;
	v29 =	vsel vm3, $0x1, v2;
	vm3 =	veq.f32 v26, v18  }
0x94: {  	v26 =	vadd.s32 v28, v27;
	vm3 =	vmand vm7, vm3  }
0x95: {  	v26 =	vadd.s32 v29, v26;
	v27 =	vsel vm3, $0x1, v2  }
0x96: {  	vm5 =	vgt.f32 v25, v18;
	vm3 =	veq.f32 v25, v18;
	v25 =	vadd.s32 v27, v26;
	v27 =	vld [tilespmem:$0x1FFF0];
	_ =	sdelay $0x4  }
0x97: {  	v26 =	vsel vm5, $0x1, v2;
	vm5 =	vnez.u8 v27  }
0x98: {  	vm3 =	vmand vm5, vm3  }
0x99: {  	v25 =	vadd.s32 v26, v25;
	v26 =	vsel vm3, $0x1, v2  }
0x9a: {  	vm6 =	vgt.f32 v24, v18;
	vm3 =	veq.f32 v24, v18;
	v24 =	vadd.s32 v26, v25;
	v26 =	vld [tilespmem:$0x1FFD0];
	_ =	sdelay $0x4  }
0x9b: {  	vm5 =	vnez.u8 v26  }
0x9c: {  	v25 =	vsel vm6, $0x1, v2;
	vm3 =	vmand vm5, vm3  }
0x9d: {  	v24 =	vadd.s32 v25, v24;
	v25 =	vsel vm3, $0x1, v2  }
0x9e: {  	s29 =	simm.s32 $0x2;
	vm7 =	vgt.f32 v23, v18;
	vm3 =	veq.f32 v23, v18;
	v23 =	vadd.s32 v25, v24;
	v25 =	vld [tilespmem:$0x1FFE0]  }
0x9f: {  	s30 =	simm.s32 $0x3;
	s31 =	simm.s32 $0x0;
	v62 =	vmov s29  }
0xa0: {  	s28 =	simm.s32 $0x1;
	v63 =	vmov s30;
	v33 =	vmov s31;
	vm11 =	vgt.f32 v19, v18  }
0xa1: {  	vm2 =	vgt.f32 v22, v18;
	vm0 =	vgt.f32 v21, v18;
	v31 =	vmov s28  }
0xa2: {  	s25 =	simm.s32 $0x5;
	s26 =	simm.s32 $0x6;
	vm12 =	vlt.u32 v62, v1;
	vm1 =	vgt.f32 v20, v18;
	vm14 =	vlt.u32 v31, v1  }
0xa3: {  	v28 =	vmov s25;
	v29 =	vmov s26;
	vm5 =	vnez.u8 v25  }
0xa4: {  	vm10 =	vlt.u32 v28, v1;
	v24 =	vsel vm7, $0x1, v2;
	vm3 =	vmand vm5, vm3  }
0xa5: {  	v23 =	vadd.s32 v24, v23;
	v24 =	vsel vm3, $0x1, v2;
	vm3 =	veq.f32 v22, v18  }
0xa6: {  	v22 =	vadd.s32 v24, v23;
	v23 =	vsel vm2, $0x1, v2;
	vm2 =	vmand vm13, vm3  }
0xa7: {  	v22 =	vadd.s32 v23, v22;
	v23 =	vsel vm2, $0x1, v2;
	vm2 =	veq.f32 v21, v18  }
0xa8: {  	v21 =	vadd.s32 v23, v22;
	v22 =	vsel vm0, $0x1, v2;
	vm0 =	vmand vm4, vm2  }
0xa9: {  	v21 =	vadd.s32 v22, v21;
	v22 =	vsel vm0, $0x1, v2;
	vm0 =	veq.f32 v20, v18  }
0xaa: {  	v20 =	vadd.s32 v22, v21;
	v21 =	vsel vm1, $0x1, v2;
	vm0 =	vmand vm9, vm0  }
0xab: {  	v20 =	vadd.s32 v21, v20;
	v21 =	vsel vm0, $0x1, v2;
	vm0 =	veq.f32 v19, v18  }
0xac: {  	s19 =	simm.s32 $0x9;
	v19 =	vsel vm11, $0x1, v2;
	v18 =	vadd.s32 v21, v20;
	vm0 =	vmand vm8, vm0  }
0xad: {  	s24 =	simm.s32 $0x4;
	v26 =	vmov s19;
	v18 =	vadd.s32 v19, v18;
	v19 =	vsel vm0, $0x1, v2  }
0xae: {  	s18 =	simm.s32 $0xC;
	s23 =	simm.s32 $0x8;
	v27 =	vmov s24;
	vm15 =	vlt.u32 v26, v1;
	v18 =	vadd.s32 v19, v18  }
0xaf: {  	s13 =	simm.s32 $0x0;
	s17 =	simm.s32 $0xB;
	v25 =	vimm.s32 $0x0;
	v24 =	vmov s23;
	v23 =	vmov s18;
	[tilespmem:$0x100] =	vst v18  }
0xb0: {  	s15 =	simm.s32 $0xD;
	s16 =	simm.s32 $0xE;
	vm13 =	vlt.u32 v27, v1;
	vm7 =	vlt.u32 v23, v1;
	v22 =	vmov s17;
	v30 =	vld [tilespmem:s13+$0x0]  }
0xb1: {  	s14 =	simm.s32 $0xF;
	vm9 =	vlt.u32 v29, v1;
	v20 =	vmov s15;
	v21 =	vmov s16  }
0xb2: {  	s21 =	simm.s32 $0xA;
	s22 =	simm.s32 $0x7;
	vm8 =	vlt.u32 v22, v1;
	vm6 =	vlt.u32 v20, v1;
	v19 =	vmov s14  }
0xb3: {  	vm4 =	vlt.u32 v19, v1;
	v19 =	vmov s21;
	v18 =	vmov s22  }
0xb4: {  	vm5 =	vlt.u32 v21, v1;
	vm11 =	vlt.u32 v19, v1;
	vm0 =	vlt.u32 v18, v1  }
0xb5: {  	v18 =	vimm.s32 $0x0;
	v20 =	vperm.xlane v30, v16;
	v19 =	vperm.xlane v30, v17  }
0xb6: {  	v18 =	vsel vm0, $0xFFFFFFFF, v18;
	v22 =	vperm.xlane v30, v14;
	v21 =	vperm.xlane v30, v15  }
0xb7: {  	vm0 =	vlt.u32 v24, v1;
	v24 =	vperm.xlane v30, v12;
	v23 =	vperm.xlane v30, v13  }
0xb8: {  	[tilespmem:$0x1FEE0] =	vst v18;
	v18 =	vimm.s32 $0x0;
	v27 =	vperm.xlane v30, v10;
	v26 =	vperm.xlane v30, v11  }
0xb9: {  	v18 =	vsel vm0, $0xFFFFFFFF, v18;
	v29 =	vperm.xlane v30, v8;
	v28 =	vperm.xlane v30, v9  }
0xba: {  	s14 =	simm.s32 $0x1F;
	vm0 =	vlt.u32 v63, v1;
	[tilespmem:$0x1FEF0] =	vst v18;
	v18 =	vld [tilespmem:s5+$0x0];
	v32 =	vperm.xlane v30, v6;
	v31 =	vperm.xlane v30, v7  }
.LBB2_4:
0xbb: {  	v34 =	vimm.s32 $0x0;
	v45 =	vimm.s32 $0x0;
	v46 =	vimm.s32 $0x0  }
0xbc: {  	v47 =	vimm.s32 $0x0;
	v48 =	vimm.s32 $0x0;
	v51 =	vperm.xlane v30, v4  }
0xbd: {  	v49 =	vimm.s32 $0x0;
	v52 =	vperm.xlane v30, v5;
	v35 =	vperm.xlane v30, v2  }
0xbe: {  	v30 =	vperm.xlane v30, v3;
	v36 =	vimm.s32 $0x0;
	v53 =	vimm.s32 $0x0  }
0xbf: {  	v54 =	vimm.s32 $0x0;
	v55 =	vimm.s32 $0x0;
	v34 =	vsel vm15, $0xFFFFFFFF, v34  }
0xc0: {  	v56 =	vimm.s32 $0x0;
	vm1 =	vgt.f32 v19, v18;
	[tilespmem:$0x1FE10] =	vst v34;
	v34 =	vsel vm11, $0xFFFFFFFF, v45  }
0xc1: {  	v57 =	vimm.s32 $0x0;
	v58 =	vimm.s32 $0x0;
	v36 =	vsel vm1, $0xFFFFFFFF, v36;
	[tilespmem:$0x1FE30] =	vst v34  }
0xc2: {  	vm15 =	vgt.f32 v31, v18;
	vm1 =	vgt.f32 v22, v18;
	v34 =	vsel vm8, $0xFFFFFFFF, v46;
	[tilespmem:$0x1FEC0] =	vst v36  }
0xc3: {  	vm2 =	vgt.f32 v35, v18;
	vm11 =	vgt.f32 v51, v18;
	v36 =	vsel vm1, $0xFFFFFFFF, v53;
	[tilespmem:$0x1FE50] =	vst v34  }
0xc4: {  	vm1 =	vgt.f32 v21, v18;
	vm8 =	veq.f32 v35, v18;
	v34 =	vsel vm6, $0xFFFFFFFF, v47;
	[tilespmem:$0x1FE60] =	vst v36  }
0xc5: {  	v59 =	vsel vm2, $0x1, v2;
	v36 =	vsel vm1, $0xFFFFFFFF, v54;
	vm1 =	vgt.f32 v20, v18;
	[tilespmem:$0x1FE90] =	vst v34  }
0xc6: {  	vm6 =	vgt.f32 v32, v18;
	v25 =	vadd.s32 v59, v25;
	v34 =	vsel vm7, $0xFFFFFFFF, v48;
	[tilespmem:$0x1FE80] =	vst v36  }
0xc7: {  	vm7 =	vlt.u32 v33, v1;
	v36 =	vsel vm1, $0xFFFFFFFF, v55;
	vm1 =	vgt.f32 v26, v18;
	[tilespmem:$0x1FE70] =	vst v34  }
0xc8: {  	v34 =	vsel vm5, $0xFFFFFFFF, v49;
	[tilespmem:$0x1FEA0] =	vst v36;
	v36 =	vsel vm1, $0xFFFFFFFF, v56;
	vm1 =	vgt.f32 v24, v18  }
0xc9: {  	vm5 =	vgt.f32 v29, v18;
	vm2 =	vmand vm7, vm8;
	vm7 =	vgt.f32 v30, v18  }
0xca: {  	[tilespmem:$0x1FE00] =	vst v36;
	v36 =	vsel vm1, $0xFFFFFFFF, v57;
	vm1 =	vgt.f32 v23, v18;
	v60 =	vsel vm2, $0x1, v2  }
0xcb: {  	vm2 =	veq.f32 v30, v18;
	v30 =	vsel vm7, $0x1, v2;
	[tilespmem:$0x1FE20] =	vst v36;
	v36 =	vsel vm1, $0xFFFFFFFF, v58  }
0xcc: {  	vm1 =	vgt.f32 v52, v18;
	v25 =	vadd.s32 v60, v25;
	vm2 =	vmand vm14, vm2  }
0xcd: {  	v25 =	vadd.s32 v30, v25;
	v30 =	vsel vm2, $0x1, v2;
	vm2 =	veq.f32 v51, v18  }
0xce: {  	v25 =	vadd.s32 v30, v25;
	v30 =	vsel vm11, $0x1, v2;
	vm2 =	vmand vm12, vm2  }
0xcf: {  	v25 =	vadd.s32 v30, v25;
	v30 =	vsel vm2, $0x1, v2;
	vm2 =	veq.f32 v52, v18  }
0xd0: {  	v25 =	vadd.s32 v30, v25;
	v30 =	vsel vm1, $0x1, v2;
	vm0 =	vmand vm0, vm2  }
0xd1: {  	v25 =	vadd.s32 v30, v25;
	v30 =	vsel vm0, $0x1, v2;
	vm0 =	veq.f32 v32, v18  }
0xd2: {  	v25 =	vadd.s32 v30, v25;
	v30 =	vsel vm6, $0x1, v2;
	vm0 =	vmand vm13, vm0  }
0xd3: {  	v25 =	vadd.s32 v30, v25;
	v30 =	vsel vm0, $0x1, v2;
	vm0 =	veq.f32 v31, v18  }
0xd4: {  	v25 =	vadd.s32 v30, v25;
	v30 =	vsel vm15, $0x1, v2;
	vm0 =	vmand vm10, vm0  }
0xd5: {  	v25 =	vadd.s32 v30, v25;
	v30 =	vsel vm0, $0x1, v2;
	vm0 =	veq.f32 v29, v18  }
0xd6: {  	v29 =	vsel vm5, $0x1, v2;
	v25 =	vadd.s32 v30, v25;
	vm0 =	vmand vm9, vm0  }
0xd7: {  	v25 =	vadd.s32 v29, v25;
	v29 =	vsel vm0, $0x1, v2  }
0xd8: {  	v25 =	vadd.s32 v29, v25;
	v29 =	vld [tilespmem:$0x1FEE0];
	_ =	sdelay $0x2  }
0xd9: {  	v50 =	vimm.s32 $0x0  }
0xda: {  	[tilespmem:$0x1FEB0] =	vst v34;
	v34 =	vsel vm4, $0xFFFFFFFF, v50  }
0xdb: {  	vm4 =	vgt.f32 v28, v18;
	vm0 =	veq.f32 v28, v18;
	vm1 =	vnez.u8 v29  }
0xdc: {  	v28 =	vsel vm4, $0x1, v2;
	vm0 =	vmand vm1, vm0  }
0xdd: {  	v25 =	vadd.s32 v28, v25;
	v28 =	vsel vm0, $0x1, v2  }
0xde: {  	v25 =	vadd.s32 v28, v25;
	v28 =	vld [tilespmem:$0x1FEF0];
	_ =	sdelay $0x4  }
0xdf: {  	vm3 =	vgt.f32 v27, v18;
	vm0 =	veq.f32 v27, v18;
	vm1 =	vnez.u8 v28  }
0xe0: {  	v27 =	vsel vm3, $0x1, v2;
	vm0 =	vmand vm1, vm0  }
0xe1: {  	v25 =	vadd.s32 v27, v25;
	v27 =	vsel vm0, $0x1, v2;
	vm0 =	veq.f32 v26, v18;
	v26 =	vld [tilespmem:$0x1FE00]  }
0xe2: {  	v25 =	vadd.s32 v27, v25;
	v27 =	vld [tilespmem:$0x1FE10];
	_ =	sdelay $0x3  }
0xe3: {  	vm1 =	vnez.u8 v26  }
0xe4: {  	v26 =	vsel vm1, $0x1, v2;
	vm1 =	vnez.u8 v27  }
0xe5: {  	vm0 =	vmand vm1, vm0  }
0xe6: {  	v25 =	vadd.s32 v26, v25;
	v26 =	vsel vm0, $0x1, v2  }
0xe7: {  	vm0 =	veq.f32 v24, v18;
	v24 =	vadd.s32 v26, v25;
	v25 =	vld [tilespmem:$0x1FE20]  }
0xe8: {  	v26 =	vld [tilespmem:$0x1FE30];
	_ =	sdelay $0x3  }
0xe9: {  	vm1 =	vnez.u8 v25  }
0xea: {  	v25 =	vsel vm1, $0x1, v2;
	vm1 =	vnez.u8 v26  }
0xeb: {  	vm0 =	vmand vm1, vm0  }
0xec: {  	[tilespmem:$0x1FE40] =	vst v36;
	v24 =	vadd.s32 v25, v24;
	v25 =	vsel vm0, $0x1, v2  }
0xed: {  	vm0 =	veq.f32 v23, v18;
	v23 =	vadd.s32 v25, v24;
	v24 =	vld [tilespmem:$0x1FE40]  }
0xee: {  	v25 =	vld [tilespmem:$0x1FE50];
	_ =	sdelay $0x3  }
0xef: {  	vm1 =	vnez.u8 v24  }
0xf0: {  	v24 =	vsel vm1, $0x1, v2;
	vm1 =	vnez.u8 v25  }
0xf1: {  	vm0 =	vmand vm1, vm0  }
0xf2: {  	v23 =	vadd.s32 v24, v23;
	v24 =	vsel vm0, $0x1, v2  }
0xf3: {  	vm0 =	veq.f32 v22, v18;
	v22 =	vadd.s32 v24, v23;
	v23 =	vld [tilespmem:$0x1FE60]  }
0xf4: {  	v24 =	vld [tilespmem:$0x1FE70];
	_ =	sdelay $0x3  }
0xf5: {  	vm1 =	vnez.u8 v23  }
0xf6: {  	v23 =	vsel vm1, $0x1, v2;
	vm1 =	vnez.u8 v24  }
0xf7: {  	vm0 =	vmand vm1, vm0  }
0xf8: {  	v22 =	vadd.s32 v23, v22;
	v23 =	vsel vm0, $0x1, v2  }
0xf9: {  	vm0 =	veq.f32 v21, v18;
	v21 =	vadd.s32 v23, v22;
	v22 =	vld [tilespmem:$0x1FE80]  }
0xfa: {  	v23 =	vld [tilespmem:$0x1FE90];
	_ =	sdelay $0x3  }
0xfb: {  	vm1 =	vnez.u8 v22  }
0xfc: {  	v22 =	vsel vm1, $0x1, v2;
	vm1 =	vnez.u8 v23  }
0xfd: {  	vm0 =	vmand vm1, vm0  }
0xfe: {  	v21 =	vadd.s32 v22, v21;
	v22 =	vsel vm0, $0x1, v2  }
0xff: {  	vm0 =	veq.f32 v20, v18;
	v20 =	vadd.s32 v22, v21;
	v21 =	vld [tilespmem:$0x1FEA0]  }
0x100: {  	s13 =	sadd.s32 $0x10, s13;
	v22 =	vld [tilespmem:$0x1FEB0]  }
0x101: {  	s28 =	sadd.s32 $0xFFFFFFF2, s14;
	s29 =	sadd.s32 $0xFFFFFFF3, s14;
	v30 =	vld [tilespmem:s13+$0x0]  }
0x102: {  	s30 =	sadd.s32 $0xFFFFFFF4, s14;
	s31 =	sadd.s32 $0xFFFFFFF1, s14;
	v61 =	vmov s28;
	v62 =	vmov s29  }
0x103: {  	s26 =	sadd.s32 $0xFFFFFFF7, s14;
	v63 =	vmov s30;
	v33 =	vmov s31;
	vm14 =	vlt.u32 v61, v1  }
0x104: {  	vm12 =	vlt.u32 v62, v1;
	v31 =	vmov s26;
	vm1 =	vnez.u8 v21  }
0x105: {  	vm9 =	vlt.u32 v31, v1;
	v21 =	vsel vm1, $0x1, v2;
	vm1 =	vnez.u8 v22  }
0x106: {  	s25 =	sadd.s32 $0xFFFFFFF6, s14;
	v32 =	vperm.xlane v30, v6;
	v31 =	vperm.xlane v30, v7;
	vm0 =	vmand vm1, vm0  }
0x107: {  	v29 =	vmov s25;
	v20 =	vadd.s32 v21, v20;
	v21 =	vsel vm0, $0x1, v2  }
0x108: {  	s20 =	sadd.s32 $0xFFFFFFFA, s14;
	s24 =	sadd.s32 $0xFFFFFFF5, s14;
	[tilespmem:$0x1FED0] =	vst v34;
	vm10 =	vlt.u32 v29, v1;
	vm0 =	veq.f32 v19, v18;
	v19 =	vadd.s32 v21, v20;
	v20 =	vld [tilespmem:$0x1FEC0]  }
0x109: {  	v29 =	vperm.xlane v30, v8;
	v28 =	vmov s24;
	v27 =	vmov s20;
	v21 =	vld [tilespmem:$0x1FED0]  }
0x10a: {  	s19 =	sadd.s32 $0xFFFFFFFD, s14;
	s23 =	sadd.s32 $0xFFFFFFF9, s14;
	vm13 =	vlt.u32 v28, v1;
	v28 =	vperm.xlane v30, v9;
	vm15 =	vlt.u32 v27, v1  }
0x10b: {  	s18 =	sadd.s32 $0xFFFFFFFC, s14;
	s22 =	sadd.s32 $0xFFFFFFF8, s14;
	v27 =	vperm.xlane v30, v10;
	v26 =	vmov s23;
	v23 =	vmov s19  }
0x10c: {  	v24 =	vmov s22;
	vm7 =	vlt.u32 v23, v1;
	v22 =	vmov s18  }
0x10d: {  	v23 =	vperm.xlane v30, v13;
	vm8 =	vlt.u32 v22, v1;
	vm1 =	vnez.u8 v20  }
0x10e: {  	v22 =	vperm.xlane v30, v14;
	v20 =	vsel vm1, $0x1, v2;
	vm1 =	vnez.u8 v21  }
0x10f: {  	s17 =	sadd.s32 $0xFFFFFFFB, s14;
	v21 =	vmov s14;
	vm0 =	vmand vm1, vm0;
	v19 =	vadd.s32 v20, v19  }
0x110: {  	s15 =	sadd.s32 $0xFFFFFFFE, s14;
	vm4 =	vlt.u32 v21, v1;
	v21 =	vmov s17;
	v20 =	vsel vm0, $0x1, v2  }
0x111: {  	p0 =	sne.s32 s14, $0xFF;
	vm11 =	vlt.u32 v21, v1;
	v25 =	vadd.s32 v20, v19;
	v19 =	vmov s15  }
.Ltmp1:
0x112: {  	vm0 =	vlt.u32 v24, v1;
	vm6 =	vlt.u32 v19, v1;
	v19 =	vimm.s32 $0x0;
	(pc) =	sbr.rel @p0 .LBB2_4-.Ltmp1, $4  }
0x113: {  	s16 =	sadd.s32 $0xFFFFFFFF, s14;
	v21 =	vperm.xlane v30, v15;
	v24 =	vperm.xlane v30, v12;
	v19 =	vsel vm0, $0xFFFFFFFF, v19  }
0x114: {  	v20 =	vmov s16;
	vm0 =	vlt.u32 v26, v1;
	[tilespmem:$0x1FEE0] =	vst v19;
	v19 =	vimm.s32 $0x0  }
0x115: {  	vm5 =	vlt.u32 v20, v1;
	v20 =	vperm.xlane v30, v16;
	v19 =	vsel vm0, $0xFFFFFFFF, v19  }
0x116: {  	s14 =	sadd.s32 $0x10, s14;
	v26 =	vperm.xlane v30, v11;
	vm0 =	vlt.u32 v63, v1;
	[tilespmem:$0x1FEF0] =	vst v19;
	v19 =	vperm.xlane v30, v17  }
0x117: {  	v34 =	vperm.xlane v30, v2  }
0x118: {  	v57 =	vperm.xlane v30, v5  }
0x119: {  	v35 =	vperm.xlane v30, v3;
	vm1 =	vgt.f32 v34, v18;
	vm2 =	veq.f32 v34, v18  }
0x11a: {  	vm3 =	veq.f32 v57, v18;
	v36 =	vsel vm1, $0x1, v2;
	vm1 =	vlt.u32 v33, v1  }
0x11b: {  	v55 =	vperm.xlane v30, v4;
	vm0 =	vmand vm0, vm3;
	vm1 =	vmand vm1, vm2  }
0x11c: {  	vm2 =	vgt.f32 v35, v18;
	v25 =	vadd.s32 v36, v25;
	v61 =	vsel vm0, $0x1, v2  }
0x11d: {  	v56 =	vsel vm1, $0x1, v2;
	v37 =	vsel vm2, $0x1, v2;
	vm1 =	veq.f32 v35, v18  }
0x11e: {  	vm1 =	vmand vm14, vm1;
	vm14 =	vgt.f32 v55, v18;
	v25 =	vadd.s32 v56, v25  }
0x11f: {  	v58 =	vsel vm1, $0x1, v2;
	vm1 =	veq.f32 v55, v18;
	v59 =	vsel vm14, $0x1, v2  }
0x120: {  	vm14 =	vgt.f32 v57, v18;
	v25 =	vadd.s32 v37, v25;
	vm1 =	vmand vm12, vm1  }
0x121: {  	v38 =	vsel vm14, $0x1, v2;
	vm14 =	vgt.f32 v32, v18;
	vm12 =	veq.f32 v32, v18  }
0x122: {  	v43 =	vld [tilespmem:$0x1FEE0];
	v25 =	vadd.s32 v58, v25;
	v60 =	vsel vm1, $0x1, v2;
	v62 =	vsel vm14, $0x1, v2  }
0x123: {  	vm0 =	vmand vm13, vm12;
	vm13 =	vgt.f32 v31, v18;
	vm14 =	veq.f32 v31, v18  }
0x124: {  	v25 =	vadd.s32 v59, v25;
	vm12 =	vgt.f32 v29, v18;
	v63 =	vsel vm0, $0x1, v2  }
0x125: {  	v37 =	vsel vm13, $0x1, v2;
	vm0 =	vmand vm10, vm14;
	v25 =	vadd.s32 v60, v25  }
0x126: {  	v46 =	vld [tilespmem:$0x1FEF0];
	v40 =	vsel vm12, $0x1, v2;
	vm13 =	veq.f32 v29, v18;
	vm14 =	vgt.f32 v28, v18  }
0x127: {  	vm10 =	vnez.u8 v43;
	vm12 =	vgt.f32 v27, v18;
	v25 =	vadd.s32 v38, v25  }
0x128: {  	v39 =	vsel vm0, $0x1, v2;
	vm0 =	vmand vm9, vm13;
	v25 =	vadd.s32 v61, v25  }
0x129: {  	vm9 =	veq.f32 v28, v18;
	v42 =	vsel vm14, $0x1, v2;
	v25 =	vadd.s32 v62, v25  }
0x12a: {  	v45 =	vsel vm12, $0x1, v2;
	vm13 =	veq.f32 v27, v18;
	v25 =	vadd.s32 v63, v25  }
0x12b: {  	vm14 =	vnez.u8 v46;
	vm12 =	vgt.f32 v24, v18;
	v25 =	vadd.s32 v37, v25  }
0x12c: {  	v41 =	vsel vm0, $0x1, v2;
	vm0 =	vmand vm10, vm9;
	v25 =	vadd.s32 v39, v25  }
0x12d: {  	vm9 =	vgt.f32 v26, v18;
	vm10 =	veq.f32 v26, v18;
	v25 =	vadd.s32 v40, v25  }
0x12e: {  	v50 =	vsel vm12, $0x1, v2;
	vm12 =	vgt.f32 v20, v18;
	v25 =	vadd.s32 v41, v25  }
0x12f: {  	v44 =	vsel vm0, $0x1, v2;
	vm0 =	vmand vm14, vm13;
	v25 =	vadd.s32 v42, v25  }
0x130: {  	v48 =	vsel vm9, $0x1, v2;
	vm13 =	veq.f32 v24, v18;
	v25 =	vadd.s32 v44, v25  }
0x131: {  	vm14 =	vgt.f32 v23, v18;
	v47 =	vsel vm0, $0x1, v2;
	v25 =	vadd.s32 v45, v25  }
0x132: {  	vm9 =	veq.f32 v22, v18;
	vm0 =	vmand vm15, vm10;
	v51 =	vadd.s32 v47, v25  }
0x133: {  	v60 =	vsel vm12, $0x1, v2;
	v49 =	vsel vm0, $0x1, v2;
	v24 =	vadd.s32 v48, v51  }
0x134: {  	vm15 =	veq.f32 v23, v18;
	vm0 =	vmand vm11, vm13;
	v24 =	vadd.s32 v49, v24  }
0x135: {  	v53 =	vsel vm14, $0x1, v2;
	v52 =	vsel vm0, $0x1, v2;
	v24 =	vadd.s32 v50, v24  }
0x136: {  	vm10 =	vgt.f32 v21, v18;
	vm0 =	vmand vm8, vm15;
	v24 =	vadd.s32 v52, v24  }
0x137: {  	vm8 =	vgt.f32 v22, v18;
	v54 =	vsel vm0, $0x1, v2;
	v56 =	vadd.s32 v53, v24  }
0x138: {  	v55 =	vsel vm8, $0x1, v2;
	vm0 =	vmand vm7, vm9;
	v22 =	vadd.s32 v54, v56  }
0x139: {  	vm11 =	veq.f32 v21, v18;
	v57 =	vsel vm0, $0x1, v2;
	v22 =	vadd.s32 v55, v22  }
0x13a: {  	v58 =	vsel vm10, $0x1, v2;
	vm0 =	vmand vm6, vm11;
	v22 =	vadd.s32 v57, v22  }
0x13b: {  	vm13 =	veq.f32 v20, v18;
	v59 =	vsel vm0, $0x1, v2;
	v21 =	vadd.s32 v58, v22  }
0x13c: {  	vm14 =	vgt.f32 v19, v18;
	vm0 =	vmand vm5, vm13;
	v61 =	vadd.s32 v59, v21  }
0x13d: {  	vm15 =	veq.f32 v19, v18;
	v62 =	vsel vm0, $0x1, v2;
	v20 =	vadd.s32 v60, v61  }
0x13e: {  	v18 =	vsel vm14, $0x1, v2;
	vm0 =	vmand vm4, vm15;
	v19 =	vadd.s32 v62, v20  }
0x13f: {  	s12 =	sadd.s32 $0x1, s12;
	v63 =	vsel vm0, $0x1, v2;
	v18 =	vadd.s32 v18, v19  }
0x140: {  	p0 =	sne.s32 s12, s7;
	v18 =	vadd.s32 v63, v18  }
.Ltmp2:
0x141: {  	[tilespmem:$0x110] =	vst v18;
	(pc) =	sbr.rel @p0 .LBB2_1-.Ltmp2, $4  }
0x142: {  	[hbm4b:s6+s2] =	stream.linear.scatter [tilespmem:s11], [sflag:$0x1], $0x20, $0x38;
	[tilespmem:$0x180] =	vst v63  }
0x143: {  	_ =	swait.ge [sflag:s10], $0x20  }
0x144: {  	[sflag:s10] =	ssyncset.done $0x0  }
0x145: {  	[sflag:s10] =	ssyncadd.s32 $0xFFFFFFE0  }
0x146: {  	_ =	sfence.sel $0x180000  }
0x147: {  	[bflag:$0x0] =	sbarrier.arrive $0xFFFF  }
0x148: {  	p0 =	sne.s32 s0, $0x0;
	_ =	strace $0x90000047  }
0x149: {  	s0 =	sadd.s32 @!p0 $0x100000, s1;
	[bflag:$0x2] =	sbarrier.arrive $0xFFFF  }
0x14a: {  	[sflag:s0] =	ssyncadd.tile.s32 @!p0 $0x1;
	_ =	shalt  }
.Lfunc_end2:
_tile_overlayer_lowered:
.L_overlay_start_2:
0x14b: {  	(tag) =	ssettag $0x2  }
0x14c: {  	s0 =	rddreg [dreg:$0x0];
	s2 =	stileid.u32  }
0x14d: {  	s1 =	rddreg [dreg:$0x1];
	p0 =	sne.s32 s2, $0x0  }
0x14e: {  	s3 =	rddreg [dreg:$0x2];
	[bflag:$0x3] =	sbarrier.arrive $0xFFFF;
	s2 =	simm.s32 @!p0 $0x1C01  }
0x14f: {  	[timem:s3], [sflag:s2] =	dma.local @!p0 [hbm:s0], s1  }
0x150: {  	s0 =	simm.s32 @!p0 $0x1  }
0x151: {  	_ =	swait.ge @!p0 [sflag:s0], s1  }
0x152: {  	s1 =	ssub.s32 @!p0 $0x0, s1;
	[sflag:s0] =	ssyncset.done @!p0 $0x0  }
0x153: {  	[sflag:s0] =	ssyncadd.s32 @!p0 s1  }
0x154: {  	[bflag:$0x3] =	sbarrier.arrive $0xFFFF  }
0x155: {  	_ =	shalt  }

</sc_bundles>
